<compile_context>
chip_gen: v7x
topology: tpu7x:2x2x1
jax: 0.10.2.dev20260603
libtpu: 0.0.44.dev20260713+nightly
codegen_flags: <defaults>
</compile_context>

<pallas_src>
import dataclasses

import jax
import jax.numpy as jnp
from jax.experimental import pallas as pl
from jax.experimental.pallas import tpu as pltpu
from jax.experimental.pallas import tpu_sc as plsc

NUM_ACT = 96
SIZE = 257
INV_GRID = 32.0
HALF = 128
TAB_N = NUM_ACT * SIZE

LANES = 16
BH = 112
BW = 128


def kernel(x, coefficients_vect):
    b, c, h, w = x.shape
    rows = b * c
    hb = h // BH
    wb = pl.cdiv(w, BW)
    base = ((jnp.arange(rows, dtype=jnp.int32) % NUM_ACT) * SIZE).astype(jnp.float32)
    base_arr = jnp.broadcast_to(base[:, None], (rows, LANES))
    slope_vect = jnp.concatenate(
        [coefficients_vect[1:] - coefficients_vect[:-1],
         jnp.zeros((1,), jnp.float32)]
    )

    mesh = plsc.VectorSubcoreMesh(core_axis_name="core", subcore_axis_name="subcore")
    cp = pltpu.CompilerParams(use_tc_tiling_on_sc=True)
    if "needs_layout_passes" in pltpu.CompilerParams.__dataclass_fields__:
        cp = dataclasses.replace(cp, needs_layout_passes=False)

    @pl.kernel(
        out_type=jax.ShapeDtypeStruct((b, c, h, w), jnp.float32),
        mesh=mesh,
        scratch_types=[
            pltpu.VMEM((TAB_N,), jnp.float32),
            pltpu.VMEM((TAB_N,), jnp.float32),
        ],
        compiler_params=cp,
    )
    def spline_kernel(x_hbm, base_hbm, coeff_hbm, slope_hbm, o_hbm, tab_v, slp_v):
        pltpu.sync_copy(coeff_hbm, tab_v)
        pltpu.sync_copy(slope_hbm, slp_v)

        def body(x_vmem, base_vmem, o_vmem):
            lo = base_vmem[0, :]
            bw_off = lo + jnp.float32(HALF)
            hi = lo + jnp.float32(2 * HALF - 1)

            @plsc.parallel_loop(0, BH * BW, step=LANES, unroll=8)
            def _(k):
                s = k // BW
                l = k % BW
                xv = x_vmem[0, 0, s, pl.ds(l, LANES)]
                wv = xv * INV_GRID + bw_off
                z = jnp.minimum(jnp.maximum(wv, lo), hi)
                i = z.astype(jnp.int32)
                frac = wv - i.astype(jnp.float32)
                idx = jax.lax.bitcast_convert_type(
                    jnp.minimum(
                        jax.lax.bitcast_convert_type(i, jnp.uint32),
                        jnp.uint32(TAB_N - 1),
                    ),
                    jnp.int32,
                )
                c0 = plsc.load_gather(tab_v, [idx])
                s0 = plsc.load_gather(slp_v, [idx])
                o_vmem[0, 0, s, pl.ds(l, LANES)] = c0 + frac * s0

        pltpu.emit_pipeline(
            body,
            grid=(rows * hb * wb,),
            in_specs=[
                pl.BlockSpec(
                    (1, 1, BH, BW),
                    lambda j: (
                        j // (NUM_ACT * hb * wb),
                        (j // (hb * wb)) % NUM_ACT,
                        (j % (hb * wb)) // wb,
                        j % wb,
                    ),
                ),
                pl.BlockSpec((1, LANES), lambda j: (j // (hb * wb), 0)),
            ],
            out_specs=[
                pl.BlockSpec(
                    (1, 1, BH, BW),
                    lambda j: (
                        j // (NUM_ACT * hb * wb),
                        (j // (hb * wb)) % NUM_ACT,
                        (j % (hb * wb)) // wb,
                        j % wb,
                    ),
                )
            ],
            core_axis_name=("core", "subcore"),
            dimension_semantics=(pltpu.PARALLEL,),
        )(x_hbm, base_hbm, o_hbm)

    out = spline_kernel(x, base_arr, coefficients_vect, slope_vect)
    return out

# --- scband reference (transcript-rebuilt; emitter-appended) ---
"""Pipeline reference for scband-linear-spline-67302137528862 (READ-ONLY COPY).

The authoritative reference and input builder live on the scoring server;
editing this copy changes nothing except your own understanding.
"""

import jax, jax.numpy as jnp
import numpy as np

NUM_ACT = 96
SIZE = 257
RANGE = 4.0
GRID = 2.0 * RANGE / (SIZE - 1)


def setup_inputs(seed: int = 0) -> dict:
    key = jax.random.key(seed)
    k1, _ = jax.random.split(key)
    x = jax.random.normal(k1, (8, 96, 224, 224), dtype=jnp.float32)
    # grid_tensor: knot locations, shape (num_activations, size)
    grid_tensor = jnp.tile(
        jnp.linspace(-RANGE, RANGE, SIZE, dtype=jnp.float32)[None, :], (NUM_ACT, 1)
    )
    # init='relu' -> coefficients = relu(grid_tensor)
    coefficients = jnp.maximum(grid_tensor, 0.0)
    coefficients_vect = coefficients.reshape(-1)
    return {"x": x, "coefficients_vect": coefficients_vect}


def reference(x, coefficients_vect):
    size = SIZE
    grid = jnp.float32(GRID)
    # zero_knot_indexes: offset of the center knot of each activation in the flat vector
    zero_knot_indexes = jnp.arange(NUM_ACT, dtype=jnp.int32) * size + size // 2
    # odd size -> even=False branch of LinearSpline_Func
    max_range = grid * (size // 2 - 1)
    x_clamped = jnp.clip(x, -grid * (size // 2), max_range)
    floored_x = jnp.floor(x_clamped / grid)
    fracs = x / grid - floored_x
    indexes = (zero_knot_indexes.reshape(1, -1, 1, 1).astype(jnp.float32) + floored_x).astype(jnp.int32)
    activation_output = (
        coefficients_vect[indexes + 1] * fracs
        + coefficients_vect[indexes] * (1.0 - fracs)
    )
    return activation_output

if __name__ == "__main__":
    import jax
    _d = setup_inputs()
    print(jax.jit(kernel)(*tuple(_d.values())))

</pallas_src>

<mosaic_0001>
#map = affine_map<(d0, d1) -> (0, 0, 0, 0)>
#map1 = affine_map<(d0, d1) -> (0, 0)>
#map2 = affine_map<(d0, d1) -> (0)>
module attributes {stable_mosaic.version = 14 : i64} {
  func.func @spline_kernel(%arg0: i32, %arg1: i32, %arg2: memref<8x96x224x224xf32, #tpu.memory_space<hbm>>, %arg3: memref<768x16xf32, #tpu.memory_space<hbm>>, %arg4: memref<24672xf32, #tpu.memory_space<hbm>>, %arg5: memref<24672xf32, #tpu.memory_space<hbm>>, %arg6: memref<8x96x224x224xf32, #tpu.memory_space<hbm>>, %arg7: memref<24672xf32, #tpu.memory_space<vmem>>, %arg8: memref<24672xf32, #tpu.memory_space<vmem>>) attributes {dimension_semantics = [#tpu.dimension_semantics<core_parallel>, #tpu.dimension_semantics<subcore_parallel>], iteration_bounds = array<i64: 2, 16>, scalar_prefetch = 0 : i64, scratch_operands = 2 : i64, tpu.core_type = #tpu.core_type<sc_vector_subcore>, window_params = [{transform_indices = #map}, {transform_indices = #map1}, {transform_indices = #map2}, {transform_indices = #map2}, {transform_indices = #map}]} {
    "tpu.region"() ({
      %run_scoped3A = tpu.sem_alloc : memref<!tpu.dma_semaphore, #tpu.memory_space<semaphore_mem>>
      tpu.enqueue_dma source(%arg4 : memref<24672xf32, #tpu.memory_space<hbm>>) target(%arg7 : memref<24672xf32, #tpu.memory_space<vmem>>) target_semaphore(%run_scoped3A : memref<!tpu.dma_semaphore, #tpu.memory_space<semaphore_mem>>)
      tpu.wait_dma2 semaphore(%run_scoped3A : memref<!tpu.dma_semaphore, #tpu.memory_space<semaphore_mem>>) src(%arg4 : memref<24672xf32, #tpu.memory_space<hbm>>) dst(%arg7 : memref<24672xf32, #tpu.memory_space<vmem>>)
      tpu.yield
    }) : () -> ()
    "tpu.region"() ({
      %run_scoped3A = tpu.sem_alloc : memref<!tpu.dma_semaphore, #tpu.memory_space<semaphore_mem>>
      tpu.enqueue_dma source(%arg5 : memref<24672xf32, #tpu.memory_space<hbm>>) target(%arg8 : memref<24672xf32, #tpu.memory_space<vmem>>) target_semaphore(%run_scoped3A : memref<!tpu.dma_semaphore, #tpu.memory_space<semaphore_mem>>)
      tpu.wait_dma2 semaphore(%run_scoped3A : memref<!tpu.dma_semaphore, #tpu.memory_space<semaphore_mem>>) src(%arg5 : memref<24672xf32, #tpu.memory_space<hbm>>) dst(%arg8 : memref<24672xf32, #tpu.memory_space<vmem>>)
      tpu.yield
    }) : () -> ()
    %mul3A = arith.constant 1 : i32
    %mul3A_0 = arith.muli %arg1, %mul3A : i32
    %add3A = arith.constant 0 : i32
    %add3A_1 = arith.addi %add3A, %mul3A_0 : i32
    %mul3A_2 = arith.constant 16 : i32
    %mul3A_3 = arith.muli %arg0, %mul3A_2 : i32
    %add3A_4 = arith.addi %add3A_1, %mul3A_3 : i32
    %mul3A_5 = arith.constant 96 : i32
    %mul3A_6 = arith.muli %add3A_4, %mul3A_5 : i32
    "tpu.region"() ({
      %run_scoped3A = memref.alloca() : memref<2x1x1x112x128xf32, #tpu.memory_space<vmem>>
      %run_scoped3A_7 = tpu.sem_alloc : memref<2x!tpu.dma_semaphore, #tpu.memory_space<semaphore_mem>>
      %run_scoped3A_8 = memref.alloca() : memref<2x1x16xf32, #tpu.memory_space<vmem>>
      %run_scoped3A_9 = tpu.sem_alloc : memref<2x!tpu.dma_semaphore, #tpu.memory_space<semaphore_mem>>
      %run_scoped3A_10 = memref.alloca() : memref<2x1x1x112x128xf32, #tpu.memory_space<vmem>>
      %run_scoped3A_11 = tpu.sem_alloc : memref<2x!tpu.dma_semaphore, #tpu.memory_space<semaphore_mem>>
      %add3A_12 = arith.constant 0 : i32
      %add3A_13 = arith.addi %add3A_12, %mul3A_6 : i32
      %select_n3A = arith.constant true
      %select_n3A_14 = arith.constant 0 : i32
      %select_n3A_15 = arith.constant -1 : i32
      %select_n3A_16 = arith.select %select_n3A, %select_n3A_15, %select_n3A_14 : i32
      %eq3A = arith.constant -1 : i32
      %eq3A_17 = arith.cmpi eq, %select_n3A_16, %eq3A : i32
      %select_n3A_18 = arith.constant 95 : i32
      %select_n3A_19 = arith.select %eq3A_17, %select_n3A_18, %select_n3A_16 : i32
      %add3A_20 = arith.addi %select_n3A_19, %mul3A_6 : i32
      %select_n3A_21 = arith.constant true
      %select_n3A_22 = arith.constant 0 : i32
      %select_n3A_23 = arith.constant 1 : i32
      %select_n3A_24 = arith.select %select_n3A_21, %select_n3A_23, %select_n3A_22 : i32
      %eq3A_25 = arith.constant 96 : i32
      %eq3A_26 = arith.cmpi eq, %select_n3A_24, %eq3A_25 : i32
      %select_n3A_27 = arith.constant 0 : i32
      %select_n3A_28 = arith.select %eq3A_26, %select_n3A_27, %select_n3A_24 : i32
      %add3A_29 = arith.addi %select_n3A_28, %mul3A_6 : i32
      %add3A_30 = arith.constant 1 : i32
      %add3A_31 = arith.addi %select_n3A_28, %add3A_30 : i32
      %select_n3A_32 = arith.constant true
      %select_n3A_33 = arith.select %select_n3A_32, %add3A_31, %select_n3A_28 : i32
      %eq3A_34 = arith.constant 96 : i32
      %eq3A_35 = arith.cmpi eq, %select_n3A_33, %eq3A_34 : i32
      %select_n3A_36 = arith.constant 0 : i32
      %select_n3A_37 = arith.select %eq3A_35, %select_n3A_36, %select_n3A_33 : i32
      %add3A_38 = arith.addi %select_n3A_37, %mul3A_6 : i32
      "tpu.trace_start"() <{level = 10 : i32, message = "ep_initialize_0"}> : () -> ()
      %rem3A = arith.constant 0 : i32
      %rem3A_39 = arith.constant 2 : i32
      %rem3A_40 = arith.remui %rem3A, %rem3A_39 : i32
      %jit3A = arith.constant 384 : i32
      %div3A = arith.divsi %add3A_13, %jit3A : i32
      %sign3A = arith.constant 0 : i32
      %sign3A_41 = arith.cmpi sgt, %add3A_13, %sign3A : i32
      %sign3A_42 = arith.extui %sign3A_41 : i1 to i32
      %sign3A_43 = arith.constant 0 : i32
      %sign3A_44 = arith.cmpi slt, %add3A_13, %sign3A_43 : i32
      %sign3A_45 = arith.extui %sign3A_44 : i1 to i32
      %sign3A_46 = arith.subi %sign3A_42, %sign3A_45 : i32
      %sign3A_47 = arith.constant 0 : i32
      %sign3A_48 = arith.cmpi sgt, %jit3A, %sign3A_47 : i32
      %sign3A_49 = arith.extui %sign3A_48 : i1 to i32
      %sign3A_50 = arith.constant 0 : i32
      %sign3A_51 = arith.cmpi slt, %jit3A, %sign3A_50 : i32
      %sign3A_52 = arith.extui %sign3A_51 : i1 to i32
      %sign3A_53 = arith.subi %sign3A_49, %sign3A_52 : i32
      %ne3A = arith.cmpi ne, %sign3A_46, %sign3A_53 : i32
      %rem3A_54 = arith.remsi %add3A_13, %jit3A : i32
      %ne3A_55 = arith.constant 0 : i32
      %ne3A_56 = arith.cmpi ne, %rem3A_54, %ne3A_55 : i32
      %and3A = arith.andi %ne3A, %ne3A_56 : i1
      %sub3A = arith.constant 1 : i32
      %sub3A_57 = arith.subi %div3A, %sub3A : i32
      %select_n3A_58 = arith.select %and3A, %sub3A_57, %div3A : i32
      %jit3A_59 = arith.constant 4 : i32
      %div3A_60 = arith.divsi %add3A_13, %jit3A_59 : i32
      %sign3A_61 = arith.constant 0 : i32
      %sign3A_62 = arith.cmpi sgt, %add3A_13, %sign3A_61 : i32
      %sign3A_63 = arith.extui %sign3A_62 : i1 to i32
      %sign3A_64 = arith.constant 0 : i32
      %sign3A_65 = arith.cmpi slt, %add3A_13, %sign3A_64 : i32
      %sign3A_66 = arith.extui %sign3A_65 : i1 to i32
      %sign3A_67 = arith.subi %sign3A_63, %sign3A_66 : i32
      %sign3A_68 = arith.constant 0 : i32
      %sign3A_69 = arith.cmpi sgt, %jit3A_59, %sign3A_68 : i32
      %sign3A_70 = arith.extui %sign3A_69 : i1 to i32
      %sign3A_71 = arith.constant 0 : i32
      %sign3A_72 = arith.cmpi slt, %jit3A_59, %sign3A_71 : i32
      %sign3A_73 = arith.extui %sign3A_72 : i1 to i32
      %sign3A_74 = arith.subi %sign3A_70, %sign3A_73 : i32
      %ne3A_75 = arith.cmpi ne, %sign3A_67, %sign3A_74 : i32
      %rem3A_76 = arith.remsi %add3A_13, %jit3A_59 : i32
      %ne3A_77 = arith.constant 0 : i32
      %ne3A_78 = arith.cmpi ne, %rem3A_76, %ne3A_77 : i32
      %and3A_79 = arith.andi %ne3A_75, %ne3A_78 : i1
      %sub3A_80 = arith.constant 1 : i32
      %sub3A_81 = arith.subi %div3A_60, %sub3A_80 : i32
      %select_n3A_82 = arith.select %and3A_79, %sub3A_81, %div3A_60 : i32
      %jit3A_83 = arith.constant 96 : i32
      %eq3A_84 = arith.constant 0 : i32
      %eq3A_85 = arith.cmpi eq, %jit3A_83, %eq3A_84 : i32
      %jit3A_86 = arith.constant 1 : i32
      %select_n3A_87 = arith.select %eq3A_85, %jit3A_86, %jit3A_83 : i32
      %rem3A_88 = arith.remsi %select_n3A_82, %select_n3A_87 : i32
      %ne3A_89 = arith.constant 0 : i32
      %ne3A_90 = arith.cmpi ne, %rem3A_88, %ne3A_89 : i32
      %lt3A = arith.constant 0 : i32
      %lt3A_91 = arith.cmpi slt, %rem3A_88, %lt3A : i32
      %lt3A_92 = arith.constant 0 : i32
      %lt3A_93 = arith.cmpi slt, %select_n3A_87, %lt3A_92 : i32
      %ne3A_94 = arith.xori %lt3A_91, %lt3A_93 : i1
      %and3A_95 = arith.andi %ne3A_94, %ne3A_90 : i1
      %add3A_96 = arith.addi %rem3A_88, %select_n3A_87 : i32
      %select_n3A_97 = arith.select %and3A_95, %add3A_96, %rem3A_88 : i32
      %jit3A_98 = arith.constant 4 : i32
      %eq3A_99 = arith.constant 0 : i32
      %eq3A_100 = arith.cmpi eq, %jit3A_98, %eq3A_99 : i32
      %jit3A_101 = arith.constant 1 : i32
      %select_n3A_102 = arith.select %eq3A_100, %jit3A_101, %jit3A_98 : i32
      %rem3A_103 = arith.remsi %add3A_13, %select_n3A_102 : i32
      %ne3A_104 = arith.constant 0 : i32
      %ne3A_105 = arith.cmpi ne, %rem3A_103, %ne3A_104 : i32
      %lt3A_106 = arith.constant 0 : i32
      %lt3A_107 = arith.cmpi slt, %rem3A_103, %lt3A_106 : i32
      %lt3A_108 = arith.constant 0 : i32
      %lt3A_109 = arith.cmpi slt, %select_n3A_102, %lt3A_108 : i32
      %ne3A_110 = arith.xori %lt3A_107, %lt3A_109 : i1
      %and3A_111 = arith.andi %ne3A_110, %ne3A_105 : i1
      %add3A_112 = arith.addi %rem3A_103, %select_n3A_102 : i32
      %select_n3A_113 = arith.select %and3A_111, %add3A_112, %rem3A_103 : i32
      %jit3A_114 = arith.constant 2 : i32
      %div3A_115 = arith.divsi %select_n3A_113, %jit3A_114 : i32
      %sign3A_116 = arith.constant 0 : i32
      %sign3A_117 = arith.cmpi sgt, %select_n3A_113, %sign3A_116 : i32
      %sign3A_118 = arith.extui %sign3A_117 : i1 to i32
      %sign3A_119 = arith.constant 0 : i32
      %sign3A_120 = arith.cmpi slt, %select_n3A_113, %sign3A_119 : i32
      %sign3A_121 = arith.extui %sign3A_120 : i1 to i32
      %sign3A_122 = arith.subi %sign3A_118, %sign3A_121 : i32
      %sign3A_123 = arith.constant 0 : i32
      %sign3A_124 = arith.cmpi sgt, %jit3A_114, %sign3A_123 : i32
      %sign3A_125 = arith.extui %sign3A_124 : i1 to i32
      %sign3A_126 = arith.constant 0 : i32
      %sign3A_127 = arith.cmpi slt, %jit3A_114, %sign3A_126 : i32
      %sign3A_128 = arith.extui %sign3A_127 : i1 to i32
      %sign3A_129 = arith.subi %sign3A_125, %sign3A_128 : i32
      %ne3A_130 = arith.cmpi ne, %sign3A_122, %sign3A_129 : i32
      %rem3A_131 = arith.remsi %select_n3A_113, %jit3A_114 : i32
      %ne3A_132 = arith.constant 0 : i32
      %ne3A_133 = arith.cmpi ne, %rem3A_131, %ne3A_132 : i32
      %and3A_134 = arith.andi %ne3A_130, %ne3A_133 : i1
      %sub3A_135 = arith.constant 1 : i32
      %sub3A_136 = arith.subi %div3A_115, %sub3A_135 : i32
      %select_n3A_137 = arith.select %and3A_134, %sub3A_136, %div3A_115 : i32
      %jit3A_138 = arith.constant 2 : i32
      %eq3A_139 = arith.constant 0 : i32
      %eq3A_140 = arith.cmpi eq, %jit3A_138, %eq3A_139 : i32
      %jit3A_141 = arith.constant 1 : i32
      %select_n3A_142 = arith.select %eq3A_140, %jit3A_141, %jit3A_138 : i32
      %rem3A_143 = arith.remsi %add3A_13, %select_n3A_142 : i32
      %ne3A_144 = arith.constant 0 : i32
      %ne3A_145 = arith.cmpi ne, %rem3A_143, %ne3A_144 : i32
      %lt3A_146 = arith.constant 0 : i32
      %lt3A_147 = arith.cmpi slt, %rem3A_143, %lt3A_146 : i32
      %lt3A_148 = arith.constant 0 : i32
      %lt3A_149 = arith.cmpi slt, %select_n3A_142, %lt3A_148 : i32
      %ne3A_150 = arith.xori %lt3A_147, %lt3A_149 : i1
      %and3A_151 = arith.andi %ne3A_150, %ne3A_145 : i1
      %add3A_152 = arith.addi %rem3A_143, %select_n3A_142 : i32
      %select_n3A_153 = arith.select %and3A_151, %add3A_152, %rem3A_143 : i32
      %mul3A_154 = arith.constant 1 : i32
      %mul3A_155 = arith.muli %mul3A_154, %select_n3A_58 : i32
      %mul3A_156 = arith.constant 1 : i32
      %mul3A_157 = arith.muli %mul3A_156, %select_n3A_97 : i32
      %mul3A_158 = arith.constant 112 : i32
      %mul3A_159 = arith.muli %mul3A_158, %select_n3A_137 : i32
      %mul3A_160 = arith.constant 128 : i32
      %mul3A_161 = arith.muli %mul3A_160, %select_n3A_153 : i32
      %eq3A_162 = arith.constant 1 : i32
      %eq3A_163 = arith.cmpi eq, %select_n3A_153, %eq3A_162 : i32
      %jit3A_164 = arith.constant 128 : i32
      %jit3A_165 = arith.constant 128 : i32
      %select_n3A_166 = arith.select %eq3A_163, %jit3A_164, %jit3A_165 : i32
      %multiple_of3A = tpu.assume_multiple %select_n3A_166, 128 : i32
      %mul3A_167 = arith.constant 128 : i32
      %mul3A_168 = arith.muli %select_n3A_153, %mul3A_167 : i32
      %dma_start3A = arith.constant 0 : i32
      %dma_start3A_169 = arith.constant 0 : i32
      %dma_start3A_170 = arith.constant 0 : i32
      %dma_start3A_171 = arith.constant 0 : i32
      %dma_start3A_172 = tpu.memref_slice %run_scoped3A[%rem3A_40, %dma_start3A, %dma_start3A_169, %dma_start3A_170, %dma_start3A_171] <%multiple_of3A> : memref<2x1x1x112x128xf32, #tpu.memory_space<vmem>> -> memref<1x1x1x112x?xf32, #tpu.memory_space<vmem>>
      %dma_start3A_173 = tpu.memref_squeeze %dma_start3A_172 : memref<1x1x1x112x?xf32, #tpu.memory_space<vmem>> -> memref<1x1x112x?xf32, #tpu.memory_space<vmem>>
      %dma_start3A_174 = tpu.memref_slice %arg2[%mul3A_155, %mul3A_157, %mul3A_159, %mul3A_168] <%multiple_of3A> : memref<8x96x224x224xf32, #tpu.memory_space<hbm>> -> memref<1x1x112x?xf32, #tpu.memory_space<hbm>>
      %dma_start3A_175 = tpu.memref_slice %run_scoped3A_7[%rem3A_40] : memref<2x!tpu.dma_semaphore, #tpu.memory_space<semaphore_mem>> -> memref<1x!tpu.dma_semaphore, #tpu.memory_space<semaphore_mem>>
      %dma_start3A_176 = tpu.memref_squeeze %dma_start3A_175 : memref<1x!tpu.dma_semaphore, #tpu.memory_space<semaphore_mem>> -> memref<!tpu.dma_semaphore, #tpu.memory_space<semaphore_mem>>
      %dma_start3A_177 = arith.constant 0 : i32
      %dma_start3A_178 = arith.constant 0 : i32
      %dma_start3A_179 = arith.constant 0 : i32
      %dma_start3A_180 = arith.constant 0 : i32
      %dma_start3A_181 = tpu.memref_slice %run_scoped3A[%rem3A_40, %dma_start3A_177, %dma_start3A_178, %dma_start3A_179, %dma_start3A_180] <%multiple_of3A> : memref<2x1x1x112x128xf32, #tpu.memory_space<vmem>> -> memref<1x1x1x112x?xf32, #tpu.memory_space<vmem>>
      %dma_start3A_182 = tpu.memref_squeeze %dma_start3A_181 : memref<1x1x1x112x?xf32, #tpu.memory_space<vmem>> -> memref<1x1x112x?xf32, #tpu.memory_space<vmem>>
      %dma_start3A_183 = tpu.memref_slice %arg2[%mul3A_155, %mul3A_157, %mul3A_159, %mul3A_168] <%multiple_of3A> : memref<8x96x224x224xf32, #tpu.memory_space<hbm>> -> memref<1x1x112x?xf32, #tpu.memory_space<hbm>>
      tpu.enqueue_dma source(%dma_start3A_183 : memref<1x1x112x?xf32, #tpu.memory_space<hbm>>) target(%dma_start3A_182 : memref<1x1x112x?xf32, #tpu.memory_space<vmem>>) target_semaphore(%dma_start3A_176 : memref<!tpu.dma_semaphore, #tpu.memory_space<semaphore_mem>>)
      %add3A_184 = arith.constant 0 : i32
      %add3A_185 = arith.constant 1 : i32
      %add3A_186 = arith.addi %add3A_184, %add3A_185 : i32
      %select_n3A_187 = arith.constant true
      %select_n3A_188 = arith.constant 0 : i32
      %select_n3A_189 = arith.select %select_n3A_187, %add3A_186, %select_n3A_188 : i32
      %rem3A_190 = arith.constant 0 : i32
      %rem3A_191 = arith.constant 2 : i32
      %rem3A_192 = arith.remui %rem3A_190, %rem3A_191 : i32
      %jit3A_193 = arith.constant 4 : i32
      %div3A_194 = arith.divsi %add3A_13, %jit3A_193 : i32
      %sign3A_195 = arith.constant 0 : i32
      %sign3A_196 = arith.cmpi sgt, %add3A_13, %sign3A_195 : i32
      %sign3A_197 = arith.extui %sign3A_196 : i1 to i32
      %sign3A_198 = arith.constant 0 : i32
      %sign3A_199 = arith.cmpi slt, %add3A_13, %sign3A_198 : i32
      %sign3A_200 = arith.extui %sign3A_199 : i1 to i32
      %sign3A_201 = arith.subi %sign3A_197, %sign3A_200 : i32
      %sign3A_202 = arith.constant 0 : i32
      %sign3A_203 = arith.cmpi sgt, %jit3A_193, %sign3A_202 : i32
      %sign3A_204 = arith.extui %sign3A_203 : i1 to i32
      %sign3A_205 = arith.constant 0 : i32
      %sign3A_206 = arith.cmpi slt, %jit3A_193, %sign3A_205 : i32
      %sign3A_207 = arith.extui %sign3A_206 : i1 to i32
      %sign3A_208 = arith.subi %sign3A_204, %sign3A_207 : i32
      %ne3A_209 = arith.cmpi ne, %sign3A_201, %sign3A_208 : i32
      %rem3A_210 = arith.remsi %add3A_13, %jit3A_193 : i32
      %ne3A_211 = arith.constant 0 : i32
      %ne3A_212 = arith.cmpi ne, %rem3A_210, %ne3A_211 : i32
      %and3A_213 = arith.andi %ne3A_209, %ne3A_212 : i1
      %sub3A_214 = arith.constant 1 : i32
      %sub3A_215 = arith.subi %div3A_194, %sub3A_214 : i32
      %select_n3A_216 = arith.select %and3A_213, %sub3A_215, %div3A_194 : i32
      %mul3A_217 = arith.constant 1 : i32
      %mul3A_218 = arith.muli %mul3A_217, %select_n3A_216 : i32
      %dma_start3A_219 = arith.constant 0 : i32
      %dma_start3A_220 = arith.constant 0 : i32
      %dma_start3A_221 = tpu.memref_slice %run_scoped3A_8[%rem3A_192, %dma_start3A_219, %dma_start3A_220] : memref<2x1x16xf32, #tpu.memory_space<vmem>> -> memref<1x1x16xf32, #tpu.memory_space<vmem>>
      %dma_start3A_222 = tpu.memref_squeeze %dma_start3A_221 : memref<1x1x16xf32, #tpu.memory_space<vmem>> -> memref<1x16xf32, #tpu.memory_space<vmem>>
      %dma_start3A_223 = arith.constant 0 : i32
      %dma_start3A_224 = tpu.memref_slice %arg3[%mul3A_218, %dma_start3A_223] : memref<768x16xf32, #tpu.memory_space<hbm>> -> memref<1x16xf32, #tpu.memory_space<hbm>>
      %dma_start3A_225 = tpu.memref_slice %run_scoped3A_9[%rem3A_192] : memref<2x!tpu.dma_semaphore, #tpu.memory_space<semaphore_mem>> -> memref<1x!tpu.dma_semaphore, #tpu.memory_space<semaphore_mem>>
      %dma_start3A_226 = tpu.memref_squeeze %dma_start3A_225 : memref<1x!tpu.dma_semaphore, #tpu.memory_space<semaphore_mem>> -> memref<!tpu.dma_semaphore, #tpu.memory_space<semaphore_mem>>
      %dma_start3A_227 = arith.constant 0 : i32
      %dma_start3A_228 = arith.constant 0 : i32
      %dma_start3A_229 = tpu.memref_slice %run_scoped3A_8[%rem3A_192, %dma_start3A_227, %dma_start3A_228] : memref<2x1x16xf32, #tpu.memory_space<vmem>> -> memref<1x1x16xf32, #tpu.memory_space<vmem>>
      %dma_start3A_230 = tpu.memref_squeeze %dma_start3A_229 : memref<1x1x16xf32, #tpu.memory_space<vmem>> -> memref<1x16xf32, #tpu.memory_space<vmem>>
      %dma_start3A_231 = arith.constant 0 : i32
      %dma_start3A_232 = tpu.memref_slice %arg3[%mul3A_218, %dma_start3A_231] : memref<768x16xf32, #tpu.memory_space<hbm>> -> memref<1x16xf32, #tpu.memory_space<hbm>>
      tpu.enqueue_dma source(%dma_start3A_232 : memref<1x16xf32, #tpu.memory_space<hbm>>) target(%dma_start3A_230 : memref<1x16xf32, #tpu.memory_space<vmem>>) target_semaphore(%dma_start3A_226 : memref<!tpu.dma_semaphore, #tpu.memory_space<semaphore_mem>>)
      %add3A_233 = arith.constant 0 : i32
      %add3A_234 = arith.constant 1 : i32
      %add3A_235 = arith.addi %add3A_233, %add3A_234 : i32
      %select_n3A_236 = arith.constant true
      %select_n3A_237 = arith.constant 0 : i32
      %select_n3A_238 = arith.select %select_n3A_236, %add3A_235, %select_n3A_237 : i32
      "tpu.trace_stop"() : () -> ()
      %scan3A = arith.constant 0 : i32
      %scan3A_239 = arith.constant 0 : i32
      %scan3A_240 = arith.constant 0 : i32
      %scan3A_241 = arith.constant 0 : i32
      %scan3A_242 = arith.constant 0 : i32
      %scan3A_243 = arith.constant 0 : i32
      %scan3A_244 = arith.constant 96 : i32
      %scan3A_245 = arith.addi %scan3A_243, %scan3A_244 : i32
      %scan3A_246 = arith.constant 1 : i32
      %scan3A_247:7 = scf.for %scan3A_438 = %scan3A_243 to %scan3A_245 step %scan3A_246 iter_args(%scan3A_439 = %select_n3A_189, %scan3A_440 = %scan3A, %scan3A_441 = %select_n3A_238, %scan3A_442 = %scan3A_239, %scan3A_443 = %scan3A_240, %scan3A_444 = %scan3A_241, %scan3A_445 = %scan3A_242) -> (i32, i32, i32, i32, i32, i32, i32)  : i32 {
        %eq3A_446 = arith.constant 0 : i32
        %eq3A_447 = arith.cmpi eq, %scan3A_438, %eq3A_446 : i32
        %eq3A_448 = arith.constant 95 : i32
        %eq3A_449 = arith.cmpi eq, %scan3A_438, %eq3A_448 : i32
        %add3A_450 = arith.addi %scan3A_445, %mul3A_6 : i32
        %sub3A_451 = arith.constant 1 : i32
        %sub3A_452 = arith.subi %scan3A_445, %sub3A_451 : i32
        %select_n3A_453 = arith.constant true
        %select_n3A_454 = arith.select %select_n3A_453, %sub3A_452, %scan3A_445 : i32
        %eq3A_455 = arith.constant -1 : i32
        %eq3A_456 = arith.cmpi eq, %select_n3A_454, %eq3A_455 : i32
        %select_n3A_457 = arith.constant 95 : i32
        %select_n3A_458 = arith.select %eq3A_456, %select_n3A_457, %select_n3A_454 : i32
        %add3A_459 = arith.addi %select_n3A_458, %mul3A_6 : i32
        %add3A_460 = arith.constant 1 : i32
        %add3A_461 = arith.addi %scan3A_445, %add3A_460 : i32
        %select_n3A_462 = arith.constant true
        %select_n3A_463 = arith.select %select_n3A_462, %add3A_461, %scan3A_445 : i32
        %eq3A_464 = arith.constant 96 : i32
        %eq3A_465 = arith.cmpi eq, %select_n3A_463, %eq3A_464 : i32
        %select_n3A_466 = arith.constant 0 : i32
        %select_n3A_467 = arith.select %eq3A_465, %select_n3A_466, %select_n3A_463 : i32
        %add3A_468 = arith.addi %select_n3A_467, %mul3A_6 : i32
        %add3A_469 = arith.constant 1 : i32
        %add3A_470 = arith.addi %select_n3A_467, %add3A_469 : i32
        %select_n3A_471 = arith.constant true
        %select_n3A_472 = arith.select %select_n3A_471, %add3A_470, %select_n3A_467 : i32
        %eq3A_473 = arith.constant 96 : i32
        %eq3A_474 = arith.cmpi eq, %select_n3A_472, %eq3A_473 : i32
        %select_n3A_475 = arith.constant 0 : i32
        %select_n3A_476 = arith.select %eq3A_474, %select_n3A_475, %select_n3A_472 : i32
        %add3A_477 = arith.addi %select_n3A_476, %mul3A_6 : i32
        %jit3A_478 = arith.constant 384 : i32
        %div3A_479 = arith.divsi %add3A_450, %jit3A_478 : i32
        %sign3A_480 = arith.constant 0 : i32
        %sign3A_481 = arith.cmpi sgt, %add3A_450, %sign3A_480 : i32
        %sign3A_482 = arith.extui %sign3A_481 : i1 to i32
        %sign3A_483 = arith.constant 0 : i32
        %sign3A_484 = arith.cmpi slt, %add3A_450, %sign3A_483 : i32
        %sign3A_485 = arith.extui %sign3A_484 : i1 to i32
        %sign3A_486 = arith.subi %sign3A_482, %sign3A_485 : i32
        %sign3A_487 = arith.constant 0 : i32
        %sign3A_488 = arith.cmpi sgt, %jit3A_478, %sign3A_487 : i32
        %sign3A_489 = arith.extui %sign3A_488 : i1 to i32
        %sign3A_490 = arith.constant 0 : i32
        %sign3A_491 = arith.cmpi slt, %jit3A_478, %sign3A_490 : i32
        %sign3A_492 = arith.extui %sign3A_491 : i1 to i32
        %sign3A_493 = arith.subi %sign3A_489, %sign3A_492 : i32
        %ne3A_494 = arith.cmpi ne, %sign3A_486, %sign3A_493 : i32
        %rem3A_495 = arith.remsi %add3A_450, %jit3A_478 : i32
        %ne3A_496 = arith.constant 0 : i32
        %ne3A_497 = arith.cmpi ne, %rem3A_495, %ne3A_496 : i32
        %and3A_498 = arith.andi %ne3A_494, %ne3A_497 : i1
        %sub3A_499 = arith.constant 1 : i32
        %sub3A_500 = arith.subi %div3A_479, %sub3A_499 : i32
        %select_n3A_501 = arith.select %and3A_498, %sub3A_500, %div3A_479 : i32
        %jit3A_502 = arith.constant 4 : i32
        %div3A_503 = arith.divsi %add3A_450, %jit3A_502 : i32
        %sign3A_504 = arith.constant 0 : i32
        %sign3A_505 = arith.cmpi sgt, %add3A_450, %sign3A_504 : i32
        %sign3A_506 = arith.extui %sign3A_505 : i1 to i32
        %sign3A_507 = arith.constant 0 : i32
        %sign3A_508 = arith.cmpi slt, %add3A_450, %sign3A_507 : i32
        %sign3A_509 = arith.extui %sign3A_508 : i1 to i32
        %sign3A_510 = arith.subi %sign3A_506, %sign3A_509 : i32
        %sign3A_511 = arith.constant 0 : i32
        %sign3A_512 = arith.cmpi sgt, %jit3A_502, %sign3A_511 : i32
        %sign3A_513 = arith.extui %sign3A_512 : i1 to i32
        %sign3A_514 = arith.constant 0 : i32
        %sign3A_515 = arith.cmpi slt, %jit3A_502, %sign3A_514 : i32
        %sign3A_516 = arith.extui %sign3A_515 : i1 to i32
        %sign3A_517 = arith.subi %sign3A_513, %sign3A_516 : i32
        %ne3A_518 = arith.cmpi ne, %sign3A_510, %sign3A_517 : i32
        %rem3A_519 = arith.remsi %add3A_450, %jit3A_502 : i32
        %ne3A_520 = arith.constant 0 : i32
        %ne3A_521 = arith.cmpi ne, %rem3A_519, %ne3A_520 : i32
        %and3A_522 = arith.andi %ne3A_518, %ne3A_521 : i1
        %sub3A_523 = arith.constant 1 : i32
        %sub3A_524 = arith.subi %div3A_503, %sub3A_523 : i32
        %select_n3A_525 = arith.select %and3A_522, %sub3A_524, %div3A_503 : i32
        %jit3A_526 = arith.constant 96 : i32
        %eq3A_527 = arith.constant 0 : i32
        %eq3A_528 = arith.cmpi eq, %jit3A_526, %eq3A_527 : i32
        %jit3A_529 = arith.constant 1 : i32
        %select_n3A_530 = arith.select %eq3A_528, %jit3A_529, %jit3A_526 : i32
        %rem3A_531 = arith.remsi %select_n3A_525, %select_n3A_530 : i32
        %ne3A_532 = arith.constant 0 : i32
        %ne3A_533 = arith.cmpi ne, %rem3A_531, %ne3A_532 : i32
        %lt3A_534 = arith.constant 0 : i32
        %lt3A_535 = arith.cmpi slt, %rem3A_531, %lt3A_534 : i32
        %lt3A_536 = arith.constant 0 : i32
        %lt3A_537 = arith.cmpi slt, %select_n3A_530, %lt3A_536 : i32
        %ne3A_538 = arith.xori %lt3A_535, %lt3A_537 : i1
        %and3A_539 = arith.andi %ne3A_538, %ne3A_533 : i1
        %add3A_540 = arith.addi %rem3A_531, %select_n3A_530 : i32
        %select_n3A_541 = arith.select %and3A_539, %add3A_540, %rem3A_531 : i32
        %jit3A_542 = arith.constant 4 : i32
        %eq3A_543 = arith.constant 0 : i32
        %eq3A_544 = arith.cmpi eq, %jit3A_542, %eq3A_543 : i32
        %jit3A_545 = arith.constant 1 : i32
        %select_n3A_546 = arith.select %eq3A_544, %jit3A_545, %jit3A_542 : i32
        %rem3A_547 = arith.remsi %add3A_450, %select_n3A_546 : i32
        %ne3A_548 = arith.constant 0 : i32
        %ne3A_549 = arith.cmpi ne, %rem3A_547, %ne3A_548 : i32
        %lt3A_550 = arith.constant 0 : i32
        %lt3A_551 = arith.cmpi slt, %rem3A_547, %lt3A_550 : i32
        %lt3A_552 = arith.constant 0 : i32
        %lt3A_553 = arith.cmpi slt, %select_n3A_546, %lt3A_552 : i32
        %ne3A_554 = arith.xori %lt3A_551, %lt3A_553 : i1
        %and3A_555 = arith.andi %ne3A_554, %ne3A_549 : i1
        %add3A_556 = arith.addi %rem3A_547, %select_n3A_546 : i32
        %select_n3A_557 = arith.select %and3A_555, %add3A_556, %rem3A_547 : i32
        %jit3A_558 = arith.constant 2 : i32
        %div3A_559 = arith.divsi %select_n3A_557, %jit3A_558 : i32
        %sign3A_560 = arith.constant 0 : i32
        %sign3A_561 = arith.cmpi sgt, %select_n3A_557, %sign3A_560 : i32
        %sign3A_562 = arith.extui %sign3A_561 : i1 to i32
        %sign3A_563 = arith.constant 0 : i32
        %sign3A_564 = arith.cmpi slt, %select_n3A_557, %sign3A_563 : i32
        %sign3A_565 = arith.extui %sign3A_564 : i1 to i32
        %sign3A_566 = arith.subi %sign3A_562, %sign3A_565 : i32
        %sign3A_567 = arith.constant 0 : i32
        %sign3A_568 = arith.cmpi sgt, %jit3A_558, %sign3A_567 : i32
        %sign3A_569 = arith.extui %sign3A_568 : i1 to i32
        %sign3A_570 = arith.constant 0 : i32
        %sign3A_571 = arith.cmpi slt, %jit3A_558, %sign3A_570 : i32
        %sign3A_572 = arith.extui %sign3A_571 : i1 to i32
        %sign3A_573 = arith.subi %sign3A_569, %sign3A_572 : i32
        %ne3A_574 = arith.cmpi ne, %sign3A_566, %sign3A_573 : i32
        %rem3A_575 = arith.remsi %select_n3A_557, %jit3A_558 : i32
        %ne3A_576 = arith.constant 0 : i32
        %ne3A_577 = arith.cmpi ne, %rem3A_575, %ne3A_576 : i32
        %and3A_578 = arith.andi %ne3A_574, %ne3A_577 : i1
        %sub3A_579 = arith.constant 1 : i32
        %sub3A_580 = arith.subi %div3A_559, %sub3A_579 : i32
        %select_n3A_581 = arith.select %and3A_578, %sub3A_580, %div3A_559 : i32
        %jit3A_582 = arith.constant 2 : i32
        %eq3A_583 = arith.constant 0 : i32
        %eq3A_584 = arith.cmpi eq, %jit3A_582, %eq3A_583 : i32
        %jit3A_585 = arith.constant 1 : i32
        %select_n3A_586 = arith.select %eq3A_584, %jit3A_585, %jit3A_582 : i32
        %rem3A_587 = arith.remsi %add3A_450, %select_n3A_586 : i32
        %ne3A_588 = arith.constant 0 : i32
        %ne3A_589 = arith.cmpi ne, %rem3A_587, %ne3A_588 : i32
        %lt3A_590 = arith.constant 0 : i32
        %lt3A_591 = arith.cmpi slt, %rem3A_587, %lt3A_590 : i32
        %lt3A_592 = arith.constant 0 : i32
        %lt3A_593 = arith.cmpi slt, %select_n3A_586, %lt3A_592 : i32
        %ne3A_594 = arith.xori %lt3A_591, %lt3A_593 : i1
        %and3A_595 = arith.andi %ne3A_594, %ne3A_589 : i1
        %add3A_596 = arith.addi %rem3A_587, %select_n3A_586 : i32
        %select_n3A_597 = arith.select %and3A_595, %add3A_596, %rem3A_587 : i32
        %jit3A_598 = arith.constant 384 : i32
        %div3A_599 = arith.divsi %add3A_468, %jit3A_598 : i32
        %sign3A_600 = arith.constant 0 : i32
        %sign3A_601 = arith.cmpi sgt, %add3A_468, %sign3A_600 : i32
        %sign3A_602 = arith.extui %sign3A_601 : i1 to i32
        %sign3A_603 = arith.constant 0 : i32
        %sign3A_604 = arith.cmpi slt, %add3A_468, %sign3A_603 : i32
        %sign3A_605 = arith.extui %sign3A_604 : i1 to i32
        %sign3A_606 = arith.subi %sign3A_602, %sign3A_605 : i32
        %sign3A_607 = arith.constant 0 : i32
        %sign3A_608 = arith.cmpi sgt, %jit3A_598, %sign3A_607 : i32
        %sign3A_609 = arith.extui %sign3A_608 : i1 to i32
        %sign3A_610 = arith.constant 0 : i32
        %sign3A_611 = arith.cmpi slt, %jit3A_598, %sign3A_610 : i32
        %sign3A_612 = arith.extui %sign3A_611 : i1 to i32
        %sign3A_613 = arith.subi %sign3A_609, %sign3A_612 : i32
        %ne3A_614 = arith.cmpi ne, %sign3A_606, %sign3A_613 : i32
        %rem3A_615 = arith.remsi %add3A_468, %jit3A_598 : i32
        %ne3A_616 = arith.constant 0 : i32
        %ne3A_617 = arith.cmpi ne, %rem3A_615, %ne3A_616 : i32
        %and3A_618 = arith.andi %ne3A_614, %ne3A_617 : i1
        %sub3A_619 = arith.constant 1 : i32
        %sub3A_620 = arith.subi %div3A_599, %sub3A_619 : i32
        %select_n3A_621 = arith.select %and3A_618, %sub3A_620, %div3A_599 : i32
        %jit3A_622 = arith.constant 4 : i32
        %div3A_623 = arith.divsi %add3A_468, %jit3A_622 : i32
        %sign3A_624 = arith.constant 0 : i32
        %sign3A_625 = arith.cmpi sgt, %add3A_468, %sign3A_624 : i32
        %sign3A_626 = arith.extui %sign3A_625 : i1 to i32
        %sign3A_627 = arith.constant 0 : i32
        %sign3A_628 = arith.cmpi slt, %add3A_468, %sign3A_627 : i32
        %sign3A_629 = arith.extui %sign3A_628 : i1 to i32
        %sign3A_630 = arith.subi %sign3A_626, %sign3A_629 : i32
        %sign3A_631 = arith.constant 0 : i32
        %sign3A_632 = arith.cmpi sgt, %jit3A_622, %sign3A_631 : i32
        %sign3A_633 = arith.extui %sign3A_632 : i1 to i32
        %sign3A_634 = arith.constant 0 : i32
        %sign3A_635 = arith.cmpi slt, %jit3A_622, %sign3A_634 : i32
        %sign3A_636 = arith.extui %sign3A_635 : i1 to i32
        %sign3A_637 = arith.subi %sign3A_633, %sign3A_636 : i32
        %ne3A_638 = arith.cmpi ne, %sign3A_630, %sign3A_637 : i32
        %rem3A_639 = arith.remsi %add3A_468, %jit3A_622 : i32
        %ne3A_640 = arith.constant 0 : i32
        %ne3A_641 = arith.cmpi ne, %rem3A_639, %ne3A_640 : i32
        %and3A_642 = arith.andi %ne3A_638, %ne3A_641 : i1
        %sub3A_643 = arith.constant 1 : i32
        %sub3A_644 = arith.subi %div3A_623, %sub3A_643 : i32
        %select_n3A_645 = arith.select %and3A_642, %sub3A_644, %div3A_623 : i32
        %jit3A_646 = arith.constant 96 : i32
        %eq3A_647 = arith.constant 0 : i32
        %eq3A_648 = arith.cmpi eq, %jit3A_646, %eq3A_647 : i32
        %jit3A_649 = arith.constant 1 : i32
        %select_n3A_650 = arith.select %eq3A_648, %jit3A_649, %jit3A_646 : i32
        %rem3A_651 = arith.remsi %select_n3A_645, %select_n3A_650 : i32
        %ne3A_652 = arith.constant 0 : i32
        %ne3A_653 = arith.cmpi ne, %rem3A_651, %ne3A_652 : i32
        %lt3A_654 = arith.constant 0 : i32
        %lt3A_655 = arith.cmpi slt, %rem3A_651, %lt3A_654 : i32
        %lt3A_656 = arith.constant 0 : i32
        %lt3A_657 = arith.cmpi slt, %select_n3A_650, %lt3A_656 : i32
        %ne3A_658 = arith.xori %lt3A_655, %lt3A_657 : i1
        %and3A_659 = arith.andi %ne3A_658, %ne3A_653 : i1
        %add3A_660 = arith.addi %rem3A_651, %select_n3A_650 : i32
        %select_n3A_661 = arith.select %and3A_659, %add3A_660, %rem3A_651 : i32
        %jit3A_662 = arith.constant 4 : i32
        %eq3A_663 = arith.constant 0 : i32
        %eq3A_664 = arith.cmpi eq, %jit3A_662, %eq3A_663 : i32
        %jit3A_665 = arith.constant 1 : i32
        %select_n3A_666 = arith.select %eq3A_664, %jit3A_665, %jit3A_662 : i32
        %rem3A_667 = arith.remsi %add3A_468, %select_n3A_666 : i32
        %ne3A_668 = arith.constant 0 : i32
        %ne3A_669 = arith.cmpi ne, %rem3A_667, %ne3A_668 : i32
        %lt3A_670 = arith.constant 0 : i32
        %lt3A_671 = arith.cmpi slt, %rem3A_667, %lt3A_670 : i32
        %lt3A_672 = arith.constant 0 : i32
        %lt3A_673 = arith.cmpi slt, %select_n3A_666, %lt3A_672 : i32
        %ne3A_674 = arith.xori %lt3A_671, %lt3A_673 : i1
        %and3A_675 = arith.andi %ne3A_674, %ne3A_669 : i1
        %add3A_676 = arith.addi %rem3A_667, %select_n3A_666 : i32
        %select_n3A_677 = arith.select %and3A_675, %add3A_676, %rem3A_667 : i32
        %jit3A_678 = arith.constant 2 : i32
        %div3A_679 = arith.divsi %select_n3A_677, %jit3A_678 : i32
        %sign3A_680 = arith.constant 0 : i32
        %sign3A_681 = arith.cmpi sgt, %select_n3A_677, %sign3A_680 : i32
        %sign3A_682 = arith.extui %sign3A_681 : i1 to i32
        %sign3A_683 = arith.constant 0 : i32
        %sign3A_684 = arith.cmpi slt, %select_n3A_677, %sign3A_683 : i32
        %sign3A_685 = arith.extui %sign3A_684 : i1 to i32
        %sign3A_686 = arith.subi %sign3A_682, %sign3A_685 : i32
        %sign3A_687 = arith.constant 0 : i32
        %sign3A_688 = arith.cmpi sgt, %jit3A_678, %sign3A_687 : i32
        %sign3A_689 = arith.extui %sign3A_688 : i1 to i32
        %sign3A_690 = arith.constant 0 : i32
        %sign3A_691 = arith.cmpi slt, %jit3A_678, %sign3A_690 : i32
        %sign3A_692 = arith.extui %sign3A_691 : i1 to i32
        %sign3A_693 = arith.subi %sign3A_689, %sign3A_692 : i32
        %ne3A_694 = arith.cmpi ne, %sign3A_686, %sign3A_693 : i32
        %rem3A_695 = arith.remsi %select_n3A_677, %jit3A_678 : i32
        %ne3A_696 = arith.constant 0 : i32
        %ne3A_697 = arith.cmpi ne, %rem3A_695, %ne3A_696 : i32
        %and3A_698 = arith.andi %ne3A_694, %ne3A_697 : i1
        %sub3A_699 = arith.constant 1 : i32
        %sub3A_700 = arith.subi %div3A_679, %sub3A_699 : i32
        %select_n3A_701 = arith.select %and3A_698, %sub3A_700, %div3A_679 : i32
        %jit3A_702 = arith.constant 2 : i32
        %eq3A_703 = arith.constant 0 : i32
        %eq3A_704 = arith.cmpi eq, %jit3A_702, %eq3A_703 : i32
        %jit3A_705 = arith.constant 1 : i32
        %select_n3A_706 = arith.select %eq3A_704, %jit3A_705, %jit3A_702 : i32
        %rem3A_707 = arith.remsi %add3A_468, %select_n3A_706 : i32
        %ne3A_708 = arith.constant 0 : i32
        %ne3A_709 = arith.cmpi ne, %rem3A_707, %ne3A_708 : i32
        %lt3A_710 = arith.constant 0 : i32
        %lt3A_711 = arith.cmpi slt, %rem3A_707, %lt3A_710 : i32
        %lt3A_712 = arith.constant 0 : i32
        %lt3A_713 = arith.cmpi slt, %select_n3A_706, %lt3A_712 : i32
        %ne3A_714 = arith.xori %lt3A_711, %lt3A_713 : i1
        %and3A_715 = arith.andi %ne3A_714, %ne3A_709 : i1
        %add3A_716 = arith.addi %rem3A_707, %select_n3A_706 : i32
        %select_n3A_717 = arith.select %and3A_715, %add3A_716, %rem3A_707 : i32
        %ne3A_718 = arith.cmpi ne, %select_n3A_501, %select_n3A_621 : i32
        %ne3A_719 = arith.cmpi ne, %select_n3A_541, %select_n3A_661 : i32
        %ne3A_720 = arith.cmpi ne, %select_n3A_581, %select_n3A_701 : i32
        %ne3A_721 = arith.cmpi ne, %select_n3A_597, %select_n3A_717 : i32
        %or3A = arith.constant false
        %or3A_722 = arith.ori %or3A, %ne3A_718 : i1
        %or3A_723 = arith.ori %or3A_722, %ne3A_719 : i1
        %or3A_724 = arith.ori %or3A_723, %ne3A_720 : i1
        %or3A_725 = arith.ori %or3A_724, %ne3A_721 : i1
        %ge3A = arith.constant 95 : i32
        %ge3A_726 = arith.cmpi sge, %scan3A_438, %ge3A : i32
        %not3A = arith.constant true
        %not3A_727 = arith.xori %ge3A_726, %not3A : i1
        %and3A_728 = arith.andi %or3A_725, %not3A_727 : i1
        %convert_element_type3A = arith.extui %and3A_728 : i1 to i32
        %cond3A = arith.constant 0 : i32
        %cond3A_729 = arith.cmpi ne, %convert_element_type3A, %cond3A : i32
        scf.if %cond3A_729 {
          "tpu.trace_start"() <{level = 10 : i32, message = "ep_copy_in"}> : () -> ()
          %rem3A_3107 = arith.constant 2 : i32
          %rem3A_3108 = arith.remui %scan3A_439, %rem3A_3107 : i32
          %jit3A_3109 = arith.constant 384 : i32
          %div3A_3110 = arith.divsi %add3A_468, %jit3A_3109 : i32
          %sign3A_3111 = arith.constant 0 : i32
          %sign3A_3112 = arith.cmpi sgt, %add3A_468, %sign3A_3111 : i32
          %sign3A_3113 = arith.extui %sign3A_3112 : i1 to i32
          %sign3A_3114 = arith.constant 0 : i32
          %sign3A_3115 = arith.cmpi slt, %add3A_468, %sign3A_3114 : i32
          %sign3A_3116 = arith.extui %sign3A_3115 : i1 to i32
          %sign3A_3117 = arith.subi %sign3A_3113, %sign3A_3116 : i32
          %sign3A_3118 = arith.constant 0 : i32
          %sign3A_3119 = arith.cmpi sgt, %jit3A_3109, %sign3A_3118 : i32
          %sign3A_3120 = arith.extui %sign3A_3119 : i1 to i32
          %sign3A_3121 = arith.constant 0 : i32
          %sign3A_3122 = arith.cmpi slt, %jit3A_3109, %sign3A_3121 : i32
          %sign3A_3123 = arith.extui %sign3A_3122 : i1 to i32
          %sign3A_3124 = arith.subi %sign3A_3120, %sign3A_3123 : i32
          %ne3A_3125 = arith.cmpi ne, %sign3A_3117, %sign3A_3124 : i32
          %rem3A_3126 = arith.remsi %add3A_468, %jit3A_3109 : i32
          %ne3A_3127 = arith.constant 0 : i32
          %ne3A_3128 = arith.cmpi ne, %rem3A_3126, %ne3A_3127 : i32
          %and3A_3129 = arith.andi %ne3A_3125, %ne3A_3128 : i1
          %sub3A_3130 = arith.constant 1 : i32
          %sub3A_3131 = arith.subi %div3A_3110, %sub3A_3130 : i32
          %select_n3A_3132 = arith.select %and3A_3129, %sub3A_3131, %div3A_3110 : i32
          %jit3A_3133 = arith.constant 4 : i32
          %div3A_3134 = arith.divsi %add3A_468, %jit3A_3133 : i32
          %sign3A_3135 = arith.constant 0 : i32
          %sign3A_3136 = arith.cmpi sgt, %add3A_468, %sign3A_3135 : i32
          %sign3A_3137 = arith.extui %sign3A_3136 : i1 to i32
          %sign3A_3138 = arith.constant 0 : i32
          %sign3A_3139 = arith.cmpi slt, %add3A_468, %sign3A_3138 : i32
          %sign3A_3140 = arith.extui %sign3A_3139 : i1 to i32
          %sign3A_3141 = arith.subi %sign3A_3137, %sign3A_3140 : i32
          %sign3A_3142 = arith.constant 0 : i32
          %sign3A_3143 = arith.cmpi sgt, %jit3A_3133, %sign3A_3142 : i32
          %sign3A_3144 = arith.extui %sign3A_3143 : i1 to i32
          %sign3A_3145 = arith.constant 0 : i32
          %sign3A_3146 = arith.cmpi slt, %jit3A_3133, %sign3A_3145 : i32
          %sign3A_3147 = arith.extui %sign3A_3146 : i1 to i32
          %sign3A_3148 = arith.subi %sign3A_3144, %sign3A_3147 : i32
          %ne3A_3149 = arith.cmpi ne, %sign3A_3141, %sign3A_3148 : i32
          %rem3A_3150 = arith.remsi %add3A_468, %jit3A_3133 : i32
          %ne3A_3151 = arith.constant 0 : i32
          %ne3A_3152 = arith.cmpi ne, %rem3A_3150, %ne3A_3151 : i32
          %and3A_3153 = arith.andi %ne3A_3149, %ne3A_3152 : i1
          %sub3A_3154 = arith.constant 1 : i32
          %sub3A_3155 = arith.subi %div3A_3134, %sub3A_3154 : i32
          %select_n3A_3156 = arith.select %and3A_3153, %sub3A_3155, %div3A_3134 : i32
          %jit3A_3157 = arith.constant 96 : i32
          %eq3A_3158 = arith.constant 0 : i32
          %eq3A_3159 = arith.cmpi eq, %jit3A_3157, %eq3A_3158 : i32
          %jit3A_3160 = arith.constant 1 : i32
          %select_n3A_3161 = arith.select %eq3A_3159, %jit3A_3160, %jit3A_3157 : i32
          %rem3A_3162 = arith.remsi %select_n3A_3156, %select_n3A_3161 : i32
          %ne3A_3163 = arith.constant 0 : i32
          %ne3A_3164 = arith.cmpi ne, %rem3A_3162, %ne3A_3163 : i32
          %lt3A_3165 = arith.constant 0 : i32
          %lt3A_3166 = arith.cmpi slt, %rem3A_3162, %lt3A_3165 : i32
          %lt3A_3167 = arith.constant 0 : i32
          %lt3A_3168 = arith.cmpi slt, %select_n3A_3161, %lt3A_3167 : i32
          %ne3A_3169 = arith.xori %lt3A_3166, %lt3A_3168 : i1
          %and3A_3170 = arith.andi %ne3A_3169, %ne3A_3164 : i1
          %add3A_3171 = arith.addi %rem3A_3162, %select_n3A_3161 : i32
          %select_n3A_3172 = arith.select %and3A_3170, %add3A_3171, %rem3A_3162 : i32
          %jit3A_3173 = arith.constant 4 : i32
          %eq3A_3174 = arith.constant 0 : i32
          %eq3A_3175 = arith.cmpi eq, %jit3A_3173, %eq3A_3174 : i32
          %jit3A_3176 = arith.constant 1 : i32
          %select_n3A_3177 = arith.select %eq3A_3175, %jit3A_3176, %jit3A_3173 : i32
          %rem3A_3178 = arith.remsi %add3A_468, %select_n3A_3177 : i32
          %ne3A_3179 = arith.constant 0 : i32
          %ne3A_3180 = arith.cmpi ne, %rem3A_3178, %ne3A_3179 : i32
          %lt3A_3181 = arith.constant 0 : i32
          %lt3A_3182 = arith.cmpi slt, %rem3A_3178, %lt3A_3181 : i32
          %lt3A_3183 = arith.constant 0 : i32
          %lt3A_3184 = arith.cmpi slt, %select_n3A_3177, %lt3A_3183 : i32
          %ne3A_3185 = arith.xori %lt3A_3182, %lt3A_3184 : i1
          %and3A_3186 = arith.andi %ne3A_3185, %ne3A_3180 : i1
          %add3A_3187 = arith.addi %rem3A_3178, %select_n3A_3177 : i32
          %select_n3A_3188 = arith.select %and3A_3186, %add3A_3187, %rem3A_3178 : i32
          %jit3A_3189 = arith.constant 2 : i32
          %div3A_3190 = arith.divsi %select_n3A_3188, %jit3A_3189 : i32
          %sign3A_3191 = arith.constant 0 : i32
          %sign3A_3192 = arith.cmpi sgt, %select_n3A_3188, %sign3A_3191 : i32
          %sign3A_3193 = arith.extui %sign3A_3192 : i1 to i32
          %sign3A_3194 = arith.constant 0 : i32
          %sign3A_3195 = arith.cmpi slt, %select_n3A_3188, %sign3A_3194 : i32
          %sign3A_3196 = arith.extui %sign3A_3195 : i1 to i32
          %sign3A_3197 = arith.subi %sign3A_3193, %sign3A_3196 : i32
          %sign3A_3198 = arith.constant 0 : i32
          %sign3A_3199 = arith.cmpi sgt, %jit3A_3189, %sign3A_3198 : i32
          %sign3A_3200 = arith.extui %sign3A_3199 : i1 to i32
          %sign3A_3201 = arith.constant 0 : i32
          %sign3A_3202 = arith.cmpi slt, %jit3A_3189, %sign3A_3201 : i32
          %sign3A_3203 = arith.extui %sign3A_3202 : i1 to i32
          %sign3A_3204 = arith.subi %sign3A_3200, %sign3A_3203 : i32
          %ne3A_3205 = arith.cmpi ne, %sign3A_3197, %sign3A_3204 : i32
          %rem3A_3206 = arith.remsi %select_n3A_3188, %jit3A_3189 : i32
          %ne3A_3207 = arith.constant 0 : i32
          %ne3A_3208 = arith.cmpi ne, %rem3A_3206, %ne3A_3207 : i32
          %and3A_3209 = arith.andi %ne3A_3205, %ne3A_3208 : i1
          %sub3A_3210 = arith.constant 1 : i32
          %sub3A_3211 = arith.subi %div3A_3190, %sub3A_3210 : i32
          %select_n3A_3212 = arith.select %and3A_3209, %sub3A_3211, %div3A_3190 : i32
          %jit3A_3213 = arith.constant 2 : i32
          %eq3A_3214 = arith.constant 0 : i32
          %eq3A_3215 = arith.cmpi eq, %jit3A_3213, %eq3A_3214 : i32
          %jit3A_3216 = arith.constant 1 : i32
          %select_n3A_3217 = arith.select %eq3A_3215, %jit3A_3216, %jit3A_3213 : i32
          %rem3A_3218 = arith.remsi %add3A_468, %select_n3A_3217 : i32
          %ne3A_3219 = arith.constant 0 : i32
          %ne3A_3220 = arith.cmpi ne, %rem3A_3218, %ne3A_3219 : i32
          %lt3A_3221 = arith.constant 0 : i32
          %lt3A_3222 = arith.cmpi slt, %rem3A_3218, %lt3A_3221 : i32
          %lt3A_3223 = arith.constant 0 : i32
          %lt3A_3224 = arith.cmpi slt, %select_n3A_3217, %lt3A_3223 : i32
          %ne3A_3225 = arith.xori %lt3A_3222, %lt3A_3224 : i1
          %and3A_3226 = arith.andi %ne3A_3225, %ne3A_3220 : i1
          %add3A_3227 = arith.addi %rem3A_3218, %select_n3A_3217 : i32
          %select_n3A_3228 = arith.select %and3A_3226, %add3A_3227, %rem3A_3218 : i32
          %mul3A_3229 = arith.constant 1 : i32
          %mul3A_3230 = arith.muli %mul3A_3229, %select_n3A_3132 : i32
          %mul3A_3231 = arith.constant 1 : i32
          %mul3A_3232 = arith.muli %mul3A_3231, %select_n3A_3172 : i32
          %mul3A_3233 = arith.constant 112 : i32
          %mul3A_3234 = arith.muli %mul3A_3233, %select_n3A_3212 : i32
          %mul3A_3235 = arith.constant 128 : i32
          %mul3A_3236 = arith.muli %mul3A_3235, %select_n3A_3228 : i32
          %eq3A_3237 = arith.constant 1 : i32
          %eq3A_3238 = arith.cmpi eq, %select_n3A_3228, %eq3A_3237 : i32
          %jit3A_3239 = arith.constant 128 : i32
          %jit3A_3240 = arith.constant 128 : i32
          %select_n3A_3241 = arith.select %eq3A_3238, %jit3A_3239, %jit3A_3240 : i32
          %multiple_of3A_3242 = tpu.assume_multiple %select_n3A_3241, 128 : i32
          %mul3A_3243 = arith.constant 128 : i32
          %mul3A_3244 = arith.muli %select_n3A_3228, %mul3A_3243 : i32
          %dma_start3A_3245 = arith.constant 0 : i32
          %dma_start3A_3246 = arith.constant 0 : i32
          %dma_start3A_3247 = arith.constant 0 : i32
          %dma_start3A_3248 = arith.constant 0 : i32
          %dma_start3A_3249 = tpu.memref_slice %run_scoped3A[%rem3A_3108, %dma_start3A_3245, %dma_start3A_3246, %dma_start3A_3247, %dma_start3A_3248] <%multiple_of3A_3242> : memref<2x1x1x112x128xf32, #tpu.memory_space<vmem>> -> memref<1x1x1x112x?xf32, #tpu.memory_space<vmem>>
          %dma_start3A_3250 = tpu.memref_squeeze %dma_start3A_3249 : memref<1x1x1x112x?xf32, #tpu.memory_space<vmem>> -> memref<1x1x112x?xf32, #tpu.memory_space<vmem>>
          %dma_start3A_3251 = tpu.memref_slice %arg2[%mul3A_3230, %mul3A_3232, %mul3A_3234, %mul3A_3244] <%multiple_of3A_3242> : memref<8x96x224x224xf32, #tpu.memory_space<hbm>> -> memref<1x1x112x?xf32, #tpu.memory_space<hbm>>
          %dma_start3A_3252 = tpu.memref_slice %run_scoped3A_7[%rem3A_3108] : memref<2x!tpu.dma_semaphore, #tpu.memory_space<semaphore_mem>> -> memref<1x!tpu.dma_semaphore, #tpu.memory_space<semaphore_mem>>
          %dma_start3A_3253 = tpu.memref_squeeze %dma_start3A_3252 : memref<1x!tpu.dma_semaphore, #tpu.memory_space<semaphore_mem>> -> memref<!tpu.dma_semaphore, #tpu.memory_space<semaphore_mem>>
          %dma_start3A_3254 = arith.constant 0 : i32
          %dma_start3A_3255 = arith.constant 0 : i32
          %dma_start3A_3256 = arith.constant 0 : i32
          %dma_start3A_3257 = arith.constant 0 : i32
          %dma_start3A_3258 = tpu.memref_slice %run_scoped3A[%rem3A_3108, %dma_start3A_3254, %dma_start3A_3255, %dma_start3A_3256, %dma_start3A_3257] <%multiple_of3A_3242> : memref<2x1x1x112x128xf32, #tpu.memory_space<vmem>> -> memref<1x1x1x112x?xf32, #tpu.memory_space<vmem>>
          %dma_start3A_3259 = tpu.memref_squeeze %dma_start3A_3258 : memref<1x1x1x112x?xf32, #tpu.memory_space<vmem>> -> memref<1x1x112x?xf32, #tpu.memory_space<vmem>>
          %dma_start3A_3260 = tpu.memref_slice %arg2[%mul3A_3230, %mul3A_3232, %mul3A_3234, %mul3A_3244] <%multiple_of3A_3242> : memref<8x96x224x224xf32, #tpu.memory_space<hbm>> -> memref<1x1x112x?xf32, #tpu.memory_space<hbm>>
          tpu.enqueue_dma source(%dma_start3A_3260 : memref<1x1x112x?xf32, #tpu.memory_space<hbm>>) target(%dma_start3A_3259 : memref<1x1x112x?xf32, #tpu.memory_space<vmem>>) target_semaphore(%dma_start3A_3253 : memref<!tpu.dma_semaphore, #tpu.memory_space<semaphore_mem>>)
          "tpu.trace_stop"() : () -> ()
        } else {
        }
        %and3A_730 = arith.constant true
        %and3A_731 = arith.andi %and3A_728, %and3A_730 : i1
        %add3A_732 = arith.constant 1 : i32
        %add3A_733 = arith.addi %scan3A_439, %add3A_732 : i32
        %select_n3A_734 = arith.select %and3A_731, %add3A_733, %scan3A_439 : i32
        %jit3A_735 = arith.constant 4 : i32
        %div3A_736 = arith.divsi %add3A_450, %jit3A_735 : i32
        %sign3A_737 = arith.constant 0 : i32
        %sign3A_738 = arith.cmpi sgt, %add3A_450, %sign3A_737 : i32
        %sign3A_739 = arith.extui %sign3A_738 : i1 to i32
        %sign3A_740 = arith.constant 0 : i32
        %sign3A_741 = arith.cmpi slt, %add3A_450, %sign3A_740 : i32
        %sign3A_742 = arith.extui %sign3A_741 : i1 to i32
        %sign3A_743 = arith.subi %sign3A_739, %sign3A_742 : i32
        %sign3A_744 = arith.constant 0 : i32
        %sign3A_745 = arith.cmpi sgt, %jit3A_735, %sign3A_744 : i32
        %sign3A_746 = arith.extui %sign3A_745 : i1 to i32
        %sign3A_747 = arith.constant 0 : i32
        %sign3A_748 = arith.cmpi slt, %jit3A_735, %sign3A_747 : i32
        %sign3A_749 = arith.extui %sign3A_748 : i1 to i32
        %sign3A_750 = arith.subi %sign3A_746, %sign3A_749 : i32
        %ne3A_751 = arith.cmpi ne, %sign3A_743, %sign3A_750 : i32
        %rem3A_752 = arith.remsi %add3A_450, %jit3A_735 : i32
        %ne3A_753 = arith.constant 0 : i32
        %ne3A_754 = arith.cmpi ne, %rem3A_752, %ne3A_753 : i32
        %and3A_755 = arith.andi %ne3A_751, %ne3A_754 : i1
        %sub3A_756 = arith.constant 1 : i32
        %sub3A_757 = arith.subi %div3A_736, %sub3A_756 : i32
        %select_n3A_758 = arith.select %and3A_755, %sub3A_757, %div3A_736 : i32
        %jit3A_759 = arith.constant 4 : i32
        %div3A_760 = arith.divsi %add3A_468, %jit3A_759 : i32
        %sign3A_761 = arith.constant 0 : i32
        %sign3A_762 = arith.cmpi sgt, %add3A_468, %sign3A_761 : i32
        %sign3A_763 = arith.extui %sign3A_762 : i1 to i32
        %sign3A_764 = arith.constant 0 : i32
        %sign3A_765 = arith.cmpi slt, %add3A_468, %sign3A_764 : i32
        %sign3A_766 = arith.extui %sign3A_765 : i1 to i32
        %sign3A_767 = arith.subi %sign3A_763, %sign3A_766 : i32
        %sign3A_768 = arith.constant 0 : i32
        %sign3A_769 = arith.cmpi sgt, %jit3A_759, %sign3A_768 : i32
        %sign3A_770 = arith.extui %sign3A_769 : i1 to i32
        %sign3A_771 = arith.constant 0 : i32
        %sign3A_772 = arith.cmpi slt, %jit3A_759, %sign3A_771 : i32
        %sign3A_773 = arith.extui %sign3A_772 : i1 to i32
        %sign3A_774 = arith.subi %sign3A_770, %sign3A_773 : i32
        %ne3A_775 = arith.cmpi ne, %sign3A_767, %sign3A_774 : i32
        %rem3A_776 = arith.remsi %add3A_468, %jit3A_759 : i32
        %ne3A_777 = arith.constant 0 : i32
        %ne3A_778 = arith.cmpi ne, %rem3A_776, %ne3A_777 : i32
        %and3A_779 = arith.andi %ne3A_775, %ne3A_778 : i1
        %sub3A_780 = arith.constant 1 : i32
        %sub3A_781 = arith.subi %div3A_760, %sub3A_780 : i32
        %select_n3A_782 = arith.select %and3A_779, %sub3A_781, %div3A_760 : i32
        %ne3A_783 = arith.cmpi ne, %select_n3A_758, %select_n3A_782 : i32
        %or3A_784 = arith.constant false
        %or3A_785 = arith.ori %or3A_784, %ne3A_783 : i1
        %or3A_786 = arith.constant false
        %or3A_787 = arith.ori %or3A_785, %or3A_786 : i1
        %ge3A_788 = arith.constant 95 : i32
        %ge3A_789 = arith.cmpi sge, %scan3A_438, %ge3A_788 : i32
        %not3A_790 = arith.constant true
        %not3A_791 = arith.xori %ge3A_789, %not3A_790 : i1
        %and3A_792 = arith.andi %or3A_787, %not3A_791 : i1
        %convert_element_type3A_793 = arith.extui %and3A_792 : i1 to i32
        %cond3A_794 = arith.constant 0 : i32
        %cond3A_795 = arith.cmpi ne, %convert_element_type3A_793, %cond3A_794 : i32
        scf.if %cond3A_795 {
          "tpu.trace_start"() <{level = 10 : i32, message = "ep_copy_in"}> : () -> ()
          %rem3A_3107 = arith.constant 2 : i32
          %rem3A_3108 = arith.remui %scan3A_441, %rem3A_3107 : i32
          %jit3A_3109 = arith.constant 4 : i32
          %div3A_3110 = arith.divsi %add3A_468, %jit3A_3109 : i32
          %sign3A_3111 = arith.constant 0 : i32
          %sign3A_3112 = arith.cmpi sgt, %add3A_468, %sign3A_3111 : i32
          %sign3A_3113 = arith.extui %sign3A_3112 : i1 to i32
          %sign3A_3114 = arith.constant 0 : i32
          %sign3A_3115 = arith.cmpi slt, %add3A_468, %sign3A_3114 : i32
          %sign3A_3116 = arith.extui %sign3A_3115 : i1 to i32
          %sign3A_3117 = arith.subi %sign3A_3113, %sign3A_3116 : i32
          %sign3A_3118 = arith.constant 0 : i32
          %sign3A_3119 = arith.cmpi sgt, %jit3A_3109, %sign3A_3118 : i32
          %sign3A_3120 = arith.extui %sign3A_3119 : i1 to i32
          %sign3A_3121 = arith.constant 0 : i32
          %sign3A_3122 = arith.cmpi slt, %jit3A_3109, %sign3A_3121 : i32
          %sign3A_3123 = arith.extui %sign3A_3122 : i1 to i32
          %sign3A_3124 = arith.subi %sign3A_3120, %sign3A_3123 : i32
          %ne3A_3125 = arith.cmpi ne, %sign3A_3117, %sign3A_3124 : i32
          %rem3A_3126 = arith.remsi %add3A_468, %jit3A_3109 : i32
          %ne3A_3127 = arith.constant 0 : i32
          %ne3A_3128 = arith.cmpi ne, %rem3A_3126, %ne3A_3127 : i32
          %and3A_3129 = arith.andi %ne3A_3125, %ne3A_3128 : i1
          %sub3A_3130 = arith.constant 1 : i32
          %sub3A_3131 = arith.subi %div3A_3110, %sub3A_3130 : i32
          %select_n3A_3132 = arith.select %and3A_3129, %sub3A_3131, %div3A_3110 : i32
          %mul3A_3133 = arith.constant 1 : i32
          %mul3A_3134 = arith.muli %mul3A_3133, %select_n3A_3132 : i32
          %dma_start3A_3135 = arith.constant 0 : i32
          %dma_start3A_3136 = arith.constant 0 : i32
          %dma_start3A_3137 = tpu.memref_slice %run_scoped3A_8[%rem3A_3108, %dma_start3A_3135, %dma_start3A_3136] : memref<2x1x16xf32, #tpu.memory_space<vmem>> -> memref<1x1x16xf32, #tpu.memory_space<vmem>>
          %dma_start3A_3138 = tpu.memref_squeeze %dma_start3A_3137 : memref<1x1x16xf32, #tpu.memory_space<vmem>> -> memref<1x16xf32, #tpu.memory_space<vmem>>
          %dma_start3A_3139 = arith.constant 0 : i32
          %dma_start3A_3140 = tpu.memref_slice %arg3[%mul3A_3134, %dma_start3A_3139] : memref<768x16xf32, #tpu.memory_space<hbm>> -> memref<1x16xf32, #tpu.memory_space<hbm>>
          %dma_start3A_3141 = tpu.memref_slice %run_scoped3A_9[%rem3A_3108] : memref<2x!tpu.dma_semaphore, #tpu.memory_space<semaphore_mem>> -> memref<1x!tpu.dma_semaphore, #tpu.memory_space<semaphore_mem>>
          %dma_start3A_3142 = tpu.memref_squeeze %dma_start3A_3141 : memref<1x!tpu.dma_semaphore, #tpu.memory_space<semaphore_mem>> -> memref<!tpu.dma_semaphore, #tpu.memory_space<semaphore_mem>>
          %dma_start3A_3143 = arith.constant 0 : i32
          %dma_start3A_3144 = arith.constant 0 : i32
          %dma_start3A_3145 = tpu.memref_slice %run_scoped3A_8[%rem3A_3108, %dma_start3A_3143, %dma_start3A_3144] : memref<2x1x16xf32, #tpu.memory_space<vmem>> -> memref<1x1x16xf32, #tpu.memory_space<vmem>>
          %dma_start3A_3146 = tpu.memref_squeeze %dma_start3A_3145 : memref<1x1x16xf32, #tpu.memory_space<vmem>> -> memref<1x16xf32, #tpu.memory_space<vmem>>
          %dma_start3A_3147 = arith.constant 0 : i32
          %dma_start3A_3148 = tpu.memref_slice %arg3[%mul3A_3134, %dma_start3A_3147] : memref<768x16xf32, #tpu.memory_space<hbm>> -> memref<1x16xf32, #tpu.memory_space<hbm>>
          tpu.enqueue_dma source(%dma_start3A_3148 : memref<1x16xf32, #tpu.memory_space<hbm>>) target(%dma_start3A_3146 : memref<1x16xf32, #tpu.memory_space<vmem>>) target_semaphore(%dma_start3A_3142 : memref<!tpu.dma_semaphore, #tpu.memory_space<semaphore_mem>>)
          "tpu.trace_stop"() : () -> ()
        } else {
        }
        %and3A_796 = arith.constant true
        %and3A_797 = arith.andi %and3A_792, %and3A_796 : i1
        %add3A_798 = arith.constant 1 : i32
        %add3A_799 = arith.addi %scan3A_441, %add3A_798 : i32
        %select_n3A_800 = arith.select %and3A_797, %add3A_799, %scan3A_441 : i32
        %jit3A_801 = arith.constant 384 : i32
        %div3A_802 = arith.divsi %add3A_450, %jit3A_801 : i32
        %sign3A_803 = arith.constant 0 : i32
        %sign3A_804 = arith.cmpi sgt, %add3A_450, %sign3A_803 : i32
        %sign3A_805 = arith.extui %sign3A_804 : i1 to i32
        %sign3A_806 = arith.constant 0 : i32
        %sign3A_807 = arith.cmpi slt, %add3A_450, %sign3A_806 : i32
        %sign3A_808 = arith.extui %sign3A_807 : i1 to i32
        %sign3A_809 = arith.subi %sign3A_805, %sign3A_808 : i32
        %sign3A_810 = arith.constant 0 : i32
        %sign3A_811 = arith.cmpi sgt, %jit3A_801, %sign3A_810 : i32
        %sign3A_812 = arith.extui %sign3A_811 : i1 to i32
        %sign3A_813 = arith.constant 0 : i32
        %sign3A_814 = arith.cmpi slt, %jit3A_801, %sign3A_813 : i32
        %sign3A_815 = arith.extui %sign3A_814 : i1 to i32
        %sign3A_816 = arith.subi %sign3A_812, %sign3A_815 : i32
        %ne3A_817 = arith.cmpi ne, %sign3A_809, %sign3A_816 : i32
        %rem3A_818 = arith.remsi %add3A_450, %jit3A_801 : i32
        %ne3A_819 = arith.constant 0 : i32
        %ne3A_820 = arith.cmpi ne, %rem3A_818, %ne3A_819 : i32
        %and3A_821 = arith.andi %ne3A_817, %ne3A_820 : i1
        %sub3A_822 = arith.constant 1 : i32
        %sub3A_823 = arith.subi %div3A_802, %sub3A_822 : i32
        %select_n3A_824 = arith.select %and3A_821, %sub3A_823, %div3A_802 : i32
        %jit3A_825 = arith.constant 4 : i32
        %div3A_826 = arith.divsi %add3A_450, %jit3A_825 : i32
        %sign3A_827 = arith.constant 0 : i32
        %sign3A_828 = arith.cmpi sgt, %add3A_450, %sign3A_827 : i32
        %sign3A_829 = arith.extui %sign3A_828 : i1 to i32
        %sign3A_830 = arith.constant 0 : i32
        %sign3A_831 = arith.cmpi slt, %add3A_450, %sign3A_830 : i32
        %sign3A_832 = arith.extui %sign3A_831 : i1 to i32
        %sign3A_833 = arith.subi %sign3A_829, %sign3A_832 : i32
        %sign3A_834 = arith.constant 0 : i32
        %sign3A_835 = arith.cmpi sgt, %jit3A_825, %sign3A_834 : i32
        %sign3A_836 = arith.extui %sign3A_835 : i1 to i32
        %sign3A_837 = arith.constant 0 : i32
        %sign3A_838 = arith.cmpi slt, %jit3A_825, %sign3A_837 : i32
        %sign3A_839 = arith.extui %sign3A_838 : i1 to i32
        %sign3A_840 = arith.subi %sign3A_836, %sign3A_839 : i32
        %ne3A_841 = arith.cmpi ne, %sign3A_833, %sign3A_840 : i32
        %rem3A_842 = arith.remsi %add3A_450, %jit3A_825 : i32
        %ne3A_843 = arith.constant 0 : i32
        %ne3A_844 = arith.cmpi ne, %rem3A_842, %ne3A_843 : i32
        %and3A_845 = arith.andi %ne3A_841, %ne3A_844 : i1
        %sub3A_846 = arith.constant 1 : i32
        %sub3A_847 = arith.subi %div3A_826, %sub3A_846 : i32
        %select_n3A_848 = arith.select %and3A_845, %sub3A_847, %div3A_826 : i32
        %jit3A_849 = arith.constant 96 : i32
        %eq3A_850 = arith.constant 0 : i32
        %eq3A_851 = arith.cmpi eq, %jit3A_849, %eq3A_850 : i32
        %jit3A_852 = arith.constant 1 : i32
        %select_n3A_853 = arith.select %eq3A_851, %jit3A_852, %jit3A_849 : i32
        %rem3A_854 = arith.remsi %select_n3A_848, %select_n3A_853 : i32
        %ne3A_855 = arith.constant 0 : i32
        %ne3A_856 = arith.cmpi ne, %rem3A_854, %ne3A_855 : i32
        %lt3A_857 = arith.constant 0 : i32
        %lt3A_858 = arith.cmpi slt, %rem3A_854, %lt3A_857 : i32
        %lt3A_859 = arith.constant 0 : i32
        %lt3A_860 = arith.cmpi slt, %select_n3A_853, %lt3A_859 : i32
        %ne3A_861 = arith.xori %lt3A_858, %lt3A_860 : i1
        %and3A_862 = arith.andi %ne3A_861, %ne3A_856 : i1
        %add3A_863 = arith.addi %rem3A_854, %select_n3A_853 : i32
        %select_n3A_864 = arith.select %and3A_862, %add3A_863, %rem3A_854 : i32
        %jit3A_865 = arith.constant 4 : i32
        %eq3A_866 = arith.constant 0 : i32
        %eq3A_867 = arith.cmpi eq, %jit3A_865, %eq3A_866 : i32
        %jit3A_868 = arith.constant 1 : i32
        %select_n3A_869 = arith.select %eq3A_867, %jit3A_868, %jit3A_865 : i32
        %rem3A_870 = arith.remsi %add3A_450, %select_n3A_869 : i32
        %ne3A_871 = arith.constant 0 : i32
        %ne3A_872 = arith.cmpi ne, %rem3A_870, %ne3A_871 : i32
        %lt3A_873 = arith.constant 0 : i32
        %lt3A_874 = arith.cmpi slt, %rem3A_870, %lt3A_873 : i32
        %lt3A_875 = arith.constant 0 : i32
        %lt3A_876 = arith.cmpi slt, %select_n3A_869, %lt3A_875 : i32
        %ne3A_877 = arith.xori %lt3A_874, %lt3A_876 : i1
        %and3A_878 = arith.andi %ne3A_877, %ne3A_872 : i1
        %add3A_879 = arith.addi %rem3A_870, %select_n3A_869 : i32
        %select_n3A_880 = arith.select %and3A_878, %add3A_879, %rem3A_870 : i32
        %jit3A_881 = arith.constant 2 : i32
        %div3A_882 = arith.divsi %select_n3A_880, %jit3A_881 : i32
        %sign3A_883 = arith.constant 0 : i32
        %sign3A_884 = arith.cmpi sgt, %select_n3A_880, %sign3A_883 : i32
        %sign3A_885 = arith.extui %sign3A_884 : i1 to i32
        %sign3A_886 = arith.constant 0 : i32
        %sign3A_887 = arith.cmpi slt, %select_n3A_880, %sign3A_886 : i32
        %sign3A_888 = arith.extui %sign3A_887 : i1 to i32
        %sign3A_889 = arith.subi %sign3A_885, %sign3A_888 : i32
        %sign3A_890 = arith.constant 0 : i32
        %sign3A_891 = arith.cmpi sgt, %jit3A_881, %sign3A_890 : i32
        %sign3A_892 = arith.extui %sign3A_891 : i1 to i32
        %sign3A_893 = arith.constant 0 : i32
        %sign3A_894 = arith.cmpi slt, %jit3A_881, %sign3A_893 : i32
        %sign3A_895 = arith.extui %sign3A_894 : i1 to i32
        %sign3A_896 = arith.subi %sign3A_892, %sign3A_895 : i32
        %ne3A_897 = arith.cmpi ne, %sign3A_889, %sign3A_896 : i32
        %rem3A_898 = arith.remsi %select_n3A_880, %jit3A_881 : i32
        %ne3A_899 = arith.constant 0 : i32
        %ne3A_900 = arith.cmpi ne, %rem3A_898, %ne3A_899 : i32
        %and3A_901 = arith.andi %ne3A_897, %ne3A_900 : i1
        %sub3A_902 = arith.constant 1 : i32
        %sub3A_903 = arith.subi %div3A_882, %sub3A_902 : i32
        %select_n3A_904 = arith.select %and3A_901, %sub3A_903, %div3A_882 : i32
        %jit3A_905 = arith.constant 2 : i32
        %eq3A_906 = arith.constant 0 : i32
        %eq3A_907 = arith.cmpi eq, %jit3A_905, %eq3A_906 : i32
        %jit3A_908 = arith.constant 1 : i32
        %select_n3A_909 = arith.select %eq3A_907, %jit3A_908, %jit3A_905 : i32
        %rem3A_910 = arith.remsi %add3A_450, %select_n3A_909 : i32
        %ne3A_911 = arith.constant 0 : i32
        %ne3A_912 = arith.cmpi ne, %rem3A_910, %ne3A_911 : i32
        %lt3A_913 = arith.constant 0 : i32
        %lt3A_914 = arith.cmpi slt, %rem3A_910, %lt3A_913 : i32
        %lt3A_915 = arith.constant 0 : i32
        %lt3A_916 = arith.cmpi slt, %select_n3A_909, %lt3A_915 : i32
        %ne3A_917 = arith.xori %lt3A_914, %lt3A_916 : i1
        %and3A_918 = arith.andi %ne3A_917, %ne3A_912 : i1
        %add3A_919 = arith.addi %rem3A_910, %select_n3A_909 : i32
        %select_n3A_920 = arith.select %and3A_918, %add3A_919, %rem3A_910 : i32
        %jit3A_921 = arith.constant 384 : i32
        %div3A_922 = arith.divsi %add3A_468, %jit3A_921 : i32
        %sign3A_923 = arith.constant 0 : i32
        %sign3A_924 = arith.cmpi sgt, %add3A_468, %sign3A_923 : i32
        %sign3A_925 = arith.extui %sign3A_924 : i1 to i32
        %sign3A_926 = arith.constant 0 : i32
        %sign3A_927 = arith.cmpi slt, %add3A_468, %sign3A_926 : i32
        %sign3A_928 = arith.extui %sign3A_927 : i1 to i32
        %sign3A_929 = arith.subi %sign3A_925, %sign3A_928 : i32
        %sign3A_930 = arith.constant 0 : i32
        %sign3A_931 = arith.cmpi sgt, %jit3A_921, %sign3A_930 : i32
        %sign3A_932 = arith.extui %sign3A_931 : i1 to i32
        %sign3A_933 = arith.constant 0 : i32
        %sign3A_934 = arith.cmpi slt, %jit3A_921, %sign3A_933 : i32
        %sign3A_935 = arith.extui %sign3A_934 : i1 to i32
        %sign3A_936 = arith.subi %sign3A_932, %sign3A_935 : i32
        %ne3A_937 = arith.cmpi ne, %sign3A_929, %sign3A_936 : i32
        %rem3A_938 = arith.remsi %add3A_468, %jit3A_921 : i32
        %ne3A_939 = arith.constant 0 : i32
        %ne3A_940 = arith.cmpi ne, %rem3A_938, %ne3A_939 : i32
        %and3A_941 = arith.andi %ne3A_937, %ne3A_940 : i1
        %sub3A_942 = arith.constant 1 : i32
        %sub3A_943 = arith.subi %div3A_922, %sub3A_942 : i32
        %select_n3A_944 = arith.select %and3A_941, %sub3A_943, %div3A_922 : i32
        %jit3A_945 = arith.constant 4 : i32
        %div3A_946 = arith.divsi %add3A_468, %jit3A_945 : i32
        %sign3A_947 = arith.constant 0 : i32
        %sign3A_948 = arith.cmpi sgt, %add3A_468, %sign3A_947 : i32
        %sign3A_949 = arith.extui %sign3A_948 : i1 to i32
        %sign3A_950 = arith.constant 0 : i32
        %sign3A_951 = arith.cmpi slt, %add3A_468, %sign3A_950 : i32
        %sign3A_952 = arith.extui %sign3A_951 : i1 to i32
        %sign3A_953 = arith.subi %sign3A_949, %sign3A_952 : i32
        %sign3A_954 = arith.constant 0 : i32
        %sign3A_955 = arith.cmpi sgt, %jit3A_945, %sign3A_954 : i32
        %sign3A_956 = arith.extui %sign3A_955 : i1 to i32
        %sign3A_957 = arith.constant 0 : i32
        %sign3A_958 = arith.cmpi slt, %jit3A_945, %sign3A_957 : i32
        %sign3A_959 = arith.extui %sign3A_958 : i1 to i32
        %sign3A_960 = arith.subi %sign3A_956, %sign3A_959 : i32
        %ne3A_961 = arith.cmpi ne, %sign3A_953, %sign3A_960 : i32
        %rem3A_962 = arith.remsi %add3A_468, %jit3A_945 : i32
        %ne3A_963 = arith.constant 0 : i32
        %ne3A_964 = arith.cmpi ne, %rem3A_962, %ne3A_963 : i32
        %and3A_965 = arith.andi %ne3A_961, %ne3A_964 : i1
        %sub3A_966 = arith.constant 1 : i32
        %sub3A_967 = arith.subi %div3A_946, %sub3A_966 : i32
        %select_n3A_968 = arith.select %and3A_965, %sub3A_967, %div3A_946 : i32
        %jit3A_969 = arith.constant 96 : i32
        %eq3A_970 = arith.constant 0 : i32
        %eq3A_971 = arith.cmpi eq, %jit3A_969, %eq3A_970 : i32
        %jit3A_972 = arith.constant 1 : i32
        %select_n3A_973 = arith.select %eq3A_971, %jit3A_972, %jit3A_969 : i32
        %rem3A_974 = arith.remsi %select_n3A_968, %select_n3A_973 : i32
        %ne3A_975 = arith.constant 0 : i32
        %ne3A_976 = arith.cmpi ne, %rem3A_974, %ne3A_975 : i32
        %lt3A_977 = arith.constant 0 : i32
        %lt3A_978 = arith.cmpi slt, %rem3A_974, %lt3A_977 : i32
        %lt3A_979 = arith.constant 0 : i32
        %lt3A_980 = arith.cmpi slt, %select_n3A_973, %lt3A_979 : i32
        %ne3A_981 = arith.xori %lt3A_978, %lt3A_980 : i1
        %and3A_982 = arith.andi %ne3A_981, %ne3A_976 : i1
        %add3A_983 = arith.addi %rem3A_974, %select_n3A_973 : i32
        %select_n3A_984 = arith.select %and3A_982, %add3A_983, %rem3A_974 : i32
        %jit3A_985 = arith.constant 4 : i32
        %eq3A_986 = arith.constant 0 : i32
        %eq3A_987 = arith.cmpi eq, %jit3A_985, %eq3A_986 : i32
        %jit3A_988 = arith.constant 1 : i32
        %select_n3A_989 = arith.select %eq3A_987, %jit3A_988, %jit3A_985 : i32
        %rem3A_990 = arith.remsi %add3A_468, %select_n3A_989 : i32
        %ne3A_991 = arith.constant 0 : i32
        %ne3A_992 = arith.cmpi ne, %rem3A_990, %ne3A_991 : i32
        %lt3A_993 = arith.constant 0 : i32
        %lt3A_994 = arith.cmpi slt, %rem3A_990, %lt3A_993 : i32
        %lt3A_995 = arith.constant 0 : i32
        %lt3A_996 = arith.cmpi slt, %select_n3A_989, %lt3A_995 : i32
        %ne3A_997 = arith.xori %lt3A_994, %lt3A_996 : i1
        %and3A_998 = arith.andi %ne3A_997, %ne3A_992 : i1
        %add3A_999 = arith.addi %rem3A_990, %select_n3A_989 : i32
        %select_n3A_1000 = arith.select %and3A_998, %add3A_999, %rem3A_990 : i32
        %jit3A_1001 = arith.constant 2 : i32
        %div3A_1002 = arith.divsi %select_n3A_1000, %jit3A_1001 : i32
        %sign3A_1003 = arith.constant 0 : i32
        %sign3A_1004 = arith.cmpi sgt, %select_n3A_1000, %sign3A_1003 : i32
        %sign3A_1005 = arith.extui %sign3A_1004 : i1 to i32
        %sign3A_1006 = arith.constant 0 : i32
        %sign3A_1007 = arith.cmpi slt, %select_n3A_1000, %sign3A_1006 : i32
        %sign3A_1008 = arith.extui %sign3A_1007 : i1 to i32
        %sign3A_1009 = arith.subi %sign3A_1005, %sign3A_1008 : i32
        %sign3A_1010 = arith.constant 0 : i32
        %sign3A_1011 = arith.cmpi sgt, %jit3A_1001, %sign3A_1010 : i32
        %sign3A_1012 = arith.extui %sign3A_1011 : i1 to i32
        %sign3A_1013 = arith.constant 0 : i32
        %sign3A_1014 = arith.cmpi slt, %jit3A_1001, %sign3A_1013 : i32
        %sign3A_1015 = arith.extui %sign3A_1014 : i1 to i32
        %sign3A_1016 = arith.subi %sign3A_1012, %sign3A_1015 : i32
        %ne3A_1017 = arith.cmpi ne, %sign3A_1009, %sign3A_1016 : i32
        %rem3A_1018 = arith.remsi %select_n3A_1000, %jit3A_1001 : i32
        %ne3A_1019 = arith.constant 0 : i32
        %ne3A_1020 = arith.cmpi ne, %rem3A_1018, %ne3A_1019 : i32
        %and3A_1021 = arith.andi %ne3A_1017, %ne3A_1020 : i1
        %sub3A_1022 = arith.constant 1 : i32
        %sub3A_1023 = arith.subi %div3A_1002, %sub3A_1022 : i32
        %select_n3A_1024 = arith.select %and3A_1021, %sub3A_1023, %div3A_1002 : i32
        %jit3A_1025 = arith.constant 2 : i32
        %eq3A_1026 = arith.constant 0 : i32
        %eq3A_1027 = arith.cmpi eq, %jit3A_1025, %eq3A_1026 : i32
        %jit3A_1028 = arith.constant 1 : i32
        %select_n3A_1029 = arith.select %eq3A_1027, %jit3A_1028, %jit3A_1025 : i32
        %rem3A_1030 = arith.remsi %add3A_468, %select_n3A_1029 : i32
        %ne3A_1031 = arith.constant 0 : i32
        %ne3A_1032 = arith.cmpi ne, %rem3A_1030, %ne3A_1031 : i32
        %lt3A_1033 = arith.constant 0 : i32
        %lt3A_1034 = arith.cmpi slt, %rem3A_1030, %lt3A_1033 : i32
        %lt3A_1035 = arith.constant 0 : i32
        %lt3A_1036 = arith.cmpi slt, %select_n3A_1029, %lt3A_1035 : i32
        %ne3A_1037 = arith.xori %lt3A_1034, %lt3A_1036 : i1
        %and3A_1038 = arith.andi %ne3A_1037, %ne3A_1032 : i1
        %add3A_1039 = arith.addi %rem3A_1030, %select_n3A_1029 : i32
        %select_n3A_1040 = arith.select %and3A_1038, %add3A_1039, %rem3A_1030 : i32
        %ne3A_1041 = arith.cmpi ne, %select_n3A_824, %select_n3A_944 : i32
        %ne3A_1042 = arith.cmpi ne, %select_n3A_864, %select_n3A_984 : i32
        %ne3A_1043 = arith.cmpi ne, %select_n3A_904, %select_n3A_1024 : i32
        %ne3A_1044 = arith.cmpi ne, %select_n3A_920, %select_n3A_1040 : i32
        %or3A_1045 = arith.constant false
        %or3A_1046 = arith.ori %or3A_1045, %ne3A_1041 : i1
        %or3A_1047 = arith.ori %or3A_1046, %ne3A_1042 : i1
        %or3A_1048 = arith.ori %or3A_1047, %ne3A_1043 : i1
        %or3A_1049 = arith.ori %or3A_1048, %ne3A_1044 : i1
        %ge3A_1050 = arith.constant 95 : i32
        %ge3A_1051 = arith.cmpi sge, %scan3A_438, %ge3A_1050 : i32
        %not3A_1052 = arith.constant true
        %not3A_1053 = arith.xori %ge3A_1051, %not3A_1052 : i1
        %and3A_1054 = arith.andi %or3A_1049, %not3A_1053 : i1
        %jit3A_1055 = arith.constant 384 : i32
        %div3A_1056 = arith.divsi %add3A_450, %jit3A_1055 : i32
        %sign3A_1057 = arith.constant 0 : i32
        %sign3A_1058 = arith.cmpi sgt, %add3A_450, %sign3A_1057 : i32
        %sign3A_1059 = arith.extui %sign3A_1058 : i1 to i32
        %sign3A_1060 = arith.constant 0 : i32
        %sign3A_1061 = arith.cmpi slt, %add3A_450, %sign3A_1060 : i32
        %sign3A_1062 = arith.extui %sign3A_1061 : i1 to i32
        %sign3A_1063 = arith.subi %sign3A_1059, %sign3A_1062 : i32
        %sign3A_1064 = arith.constant 0 : i32
        %sign3A_1065 = arith.cmpi sgt, %jit3A_1055, %sign3A_1064 : i32
        %sign3A_1066 = arith.extui %sign3A_1065 : i1 to i32
        %sign3A_1067 = arith.constant 0 : i32
        %sign3A_1068 = arith.cmpi slt, %jit3A_1055, %sign3A_1067 : i32
        %sign3A_1069 = arith.extui %sign3A_1068 : i1 to i32
        %sign3A_1070 = arith.subi %sign3A_1066, %sign3A_1069 : i32
        %ne3A_1071 = arith.cmpi ne, %sign3A_1063, %sign3A_1070 : i32
        %rem3A_1072 = arith.remsi %add3A_450, %jit3A_1055 : i32
        %ne3A_1073 = arith.constant 0 : i32
        %ne3A_1074 = arith.cmpi ne, %rem3A_1072, %ne3A_1073 : i32
        %and3A_1075 = arith.andi %ne3A_1071, %ne3A_1074 : i1
        %sub3A_1076 = arith.constant 1 : i32
        %sub3A_1077 = arith.subi %div3A_1056, %sub3A_1076 : i32
        %select_n3A_1078 = arith.select %and3A_1075, %sub3A_1077, %div3A_1056 : i32
        %jit3A_1079 = arith.constant 4 : i32
        %div3A_1080 = arith.divsi %add3A_450, %jit3A_1079 : i32
        %sign3A_1081 = arith.constant 0 : i32
        %sign3A_1082 = arith.cmpi sgt, %add3A_450, %sign3A_1081 : i32
        %sign3A_1083 = arith.extui %sign3A_1082 : i1 to i32
        %sign3A_1084 = arith.constant 0 : i32
        %sign3A_1085 = arith.cmpi slt, %add3A_450, %sign3A_1084 : i32
        %sign3A_1086 = arith.extui %sign3A_1085 : i1 to i32
        %sign3A_1087 = arith.subi %sign3A_1083, %sign3A_1086 : i32
        %sign3A_1088 = arith.constant 0 : i32
        %sign3A_1089 = arith.cmpi sgt, %jit3A_1079, %sign3A_1088 : i32
        %sign3A_1090 = arith.extui %sign3A_1089 : i1 to i32
        %sign3A_1091 = arith.constant 0 : i32
        %sign3A_1092 = arith.cmpi slt, %jit3A_1079, %sign3A_1091 : i32
        %sign3A_1093 = arith.extui %sign3A_1092 : i1 to i32
        %sign3A_1094 = arith.subi %sign3A_1090, %sign3A_1093 : i32
        %ne3A_1095 = arith.cmpi ne, %sign3A_1087, %sign3A_1094 : i32
        %rem3A_1096 = arith.remsi %add3A_450, %jit3A_1079 : i32
        %ne3A_1097 = arith.constant 0 : i32
        %ne3A_1098 = arith.cmpi ne, %rem3A_1096, %ne3A_1097 : i32
        %and3A_1099 = arith.andi %ne3A_1095, %ne3A_1098 : i1
        %sub3A_1100 = arith.constant 1 : i32
        %sub3A_1101 = arith.subi %div3A_1080, %sub3A_1100 : i32
        %select_n3A_1102 = arith.select %and3A_1099, %sub3A_1101, %div3A_1080 : i32
        %jit3A_1103 = arith.constant 96 : i32
        %eq3A_1104 = arith.constant 0 : i32
        %eq3A_1105 = arith.cmpi eq, %jit3A_1103, %eq3A_1104 : i32
        %jit3A_1106 = arith.constant 1 : i32
        %select_n3A_1107 = arith.select %eq3A_1105, %jit3A_1106, %jit3A_1103 : i32
        %rem3A_1108 = arith.remsi %select_n3A_1102, %select_n3A_1107 : i32
        %ne3A_1109 = arith.constant 0 : i32
        %ne3A_1110 = arith.cmpi ne, %rem3A_1108, %ne3A_1109 : i32
        %lt3A_1111 = arith.constant 0 : i32
        %lt3A_1112 = arith.cmpi slt, %rem3A_1108, %lt3A_1111 : i32
        %lt3A_1113 = arith.constant 0 : i32
        %lt3A_1114 = arith.cmpi slt, %select_n3A_1107, %lt3A_1113 : i32
        %ne3A_1115 = arith.xori %lt3A_1112, %lt3A_1114 : i1
        %and3A_1116 = arith.andi %ne3A_1115, %ne3A_1110 : i1
        %add3A_1117 = arith.addi %rem3A_1108, %select_n3A_1107 : i32
        %select_n3A_1118 = arith.select %and3A_1116, %add3A_1117, %rem3A_1108 : i32
        %jit3A_1119 = arith.constant 4 : i32
        %eq3A_1120 = arith.constant 0 : i32
        %eq3A_1121 = arith.cmpi eq, %jit3A_1119, %eq3A_1120 : i32
        %jit3A_1122 = arith.constant 1 : i32
        %select_n3A_1123 = arith.select %eq3A_1121, %jit3A_1122, %jit3A_1119 : i32
        %rem3A_1124 = arith.remsi %add3A_450, %select_n3A_1123 : i32
        %ne3A_1125 = arith.constant 0 : i32
        %ne3A_1126 = arith.cmpi ne, %rem3A_1124, %ne3A_1125 : i32
        %lt3A_1127 = arith.constant 0 : i32
        %lt3A_1128 = arith.cmpi slt, %rem3A_1124, %lt3A_1127 : i32
        %lt3A_1129 = arith.constant 0 : i32
        %lt3A_1130 = arith.cmpi slt, %select_n3A_1123, %lt3A_1129 : i32
        %ne3A_1131 = arith.xori %lt3A_1128, %lt3A_1130 : i1
        %and3A_1132 = arith.andi %ne3A_1131, %ne3A_1126 : i1
        %add3A_1133 = arith.addi %rem3A_1124, %select_n3A_1123 : i32
        %select_n3A_1134 = arith.select %and3A_1132, %add3A_1133, %rem3A_1124 : i32
        %jit3A_1135 = arith.constant 2 : i32
        %div3A_1136 = arith.divsi %select_n3A_1134, %jit3A_1135 : i32
        %sign3A_1137 = arith.constant 0 : i32
        %sign3A_1138 = arith.cmpi sgt, %select_n3A_1134, %sign3A_1137 : i32
        %sign3A_1139 = arith.extui %sign3A_1138 : i1 to i32
        %sign3A_1140 = arith.constant 0 : i32
        %sign3A_1141 = arith.cmpi slt, %select_n3A_1134, %sign3A_1140 : i32
        %sign3A_1142 = arith.extui %sign3A_1141 : i1 to i32
        %sign3A_1143 = arith.subi %sign3A_1139, %sign3A_1142 : i32
        %sign3A_1144 = arith.constant 0 : i32
        %sign3A_1145 = arith.cmpi sgt, %jit3A_1135, %sign3A_1144 : i32
        %sign3A_1146 = arith.extui %sign3A_1145 : i1 to i32
        %sign3A_1147 = arith.constant 0 : i32
        %sign3A_1148 = arith.cmpi slt, %jit3A_1135, %sign3A_1147 : i32
        %sign3A_1149 = arith.extui %sign3A_1148 : i1 to i32
        %sign3A_1150 = arith.subi %sign3A_1146, %sign3A_1149 : i32
        %ne3A_1151 = arith.cmpi ne, %sign3A_1143, %sign3A_1150 : i32
        %rem3A_1152 = arith.remsi %select_n3A_1134, %jit3A_1135 : i32
        %ne3A_1153 = arith.constant 0 : i32
        %ne3A_1154 = arith.cmpi ne, %rem3A_1152, %ne3A_1153 : i32
        %and3A_1155 = arith.andi %ne3A_1151, %ne3A_1154 : i1
        %sub3A_1156 = arith.constant 1 : i32
        %sub3A_1157 = arith.subi %div3A_1136, %sub3A_1156 : i32
        %select_n3A_1158 = arith.select %and3A_1155, %sub3A_1157, %div3A_1136 : i32
        %jit3A_1159 = arith.constant 2 : i32
        %eq3A_1160 = arith.constant 0 : i32
        %eq3A_1161 = arith.cmpi eq, %jit3A_1159, %eq3A_1160 : i32
        %jit3A_1162 = arith.constant 1 : i32
        %select_n3A_1163 = arith.select %eq3A_1161, %jit3A_1162, %jit3A_1159 : i32
        %rem3A_1164 = arith.remsi %add3A_450, %select_n3A_1163 : i32
        %ne3A_1165 = arith.constant 0 : i32
        %ne3A_1166 = arith.cmpi ne, %rem3A_1164, %ne3A_1165 : i32
        %lt3A_1167 = arith.constant 0 : i32
        %lt3A_1168 = arith.cmpi slt, %rem3A_1164, %lt3A_1167 : i32
        %lt3A_1169 = arith.constant 0 : i32
        %lt3A_1170 = arith.cmpi slt, %select_n3A_1163, %lt3A_1169 : i32
        %ne3A_1171 = arith.xori %lt3A_1168, %lt3A_1170 : i1
        %and3A_1172 = arith.andi %ne3A_1171, %ne3A_1166 : i1
        %add3A_1173 = arith.addi %rem3A_1164, %select_n3A_1163 : i32
        %select_n3A_1174 = arith.select %and3A_1172, %add3A_1173, %rem3A_1164 : i32
        %jit3A_1175 = arith.constant 384 : i32
        %div3A_1176 = arith.divsi %add3A_459, %jit3A_1175 : i32
        %sign3A_1177 = arith.constant 0 : i32
        %sign3A_1178 = arith.cmpi sgt, %add3A_459, %sign3A_1177 : i32
        %sign3A_1179 = arith.extui %sign3A_1178 : i1 to i32
        %sign3A_1180 = arith.constant 0 : i32
        %sign3A_1181 = arith.cmpi slt, %add3A_459, %sign3A_1180 : i32
        %sign3A_1182 = arith.extui %sign3A_1181 : i1 to i32
        %sign3A_1183 = arith.subi %sign3A_1179, %sign3A_1182 : i32
        %sign3A_1184 = arith.constant 0 : i32
        %sign3A_1185 = arith.cmpi sgt, %jit3A_1175, %sign3A_1184 : i32
        %sign3A_1186 = arith.extui %sign3A_1185 : i1 to i32
        %sign3A_1187 = arith.constant 0 : i32
        %sign3A_1188 = arith.cmpi slt, %jit3A_1175, %sign3A_1187 : i32
        %sign3A_1189 = arith.extui %sign3A_1188 : i1 to i32
        %sign3A_1190 = arith.subi %sign3A_1186, %sign3A_1189 : i32
        %ne3A_1191 = arith.cmpi ne, %sign3A_1183, %sign3A_1190 : i32
        %rem3A_1192 = arith.remsi %add3A_459, %jit3A_1175 : i32
        %ne3A_1193 = arith.constant 0 : i32
        %ne3A_1194 = arith.cmpi ne, %rem3A_1192, %ne3A_1193 : i32
        %and3A_1195 = arith.andi %ne3A_1191, %ne3A_1194 : i1
        %sub3A_1196 = arith.constant 1 : i32
        %sub3A_1197 = arith.subi %div3A_1176, %sub3A_1196 : i32
        %select_n3A_1198 = arith.select %and3A_1195, %sub3A_1197, %div3A_1176 : i32
        %jit3A_1199 = arith.constant 4 : i32
        %div3A_1200 = arith.divsi %add3A_459, %jit3A_1199 : i32
        %sign3A_1201 = arith.constant 0 : i32
        %sign3A_1202 = arith.cmpi sgt, %add3A_459, %sign3A_1201 : i32
        %sign3A_1203 = arith.extui %sign3A_1202 : i1 to i32
        %sign3A_1204 = arith.constant 0 : i32
        %sign3A_1205 = arith.cmpi slt, %add3A_459, %sign3A_1204 : i32
        %sign3A_1206 = arith.extui %sign3A_1205 : i1 to i32
        %sign3A_1207 = arith.subi %sign3A_1203, %sign3A_1206 : i32
        %sign3A_1208 = arith.constant 0 : i32
        %sign3A_1209 = arith.cmpi sgt, %jit3A_1199, %sign3A_1208 : i32
        %sign3A_1210 = arith.extui %sign3A_1209 : i1 to i32
        %sign3A_1211 = arith.constant 0 : i32
        %sign3A_1212 = arith.cmpi slt, %jit3A_1199, %sign3A_1211 : i32
        %sign3A_1213 = arith.extui %sign3A_1212 : i1 to i32
        %sign3A_1214 = arith.subi %sign3A_1210, %sign3A_1213 : i32
        %ne3A_1215 = arith.cmpi ne, %sign3A_1207, %sign3A_1214 : i32
        %rem3A_1216 = arith.remsi %add3A_459, %jit3A_1199 : i32
        %ne3A_1217 = arith.constant 0 : i32
        %ne3A_1218 = arith.cmpi ne, %rem3A_1216, %ne3A_1217 : i32
        %and3A_1219 = arith.andi %ne3A_1215, %ne3A_1218 : i1
        %sub3A_1220 = arith.constant 1 : i32
        %sub3A_1221 = arith.subi %div3A_1200, %sub3A_1220 : i32
        %select_n3A_1222 = arith.select %and3A_1219, %sub3A_1221, %div3A_1200 : i32
        %jit3A_1223 = arith.constant 96 : i32
        %eq3A_1224 = arith.constant 0 : i32
        %eq3A_1225 = arith.cmpi eq, %jit3A_1223, %eq3A_1224 : i32
        %jit3A_1226 = arith.constant 1 : i32
        %select_n3A_1227 = arith.select %eq3A_1225, %jit3A_1226, %jit3A_1223 : i32
        %rem3A_1228 = arith.remsi %select_n3A_1222, %select_n3A_1227 : i32
        %ne3A_1229 = arith.constant 0 : i32
        %ne3A_1230 = arith.cmpi ne, %rem3A_1228, %ne3A_1229 : i32
        %lt3A_1231 = arith.constant 0 : i32
        %lt3A_1232 = arith.cmpi slt, %rem3A_1228, %lt3A_1231 : i32
        %lt3A_1233 = arith.constant 0 : i32
        %lt3A_1234 = arith.cmpi slt, %select_n3A_1227, %lt3A_1233 : i32
        %ne3A_1235 = arith.xori %lt3A_1232, %lt3A_1234 : i1
        %and3A_1236 = arith.andi %ne3A_1235, %ne3A_1230 : i1
        %add3A_1237 = arith.addi %rem3A_1228, %select_n3A_1227 : i32
        %select_n3A_1238 = arith.select %and3A_1236, %add3A_1237, %rem3A_1228 : i32
        %jit3A_1239 = arith.constant 4 : i32
        %eq3A_1240 = arith.constant 0 : i32
        %eq3A_1241 = arith.cmpi eq, %jit3A_1239, %eq3A_1240 : i32
        %jit3A_1242 = arith.constant 1 : i32
        %select_n3A_1243 = arith.select %eq3A_1241, %jit3A_1242, %jit3A_1239 : i32
        %rem3A_1244 = arith.remsi %add3A_459, %select_n3A_1243 : i32
        %ne3A_1245 = arith.constant 0 : i32
        %ne3A_1246 = arith.cmpi ne, %rem3A_1244, %ne3A_1245 : i32
        %lt3A_1247 = arith.constant 0 : i32
        %lt3A_1248 = arith.cmpi slt, %rem3A_1244, %lt3A_1247 : i32
        %lt3A_1249 = arith.constant 0 : i32
        %lt3A_1250 = arith.cmpi slt, %select_n3A_1243, %lt3A_1249 : i32
        %ne3A_1251 = arith.xori %lt3A_1248, %lt3A_1250 : i1
        %and3A_1252 = arith.andi %ne3A_1251, %ne3A_1246 : i1
        %add3A_1253 = arith.addi %rem3A_1244, %select_n3A_1243 : i32
        %select_n3A_1254 = arith.select %and3A_1252, %add3A_1253, %rem3A_1244 : i32
        %jit3A_1255 = arith.constant 2 : i32
        %div3A_1256 = arith.divsi %select_n3A_1254, %jit3A_1255 : i32
        %sign3A_1257 = arith.constant 0 : i32
        %sign3A_1258 = arith.cmpi sgt, %select_n3A_1254, %sign3A_1257 : i32
        %sign3A_1259 = arith.extui %sign3A_1258 : i1 to i32
        %sign3A_1260 = arith.constant 0 : i32
        %sign3A_1261 = arith.cmpi slt, %select_n3A_1254, %sign3A_1260 : i32
        %sign3A_1262 = arith.extui %sign3A_1261 : i1 to i32
        %sign3A_1263 = arith.subi %sign3A_1259, %sign3A_1262 : i32
        %sign3A_1264 = arith.constant 0 : i32
        %sign3A_1265 = arith.cmpi sgt, %jit3A_1255, %sign3A_1264 : i32
        %sign3A_1266 = arith.extui %sign3A_1265 : i1 to i32
        %sign3A_1267 = arith.constant 0 : i32
        %sign3A_1268 = arith.cmpi slt, %jit3A_1255, %sign3A_1267 : i32
        %sign3A_1269 = arith.extui %sign3A_1268 : i1 to i32
        %sign3A_1270 = arith.subi %sign3A_1266, %sign3A_1269 : i32
        %ne3A_1271 = arith.cmpi ne, %sign3A_1263, %sign3A_1270 : i32
        %rem3A_1272 = arith.remsi %select_n3A_1254, %jit3A_1255 : i32
        %ne3A_1273 = arith.constant 0 : i32
        %ne3A_1274 = arith.cmpi ne, %rem3A_1272, %ne3A_1273 : i32
        %and3A_1275 = arith.andi %ne3A_1271, %ne3A_1274 : i1
        %sub3A_1276 = arith.constant 1 : i32
        %sub3A_1277 = arith.subi %div3A_1256, %sub3A_1276 : i32
        %select_n3A_1278 = arith.select %and3A_1275, %sub3A_1277, %div3A_1256 : i32
        %jit3A_1279 = arith.constant 2 : i32
        %eq3A_1280 = arith.constant 0 : i32
        %eq3A_1281 = arith.cmpi eq, %jit3A_1279, %eq3A_1280 : i32
        %jit3A_1282 = arith.constant 1 : i32
        %select_n3A_1283 = arith.select %eq3A_1281, %jit3A_1282, %jit3A_1279 : i32
        %rem3A_1284 = arith.remsi %add3A_459, %select_n3A_1283 : i32
        %ne3A_1285 = arith.constant 0 : i32
        %ne3A_1286 = arith.cmpi ne, %rem3A_1284, %ne3A_1285 : i32
        %lt3A_1287 = arith.constant 0 : i32
        %lt3A_1288 = arith.cmpi slt, %rem3A_1284, %lt3A_1287 : i32
        %lt3A_1289 = arith.constant 0 : i32
        %lt3A_1290 = arith.cmpi slt, %select_n3A_1283, %lt3A_1289 : i32
        %ne3A_1291 = arith.xori %lt3A_1288, %lt3A_1290 : i1
        %and3A_1292 = arith.andi %ne3A_1291, %ne3A_1286 : i1
        %add3A_1293 = arith.addi %rem3A_1284, %select_n3A_1283 : i32
        %select_n3A_1294 = arith.select %and3A_1292, %add3A_1293, %rem3A_1284 : i32
        %ne3A_1295 = arith.cmpi ne, %select_n3A_1078, %select_n3A_1198 : i32
        %ne3A_1296 = arith.cmpi ne, %select_n3A_1118, %select_n3A_1238 : i32
        %ne3A_1297 = arith.cmpi ne, %select_n3A_1158, %select_n3A_1278 : i32
        %ne3A_1298 = arith.cmpi ne, %select_n3A_1174, %select_n3A_1294 : i32
        %or3A_1299 = arith.constant false
        %or3A_1300 = arith.ori %or3A_1299, %ne3A_1295 : i1
        %or3A_1301 = arith.ori %or3A_1300, %ne3A_1296 : i1
        %or3A_1302 = arith.ori %or3A_1301, %ne3A_1297 : i1
        %or3A_1303 = arith.ori %or3A_1302, %ne3A_1298 : i1
        %or3A_1304 = arith.ori %or3A_1303, %eq3A_447 : i1
        %convert_element_type3A_1305 = arith.extui %or3A_1304 : i1 to i32
        %cond3A_1306 = arith.constant 0 : i32
        %cond3A_1307 = arith.cmpi ne, %convert_element_type3A_1305, %cond3A_1306 : i32
        scf.if %cond3A_1307 {
          %jit3A_3107 = arith.constant 384 : i32
          "tpu.trace_start"() <{level = 10 : i32, message = "ep_wait_in"}> : () -> ()
          %div3A_3108 = arith.divsi %add3A_450, %jit3A_3107 : i32
          %sign3A_3109 = arith.constant 0 : i32
          %sign3A_3110 = arith.cmpi sgt, %add3A_450, %sign3A_3109 : i32
          %sign3A_3111 = arith.extui %sign3A_3110 : i1 to i32
          %sign3A_3112 = arith.constant 0 : i32
          %sign3A_3113 = arith.cmpi slt, %add3A_450, %sign3A_3112 : i32
          %sign3A_3114 = arith.extui %sign3A_3113 : i1 to i32
          %sign3A_3115 = arith.subi %sign3A_3111, %sign3A_3114 : i32
          %sign3A_3116 = arith.constant 0 : i32
          %sign3A_3117 = arith.cmpi sgt, %jit3A_3107, %sign3A_3116 : i32
          %sign3A_3118 = arith.extui %sign3A_3117 : i1 to i32
          %sign3A_3119 = arith.constant 0 : i32
          %sign3A_3120 = arith.cmpi slt, %jit3A_3107, %sign3A_3119 : i32
          %sign3A_3121 = arith.extui %sign3A_3120 : i1 to i32
          %sign3A_3122 = arith.subi %sign3A_3118, %sign3A_3121 : i32
          %ne3A_3123 = arith.cmpi ne, %sign3A_3115, %sign3A_3122 : i32
          %rem3A_3124 = arith.remsi %add3A_450, %jit3A_3107 : i32
          %ne3A_3125 = arith.constant 0 : i32
          %ne3A_3126 = arith.cmpi ne, %rem3A_3124, %ne3A_3125 : i32
          %and3A_3127 = arith.andi %ne3A_3123, %ne3A_3126 : i1
          %sub3A_3128 = arith.constant 1 : i32
          %sub3A_3129 = arith.subi %div3A_3108, %sub3A_3128 : i32
          %select_n3A_3130 = arith.select %and3A_3127, %sub3A_3129, %div3A_3108 : i32
          %jit3A_3131 = arith.constant 4 : i32
          %div3A_3132 = arith.divsi %add3A_450, %jit3A_3131 : i32
          %sign3A_3133 = arith.constant 0 : i32
          %sign3A_3134 = arith.cmpi sgt, %add3A_450, %sign3A_3133 : i32
          %sign3A_3135 = arith.extui %sign3A_3134 : i1 to i32
          %sign3A_3136 = arith.constant 0 : i32
          %sign3A_3137 = arith.cmpi slt, %add3A_450, %sign3A_3136 : i32
          %sign3A_3138 = arith.extui %sign3A_3137 : i1 to i32
          %sign3A_3139 = arith.subi %sign3A_3135, %sign3A_3138 : i32
          %sign3A_3140 = arith.constant 0 : i32
          %sign3A_3141 = arith.cmpi sgt, %jit3A_3131, %sign3A_3140 : i32
          %sign3A_3142 = arith.extui %sign3A_3141 : i1 to i32
          %sign3A_3143 = arith.constant 0 : i32
          %sign3A_3144 = arith.cmpi slt, %jit3A_3131, %sign3A_3143 : i32
          %sign3A_3145 = arith.extui %sign3A_3144 : i1 to i32
          %sign3A_3146 = arith.subi %sign3A_3142, %sign3A_3145 : i32
          %ne3A_3147 = arith.cmpi ne, %sign3A_3139, %sign3A_3146 : i32
          %rem3A_3148 = arith.remsi %add3A_450, %jit3A_3131 : i32
          %ne3A_3149 = arith.constant 0 : i32
          %ne3A_3150 = arith.cmpi ne, %rem3A_3148, %ne3A_3149 : i32
          %and3A_3151 = arith.andi %ne3A_3147, %ne3A_3150 : i1
          %sub3A_3152 = arith.constant 1 : i32
          %sub3A_3153 = arith.subi %div3A_3132, %sub3A_3152 : i32
          %select_n3A_3154 = arith.select %and3A_3151, %sub3A_3153, %div3A_3132 : i32
          %jit3A_3155 = arith.constant 96 : i32
          %eq3A_3156 = arith.constant 0 : i32
          %eq3A_3157 = arith.cmpi eq, %jit3A_3155, %eq3A_3156 : i32
          %jit3A_3158 = arith.constant 1 : i32
          %select_n3A_3159 = arith.select %eq3A_3157, %jit3A_3158, %jit3A_3155 : i32
          %rem3A_3160 = arith.remsi %select_n3A_3154, %select_n3A_3159 : i32
          %ne3A_3161 = arith.constant 0 : i32
          %ne3A_3162 = arith.cmpi ne, %rem3A_3160, %ne3A_3161 : i32
          %lt3A_3163 = arith.constant 0 : i32
          %lt3A_3164 = arith.cmpi slt, %rem3A_3160, %lt3A_3163 : i32
          %lt3A_3165 = arith.constant 0 : i32
          %lt3A_3166 = arith.cmpi slt, %select_n3A_3159, %lt3A_3165 : i32
          %ne3A_3167 = arith.xori %lt3A_3164, %lt3A_3166 : i1
          %and3A_3168 = arith.andi %ne3A_3167, %ne3A_3162 : i1
          %add3A_3169 = arith.addi %rem3A_3160, %select_n3A_3159 : i32
          %select_n3A_3170 = arith.select %and3A_3168, %add3A_3169, %rem3A_3160 : i32
          %jit3A_3171 = arith.constant 4 : i32
          %eq3A_3172 = arith.constant 0 : i32
          %eq3A_3173 = arith.cmpi eq, %jit3A_3171, %eq3A_3172 : i32
          %jit3A_3174 = arith.constant 1 : i32
          %select_n3A_3175 = arith.select %eq3A_3173, %jit3A_3174, %jit3A_3171 : i32
          %rem3A_3176 = arith.remsi %add3A_450, %select_n3A_3175 : i32
          %ne3A_3177 = arith.constant 0 : i32
          %ne3A_3178 = arith.cmpi ne, %rem3A_3176, %ne3A_3177 : i32
          %lt3A_3179 = arith.constant 0 : i32
          %lt3A_3180 = arith.cmpi slt, %rem3A_3176, %lt3A_3179 : i32
          %lt3A_3181 = arith.constant 0 : i32
          %lt3A_3182 = arith.cmpi slt, %select_n3A_3175, %lt3A_3181 : i32
          %ne3A_3183 = arith.xori %lt3A_3180, %lt3A_3182 : i1
          %and3A_3184 = arith.andi %ne3A_3183, %ne3A_3178 : i1
          %add3A_3185 = arith.addi %rem3A_3176, %select_n3A_3175 : i32
          %select_n3A_3186 = arith.select %and3A_3184, %add3A_3185, %rem3A_3176 : i32
          %jit3A_3187 = arith.constant 2 : i32
          %div3A_3188 = arith.divsi %select_n3A_3186, %jit3A_3187 : i32
          %sign3A_3189 = arith.constant 0 : i32
          %sign3A_3190 = arith.cmpi sgt, %select_n3A_3186, %sign3A_3189 : i32
          %sign3A_3191 = arith.extui %sign3A_3190 : i1 to i32
          %sign3A_3192 = arith.constant 0 : i32
          %sign3A_3193 = arith.cmpi slt, %select_n3A_3186, %sign3A_3192 : i32
          %sign3A_3194 = arith.extui %sign3A_3193 : i1 to i32
          %sign3A_3195 = arith.subi %sign3A_3191, %sign3A_3194 : i32
          %sign3A_3196 = arith.constant 0 : i32
          %sign3A_3197 = arith.cmpi sgt, %jit3A_3187, %sign3A_3196 : i32
          %sign3A_3198 = arith.extui %sign3A_3197 : i1 to i32
          %sign3A_3199 = arith.constant 0 : i32
          %sign3A_3200 = arith.cmpi slt, %jit3A_3187, %sign3A_3199 : i32
          %sign3A_3201 = arith.extui %sign3A_3200 : i1 to i32
          %sign3A_3202 = arith.subi %sign3A_3198, %sign3A_3201 : i32
          %ne3A_3203 = arith.cmpi ne, %sign3A_3195, %sign3A_3202 : i32
          %rem3A_3204 = arith.remsi %select_n3A_3186, %jit3A_3187 : i32
          %ne3A_3205 = arith.constant 0 : i32
          %ne3A_3206 = arith.cmpi ne, %rem3A_3204, %ne3A_3205 : i32
          %and3A_3207 = arith.andi %ne3A_3203, %ne3A_3206 : i1
          %sub3A_3208 = arith.constant 1 : i32
          %sub3A_3209 = arith.subi %div3A_3188, %sub3A_3208 : i32
          %select_n3A_3210 = arith.select %and3A_3207, %sub3A_3209, %div3A_3188 : i32
          %jit3A_3211 = arith.constant 2 : i32
          %eq3A_3212 = arith.constant 0 : i32
          %eq3A_3213 = arith.cmpi eq, %jit3A_3211, %eq3A_3212 : i32
          %jit3A_3214 = arith.constant 1 : i32
          %select_n3A_3215 = arith.select %eq3A_3213, %jit3A_3214, %jit3A_3211 : i32
          %rem3A_3216 = arith.remsi %add3A_450, %select_n3A_3215 : i32
          %ne3A_3217 = arith.constant 0 : i32
          %ne3A_3218 = arith.cmpi ne, %rem3A_3216, %ne3A_3217 : i32
          %lt3A_3219 = arith.constant 0 : i32
          %lt3A_3220 = arith.cmpi slt, %rem3A_3216, %lt3A_3219 : i32
          %lt3A_3221 = arith.constant 0 : i32
          %lt3A_3222 = arith.cmpi slt, %select_n3A_3215, %lt3A_3221 : i32
          %ne3A_3223 = arith.xori %lt3A_3220, %lt3A_3222 : i1
          %and3A_3224 = arith.andi %ne3A_3223, %ne3A_3218 : i1
          %add3A_3225 = arith.addi %rem3A_3216, %select_n3A_3215 : i32
          %select_n3A_3226 = arith.select %and3A_3224, %add3A_3225, %rem3A_3216 : i32
          %mul3A_3227 = arith.constant 1 : i32
          %mul3A_3228 = arith.muli %mul3A_3227, %select_n3A_3130 : i32
          %mul3A_3229 = arith.constant 1 : i32
          %mul3A_3230 = arith.muli %mul3A_3229, %select_n3A_3170 : i32
          %mul3A_3231 = arith.constant 112 : i32
          %mul3A_3232 = arith.muli %mul3A_3231, %select_n3A_3210 : i32
          %mul3A_3233 = arith.constant 128 : i32
          %mul3A_3234 = arith.muli %mul3A_3233, %select_n3A_3226 : i32
          %eq3A_3235 = arith.constant 1 : i32
          %eq3A_3236 = arith.cmpi eq, %select_n3A_3226, %eq3A_3235 : i32
          %jit3A_3237 = arith.constant 128 : i32
          %jit3A_3238 = arith.constant 128 : i32
          %select_n3A_3239 = arith.select %eq3A_3236, %jit3A_3237, %jit3A_3238 : i32
          %multiple_of3A_3240 = tpu.assume_multiple %select_n3A_3239, 128 : i32
          %mul3A_3241 = arith.constant 128 : i32
          %mul3A_3242 = arith.muli %select_n3A_3226, %mul3A_3241 : i32
          %rem3A_3243 = arith.constant 2 : i32
          %rem3A_3244 = arith.remui %scan3A_440, %rem3A_3243 : i32
          %dma_wait3A_3245 = arith.constant 0 : i32
          %dma_wait3A_3246 = arith.constant 0 : i32
          %dma_wait3A_3247 = arith.constant 0 : i32
          %dma_wait3A_3248 = arith.constant 0 : i32
          %dma_wait3A_3249 = tpu.memref_slice %run_scoped3A[%rem3A_3244, %dma_wait3A_3245, %dma_wait3A_3246, %dma_wait3A_3247, %dma_wait3A_3248] <%multiple_of3A_3240> : memref<2x1x1x112x128xf32, #tpu.memory_space<vmem>> -> memref<1x1x1x112x?xf32, #tpu.memory_space<vmem>>
          %dma_wait3A_3250 = tpu.memref_squeeze %dma_wait3A_3249 : memref<1x1x1x112x?xf32, #tpu.memory_space<vmem>> -> memref<1x1x112x?xf32, #tpu.memory_space<vmem>>
          %dma_wait3A_3251 = tpu.memref_slice %arg2[%mul3A_3228, %mul3A_3230, %mul3A_3232, %mul3A_3242] <%multiple_of3A_3240> : memref<8x96x224x224xf32, #tpu.memory_space<hbm>> -> memref<1x1x112x?xf32, #tpu.memory_space<hbm>>
          %dma_wait3A_3252 = tpu.memref_slice %run_scoped3A_7[%rem3A_3244] : memref<2x!tpu.dma_semaphore, #tpu.memory_space<semaphore_mem>> -> memref<1x!tpu.dma_semaphore, #tpu.memory_space<semaphore_mem>>
          %dma_wait3A_3253 = tpu.memref_squeeze %dma_wait3A_3252 : memref<1x!tpu.dma_semaphore, #tpu.memory_space<semaphore_mem>> -> memref<!tpu.dma_semaphore, #tpu.memory_space<semaphore_mem>>
          %dma_wait3A_3254 = arith.constant 0 : i32
          %dma_wait3A_3255 = arith.constant 0 : i32
          %dma_wait3A_3256 = arith.constant 0 : i32
          %dma_wait3A_3257 = arith.constant 0 : i32
          %dma_wait3A_3258 = tpu.memref_slice %run_scoped3A[%rem3A_3244, %dma_wait3A_3254, %dma_wait3A_3255, %dma_wait3A_3256, %dma_wait3A_3257] <%multiple_of3A_3240> : memref<2x1x1x112x128xf32, #tpu.memory_space<vmem>> -> memref<1x1x1x112x?xf32, #tpu.memory_space<vmem>>
          %dma_wait3A_3259 = tpu.memref_squeeze %dma_wait3A_3258 : memref<1x1x1x112x?xf32, #tpu.memory_space<vmem>> -> memref<1x1x112x?xf32, #tpu.memory_space<vmem>>
          %dma_wait3A_3260 = tpu.memref_slice %arg2[%mul3A_3228, %mul3A_3230, %mul3A_3232, %mul3A_3242] <%multiple_of3A_3240> : memref<8x96x224x224xf32, #tpu.memory_space<hbm>> -> memref<1x1x112x?xf32, #tpu.memory_space<hbm>>
          tpu.wait_dma2 semaphore(%dma_wait3A_3253 : memref<!tpu.dma_semaphore, #tpu.memory_space<semaphore_mem>>) src(%dma_wait3A_3260 : memref<1x1x112x?xf32, #tpu.memory_space<hbm>>) dst(%dma_wait3A_3259 : memref<1x1x112x?xf32, #tpu.memory_space<vmem>>)
          "tpu.trace_stop"() : () -> ()
        } else {
        }
        %jit3A_1308 = arith.constant 4 : i32
        %div3A_1309 = arith.divsi %add3A_450, %jit3A_1308 : i32
        %sign3A_1310 = arith.constant 0 : i32
        %sign3A_1311 = arith.cmpi sgt, %add3A_450, %sign3A_1310 : i32
        %sign3A_1312 = arith.extui %sign3A_1311 : i1 to i32
        %sign3A_1313 = arith.constant 0 : i32
        %sign3A_1314 = arith.cmpi slt, %add3A_450, %sign3A_1313 : i32
        %sign3A_1315 = arith.extui %sign3A_1314 : i1 to i32
        %sign3A_1316 = arith.subi %sign3A_1312, %sign3A_1315 : i32
        %sign3A_1317 = arith.constant 0 : i32
        %sign3A_1318 = arith.cmpi sgt, %jit3A_1308, %sign3A_1317 : i32
        %sign3A_1319 = arith.extui %sign3A_1318 : i1 to i32
        %sign3A_1320 = arith.constant 0 : i32
        %sign3A_1321 = arith.cmpi slt, %jit3A_1308, %sign3A_1320 : i32
        %sign3A_1322 = arith.extui %sign3A_1321 : i1 to i32
        %sign3A_1323 = arith.subi %sign3A_1319, %sign3A_1322 : i32
        %ne3A_1324 = arith.cmpi ne, %sign3A_1316, %sign3A_1323 : i32
        %rem3A_1325 = arith.remsi %add3A_450, %jit3A_1308 : i32
        %ne3A_1326 = arith.constant 0 : i32
        %ne3A_1327 = arith.cmpi ne, %rem3A_1325, %ne3A_1326 : i32
        %and3A_1328 = arith.andi %ne3A_1324, %ne3A_1327 : i1
        %sub3A_1329 = arith.constant 1 : i32
        %sub3A_1330 = arith.subi %div3A_1309, %sub3A_1329 : i32
        %select_n3A_1331 = arith.select %and3A_1328, %sub3A_1330, %div3A_1309 : i32
        %jit3A_1332 = arith.constant 4 : i32
        %div3A_1333 = arith.divsi %add3A_459, %jit3A_1332 : i32
        %sign3A_1334 = arith.constant 0 : i32
        %sign3A_1335 = arith.cmpi sgt, %add3A_459, %sign3A_1334 : i32
        %sign3A_1336 = arith.extui %sign3A_1335 : i1 to i32
        %sign3A_1337 = arith.constant 0 : i32
        %sign3A_1338 = arith.cmpi slt, %add3A_459, %sign3A_1337 : i32
        %sign3A_1339 = arith.extui %sign3A_1338 : i1 to i32
        %sign3A_1340 = arith.subi %sign3A_1336, %sign3A_1339 : i32
        %sign3A_1341 = arith.constant 0 : i32
        %sign3A_1342 = arith.cmpi sgt, %jit3A_1332, %sign3A_1341 : i32
        %sign3A_1343 = arith.extui %sign3A_1342 : i1 to i32
        %sign3A_1344 = arith.constant 0 : i32
        %sign3A_1345 = arith.cmpi slt, %jit3A_1332, %sign3A_1344 : i32
        %sign3A_1346 = arith.extui %sign3A_1345 : i1 to i32
        %sign3A_1347 = arith.subi %sign3A_1343, %sign3A_1346 : i32
        %ne3A_1348 = arith.cmpi ne, %sign3A_1340, %sign3A_1347 : i32
        %rem3A_1349 = arith.remsi %add3A_459, %jit3A_1332 : i32
        %ne3A_1350 = arith.constant 0 : i32
        %ne3A_1351 = arith.cmpi ne, %rem3A_1349, %ne3A_1350 : i32
        %and3A_1352 = arith.andi %ne3A_1348, %ne3A_1351 : i1
        %sub3A_1353 = arith.constant 1 : i32
        %sub3A_1354 = arith.subi %div3A_1333, %sub3A_1353 : i32
        %select_n3A_1355 = arith.select %and3A_1352, %sub3A_1354, %div3A_1333 : i32
        %ne3A_1356 = arith.cmpi ne, %select_n3A_1331, %select_n3A_1355 : i32
        %or3A_1357 = arith.constant false
        %or3A_1358 = arith.ori %or3A_1357, %ne3A_1356 : i1
        %or3A_1359 = arith.constant false
        %or3A_1360 = arith.ori %or3A_1358, %or3A_1359 : i1
        %or3A_1361 = arith.ori %or3A_1360, %eq3A_447 : i1
        %convert_element_type3A_1362 = arith.extui %or3A_1361 : i1 to i32
        %cond3A_1363 = arith.constant 0 : i32
        %cond3A_1364 = arith.cmpi ne, %convert_element_type3A_1362, %cond3A_1363 : i32
        scf.if %cond3A_1364 {
          %jit3A_3107 = arith.constant 4 : i32
          "tpu.trace_start"() <{level = 10 : i32, message = "ep_wait_in"}> : () -> ()
          %div3A_3108 = arith.divsi %add3A_450, %jit3A_3107 : i32
          %sign3A_3109 = arith.constant 0 : i32
          %sign3A_3110 = arith.cmpi sgt, %add3A_450, %sign3A_3109 : i32
          %sign3A_3111 = arith.extui %sign3A_3110 : i1 to i32
          %sign3A_3112 = arith.constant 0 : i32
          %sign3A_3113 = arith.cmpi slt, %add3A_450, %sign3A_3112 : i32
          %sign3A_3114 = arith.extui %sign3A_3113 : i1 to i32
          %sign3A_3115 = arith.subi %sign3A_3111, %sign3A_3114 : i32
          %sign3A_3116 = arith.constant 0 : i32
          %sign3A_3117 = arith.cmpi sgt, %jit3A_3107, %sign3A_3116 : i32
          %sign3A_3118 = arith.extui %sign3A_3117 : i1 to i32
          %sign3A_3119 = arith.constant 0 : i32
          %sign3A_3120 = arith.cmpi slt, %jit3A_3107, %sign3A_3119 : i32
          %sign3A_3121 = arith.extui %sign3A_3120 : i1 to i32
          %sign3A_3122 = arith.subi %sign3A_3118, %sign3A_3121 : i32
          %ne3A_3123 = arith.cmpi ne, %sign3A_3115, %sign3A_3122 : i32
          %rem3A_3124 = arith.remsi %add3A_450, %jit3A_3107 : i32
          %ne3A_3125 = arith.constant 0 : i32
          %ne3A_3126 = arith.cmpi ne, %rem3A_3124, %ne3A_3125 : i32
          %and3A_3127 = arith.andi %ne3A_3123, %ne3A_3126 : i1
          %sub3A_3128 = arith.constant 1 : i32
          %sub3A_3129 = arith.subi %div3A_3108, %sub3A_3128 : i32
          %select_n3A_3130 = arith.select %and3A_3127, %sub3A_3129, %div3A_3108 : i32
          %mul3A_3131 = arith.constant 1 : i32
          %mul3A_3132 = arith.muli %mul3A_3131, %select_n3A_3130 : i32
          %rem3A_3133 = arith.constant 2 : i32
          %rem3A_3134 = arith.remui %scan3A_442, %rem3A_3133 : i32
          %dma_wait3A_3135 = arith.constant 0 : i32
          %dma_wait3A_3136 = arith.constant 0 : i32
          %dma_wait3A_3137 = tpu.memref_slice %run_scoped3A_8[%rem3A_3134, %dma_wait3A_3135, %dma_wait3A_3136] : memref<2x1x16xf32, #tpu.memory_space<vmem>> -> memref<1x1x16xf32, #tpu.memory_space<vmem>>
          %dma_wait3A_3138 = tpu.memref_squeeze %dma_wait3A_3137 : memref<1x1x16xf32, #tpu.memory_space<vmem>> -> memref<1x16xf32, #tpu.memory_space<vmem>>
          %dma_wait3A_3139 = arith.constant 0 : i32
          %dma_wait3A_3140 = tpu.memref_slice %arg3[%mul3A_3132, %dma_wait3A_3139] : memref<768x16xf32, #tpu.memory_space<hbm>> -> memref<1x16xf32, #tpu.memory_space<hbm>>
          %dma_wait3A_3141 = tpu.memref_slice %run_scoped3A_9[%rem3A_3134] : memref<2x!tpu.dma_semaphore, #tpu.memory_space<semaphore_mem>> -> memref<1x!tpu.dma_semaphore, #tpu.memory_space<semaphore_mem>>
          %dma_wait3A_3142 = tpu.memref_squeeze %dma_wait3A_3141 : memref<1x!tpu.dma_semaphore, #tpu.memory_space<semaphore_mem>> -> memref<!tpu.dma_semaphore, #tpu.memory_space<semaphore_mem>>
          %dma_wait3A_3143 = arith.constant 0 : i32
          %dma_wait3A_3144 = arith.constant 0 : i32
          %dma_wait3A_3145 = tpu.memref_slice %run_scoped3A_8[%rem3A_3134, %dma_wait3A_3143, %dma_wait3A_3144] : memref<2x1x16xf32, #tpu.memory_space<vmem>> -> memref<1x1x16xf32, #tpu.memory_space<vmem>>
          %dma_wait3A_3146 = tpu.memref_squeeze %dma_wait3A_3145 : memref<1x1x16xf32, #tpu.memory_space<vmem>> -> memref<1x16xf32, #tpu.memory_space<vmem>>
          %dma_wait3A_3147 = arith.constant 0 : i32
          %dma_wait3A_3148 = tpu.memref_slice %arg3[%mul3A_3132, %dma_wait3A_3147] : memref<768x16xf32, #tpu.memory_space<hbm>> -> memref<1x16xf32, #tpu.memory_space<hbm>>
          tpu.wait_dma2 semaphore(%dma_wait3A_3142 : memref<!tpu.dma_semaphore, #tpu.memory_space<semaphore_mem>>) src(%dma_wait3A_3148 : memref<1x16xf32, #tpu.memory_space<hbm>>) dst(%dma_wait3A_3146 : memref<1x16xf32, #tpu.memory_space<vmem>>)
          "tpu.trace_stop"() : () -> ()
        } else {
        }
        %jit3A_1365 = arith.constant 384 : i32
        %div3A_1366 = arith.divsi %add3A_450, %jit3A_1365 : i32
        %sign3A_1367 = arith.constant 0 : i32
        %sign3A_1368 = arith.cmpi sgt, %add3A_450, %sign3A_1367 : i32
        %sign3A_1369 = arith.extui %sign3A_1368 : i1 to i32
        %sign3A_1370 = arith.constant 0 : i32
        %sign3A_1371 = arith.cmpi slt, %add3A_450, %sign3A_1370 : i32
        %sign3A_1372 = arith.extui %sign3A_1371 : i1 to i32
        %sign3A_1373 = arith.subi %sign3A_1369, %sign3A_1372 : i32
        %sign3A_1374 = arith.constant 0 : i32
        %sign3A_1375 = arith.cmpi sgt, %jit3A_1365, %sign3A_1374 : i32
        %sign3A_1376 = arith.extui %sign3A_1375 : i1 to i32
        %sign3A_1377 = arith.constant 0 : i32
        %sign3A_1378 = arith.cmpi slt, %jit3A_1365, %sign3A_1377 : i32
        %sign3A_1379 = arith.extui %sign3A_1378 : i1 to i32
        %sign3A_1380 = arith.subi %sign3A_1376, %sign3A_1379 : i32
        %ne3A_1381 = arith.cmpi ne, %sign3A_1373, %sign3A_1380 : i32
        %rem3A_1382 = arith.remsi %add3A_450, %jit3A_1365 : i32
        %ne3A_1383 = arith.constant 0 : i32
        %ne3A_1384 = arith.cmpi ne, %rem3A_1382, %ne3A_1383 : i32
        %and3A_1385 = arith.andi %ne3A_1381, %ne3A_1384 : i1
        %sub3A_1386 = arith.constant 1 : i32
        %sub3A_1387 = arith.subi %div3A_1366, %sub3A_1386 : i32
        %select_n3A_1388 = arith.select %and3A_1385, %sub3A_1387, %div3A_1366 : i32
        %jit3A_1389 = arith.constant 4 : i32
        %div3A_1390 = arith.divsi %add3A_450, %jit3A_1389 : i32
        %sign3A_1391 = arith.constant 0 : i32
        %sign3A_1392 = arith.cmpi sgt, %add3A_450, %sign3A_1391 : i32
        %sign3A_1393 = arith.extui %sign3A_1392 : i1 to i32
        %sign3A_1394 = arith.constant 0 : i32
        %sign3A_1395 = arith.cmpi slt, %add3A_450, %sign3A_1394 : i32
        %sign3A_1396 = arith.extui %sign3A_1395 : i1 to i32
        %sign3A_1397 = arith.subi %sign3A_1393, %sign3A_1396 : i32
        %sign3A_1398 = arith.constant 0 : i32
        %sign3A_1399 = arith.cmpi sgt, %jit3A_1389, %sign3A_1398 : i32
        %sign3A_1400 = arith.extui %sign3A_1399 : i1 to i32
        %sign3A_1401 = arith.constant 0 : i32
        %sign3A_1402 = arith.cmpi slt, %jit3A_1389, %sign3A_1401 : i32
        %sign3A_1403 = arith.extui %sign3A_1402 : i1 to i32
        %sign3A_1404 = arith.subi %sign3A_1400, %sign3A_1403 : i32
        %ne3A_1405 = arith.cmpi ne, %sign3A_1397, %sign3A_1404 : i32
        %rem3A_1406 = arith.remsi %add3A_450, %jit3A_1389 : i32
        %ne3A_1407 = arith.constant 0 : i32
        %ne3A_1408 = arith.cmpi ne, %rem3A_1406, %ne3A_1407 : i32
        %and3A_1409 = arith.andi %ne3A_1405, %ne3A_1408 : i1
        %sub3A_1410 = arith.constant 1 : i32
        %sub3A_1411 = arith.subi %div3A_1390, %sub3A_1410 : i32
        %select_n3A_1412 = arith.select %and3A_1409, %sub3A_1411, %div3A_1390 : i32
        %jit3A_1413 = arith.constant 96 : i32
        %eq3A_1414 = arith.constant 0 : i32
        %eq3A_1415 = arith.cmpi eq, %jit3A_1413, %eq3A_1414 : i32
        %jit3A_1416 = arith.constant 1 : i32
        %select_n3A_1417 = arith.select %eq3A_1415, %jit3A_1416, %jit3A_1413 : i32
        %rem3A_1418 = arith.remsi %select_n3A_1412, %select_n3A_1417 : i32
        %ne3A_1419 = arith.constant 0 : i32
        %ne3A_1420 = arith.cmpi ne, %rem3A_1418, %ne3A_1419 : i32
        %lt3A_1421 = arith.constant 0 : i32
        %lt3A_1422 = arith.cmpi slt, %rem3A_1418, %lt3A_1421 : i32
        %lt3A_1423 = arith.constant 0 : i32
        %lt3A_1424 = arith.cmpi slt, %select_n3A_1417, %lt3A_1423 : i32
        %ne3A_1425 = arith.xori %lt3A_1422, %lt3A_1424 : i1
        %and3A_1426 = arith.andi %ne3A_1425, %ne3A_1420 : i1
        %add3A_1427 = arith.addi %rem3A_1418, %select_n3A_1417 : i32
        %select_n3A_1428 = arith.select %and3A_1426, %add3A_1427, %rem3A_1418 : i32
        %jit3A_1429 = arith.constant 4 : i32
        %eq3A_1430 = arith.constant 0 : i32
        %eq3A_1431 = arith.cmpi eq, %jit3A_1429, %eq3A_1430 : i32
        %jit3A_1432 = arith.constant 1 : i32
        %select_n3A_1433 = arith.select %eq3A_1431, %jit3A_1432, %jit3A_1429 : i32
        %rem3A_1434 = arith.remsi %add3A_450, %select_n3A_1433 : i32
        %ne3A_1435 = arith.constant 0 : i32
        %ne3A_1436 = arith.cmpi ne, %rem3A_1434, %ne3A_1435 : i32
        %lt3A_1437 = arith.constant 0 : i32
        %lt3A_1438 = arith.cmpi slt, %rem3A_1434, %lt3A_1437 : i32
        %lt3A_1439 = arith.constant 0 : i32
        %lt3A_1440 = arith.cmpi slt, %select_n3A_1433, %lt3A_1439 : i32
        %ne3A_1441 = arith.xori %lt3A_1438, %lt3A_1440 : i1
        %and3A_1442 = arith.andi %ne3A_1441, %ne3A_1436 : i1
        %add3A_1443 = arith.addi %rem3A_1434, %select_n3A_1433 : i32
        %select_n3A_1444 = arith.select %and3A_1442, %add3A_1443, %rem3A_1434 : i32
        %jit3A_1445 = arith.constant 2 : i32
        %div3A_1446 = arith.divsi %select_n3A_1444, %jit3A_1445 : i32
        %sign3A_1447 = arith.constant 0 : i32
        %sign3A_1448 = arith.cmpi sgt, %select_n3A_1444, %sign3A_1447 : i32
        %sign3A_1449 = arith.extui %sign3A_1448 : i1 to i32
        %sign3A_1450 = arith.constant 0 : i32
        %sign3A_1451 = arith.cmpi slt, %select_n3A_1444, %sign3A_1450 : i32
        %sign3A_1452 = arith.extui %sign3A_1451 : i1 to i32
        %sign3A_1453 = arith.subi %sign3A_1449, %sign3A_1452 : i32
        %sign3A_1454 = arith.constant 0 : i32
        %sign3A_1455 = arith.cmpi sgt, %jit3A_1445, %sign3A_1454 : i32
        %sign3A_1456 = arith.extui %sign3A_1455 : i1 to i32
        %sign3A_1457 = arith.constant 0 : i32
        %sign3A_1458 = arith.cmpi slt, %jit3A_1445, %sign3A_1457 : i32
        %sign3A_1459 = arith.extui %sign3A_1458 : i1 to i32
        %sign3A_1460 = arith.subi %sign3A_1456, %sign3A_1459 : i32
        %ne3A_1461 = arith.cmpi ne, %sign3A_1453, %sign3A_1460 : i32
        %rem3A_1462 = arith.remsi %select_n3A_1444, %jit3A_1445 : i32
        %ne3A_1463 = arith.constant 0 : i32
        %ne3A_1464 = arith.cmpi ne, %rem3A_1462, %ne3A_1463 : i32
        %and3A_1465 = arith.andi %ne3A_1461, %ne3A_1464 : i1
        %sub3A_1466 = arith.constant 1 : i32
        %sub3A_1467 = arith.subi %div3A_1446, %sub3A_1466 : i32
        %select_n3A_1468 = arith.select %and3A_1465, %sub3A_1467, %div3A_1446 : i32
        %jit3A_1469 = arith.constant 2 : i32
        %eq3A_1470 = arith.constant 0 : i32
        %eq3A_1471 = arith.cmpi eq, %jit3A_1469, %eq3A_1470 : i32
        %jit3A_1472 = arith.constant 1 : i32
        %select_n3A_1473 = arith.select %eq3A_1471, %jit3A_1472, %jit3A_1469 : i32
        %rem3A_1474 = arith.remsi %add3A_450, %select_n3A_1473 : i32
        %ne3A_1475 = arith.constant 0 : i32
        %ne3A_1476 = arith.cmpi ne, %rem3A_1474, %ne3A_1475 : i32
        %lt3A_1477 = arith.constant 0 : i32
        %lt3A_1478 = arith.cmpi slt, %rem3A_1474, %lt3A_1477 : i32
        %lt3A_1479 = arith.constant 0 : i32
        %lt3A_1480 = arith.cmpi slt, %select_n3A_1473, %lt3A_1479 : i32
        %ne3A_1481 = arith.xori %lt3A_1478, %lt3A_1480 : i1
        %and3A_1482 = arith.andi %ne3A_1481, %ne3A_1476 : i1
        %add3A_1483 = arith.addi %rem3A_1474, %select_n3A_1473 : i32
        %select_n3A_1484 = arith.select %and3A_1482, %add3A_1483, %rem3A_1474 : i32
        %jit3A_1485 = arith.constant 384 : i32
        %div3A_1486 = arith.divsi %add3A_459, %jit3A_1485 : i32
        %sign3A_1487 = arith.constant 0 : i32
        %sign3A_1488 = arith.cmpi sgt, %add3A_459, %sign3A_1487 : i32
        %sign3A_1489 = arith.extui %sign3A_1488 : i1 to i32
        %sign3A_1490 = arith.constant 0 : i32
        %sign3A_1491 = arith.cmpi slt, %add3A_459, %sign3A_1490 : i32
        %sign3A_1492 = arith.extui %sign3A_1491 : i1 to i32
        %sign3A_1493 = arith.subi %sign3A_1489, %sign3A_1492 : i32
        %sign3A_1494 = arith.constant 0 : i32
        %sign3A_1495 = arith.cmpi sgt, %jit3A_1485, %sign3A_1494 : i32
        %sign3A_1496 = arith.extui %sign3A_1495 : i1 to i32
        %sign3A_1497 = arith.constant 0 : i32
        %sign3A_1498 = arith.cmpi slt, %jit3A_1485, %sign3A_1497 : i32
        %sign3A_1499 = arith.extui %sign3A_1498 : i1 to i32
        %sign3A_1500 = arith.subi %sign3A_1496, %sign3A_1499 : i32
        %ne3A_1501 = arith.cmpi ne, %sign3A_1493, %sign3A_1500 : i32
        %rem3A_1502 = arith.remsi %add3A_459, %jit3A_1485 : i32
        %ne3A_1503 = arith.constant 0 : i32
        %ne3A_1504 = arith.cmpi ne, %rem3A_1502, %ne3A_1503 : i32
        %and3A_1505 = arith.andi %ne3A_1501, %ne3A_1504 : i1
        %sub3A_1506 = arith.constant 1 : i32
        %sub3A_1507 = arith.subi %div3A_1486, %sub3A_1506 : i32
        %select_n3A_1508 = arith.select %and3A_1505, %sub3A_1507, %div3A_1486 : i32
        %jit3A_1509 = arith.constant 4 : i32
        %div3A_1510 = arith.divsi %add3A_459, %jit3A_1509 : i32
        %sign3A_1511 = arith.constant 0 : i32
        %sign3A_1512 = arith.cmpi sgt, %add3A_459, %sign3A_1511 : i32
        %sign3A_1513 = arith.extui %sign3A_1512 : i1 to i32
        %sign3A_1514 = arith.constant 0 : i32
        %sign3A_1515 = arith.cmpi slt, %add3A_459, %sign3A_1514 : i32
        %sign3A_1516 = arith.extui %sign3A_1515 : i1 to i32
        %sign3A_1517 = arith.subi %sign3A_1513, %sign3A_1516 : i32
        %sign3A_1518 = arith.constant 0 : i32
        %sign3A_1519 = arith.cmpi sgt, %jit3A_1509, %sign3A_1518 : i32
        %sign3A_1520 = arith.extui %sign3A_1519 : i1 to i32
        %sign3A_1521 = arith.constant 0 : i32
        %sign3A_1522 = arith.cmpi slt, %jit3A_1509, %sign3A_1521 : i32
        %sign3A_1523 = arith.extui %sign3A_1522 : i1 to i32
        %sign3A_1524 = arith.subi %sign3A_1520, %sign3A_1523 : i32
        %ne3A_1525 = arith.cmpi ne, %sign3A_1517, %sign3A_1524 : i32
        %rem3A_1526 = arith.remsi %add3A_459, %jit3A_1509 : i32
        %ne3A_1527 = arith.constant 0 : i32
        %ne3A_1528 = arith.cmpi ne, %rem3A_1526, %ne3A_1527 : i32
        %and3A_1529 = arith.andi %ne3A_1525, %ne3A_1528 : i1
        %sub3A_1530 = arith.constant 1 : i32
        %sub3A_1531 = arith.subi %div3A_1510, %sub3A_1530 : i32
        %select_n3A_1532 = arith.select %and3A_1529, %sub3A_1531, %div3A_1510 : i32
        %jit3A_1533 = arith.constant 96 : i32
        %eq3A_1534 = arith.constant 0 : i32
        %eq3A_1535 = arith.cmpi eq, %jit3A_1533, %eq3A_1534 : i32
        %jit3A_1536 = arith.constant 1 : i32
        %select_n3A_1537 = arith.select %eq3A_1535, %jit3A_1536, %jit3A_1533 : i32
        %rem3A_1538 = arith.remsi %select_n3A_1532, %select_n3A_1537 : i32
        %ne3A_1539 = arith.constant 0 : i32
        %ne3A_1540 = arith.cmpi ne, %rem3A_1538, %ne3A_1539 : i32
        %lt3A_1541 = arith.constant 0 : i32
        %lt3A_1542 = arith.cmpi slt, %rem3A_1538, %lt3A_1541 : i32
        %lt3A_1543 = arith.constant 0 : i32
        %lt3A_1544 = arith.cmpi slt, %select_n3A_1537, %lt3A_1543 : i32
        %ne3A_1545 = arith.xori %lt3A_1542, %lt3A_1544 : i1
        %and3A_1546 = arith.andi %ne3A_1545, %ne3A_1540 : i1
        %add3A_1547 = arith.addi %rem3A_1538, %select_n3A_1537 : i32
        %select_n3A_1548 = arith.select %and3A_1546, %add3A_1547, %rem3A_1538 : i32
        %jit3A_1549 = arith.constant 4 : i32
        %eq3A_1550 = arith.constant 0 : i32
        %eq3A_1551 = arith.cmpi eq, %jit3A_1549, %eq3A_1550 : i32
        %jit3A_1552 = arith.constant 1 : i32
        %select_n3A_1553 = arith.select %eq3A_1551, %jit3A_1552, %jit3A_1549 : i32
        %rem3A_1554 = arith.remsi %add3A_459, %select_n3A_1553 : i32
        %ne3A_1555 = arith.constant 0 : i32
        %ne3A_1556 = arith.cmpi ne, %rem3A_1554, %ne3A_1555 : i32
        %lt3A_1557 = arith.constant 0 : i32
        %lt3A_1558 = arith.cmpi slt, %rem3A_1554, %lt3A_1557 : i32
        %lt3A_1559 = arith.constant 0 : i32
        %lt3A_1560 = arith.cmpi slt, %select_n3A_1553, %lt3A_1559 : i32
        %ne3A_1561 = arith.xori %lt3A_1558, %lt3A_1560 : i1
        %and3A_1562 = arith.andi %ne3A_1561, %ne3A_1556 : i1
        %add3A_1563 = arith.addi %rem3A_1554, %select_n3A_1553 : i32
        %select_n3A_1564 = arith.select %and3A_1562, %add3A_1563, %rem3A_1554 : i32
        %jit3A_1565 = arith.constant 2 : i32
        %div3A_1566 = arith.divsi %select_n3A_1564, %jit3A_1565 : i32
        %sign3A_1567 = arith.constant 0 : i32
        %sign3A_1568 = arith.cmpi sgt, %select_n3A_1564, %sign3A_1567 : i32
        %sign3A_1569 = arith.extui %sign3A_1568 : i1 to i32
        %sign3A_1570 = arith.constant 0 : i32
        %sign3A_1571 = arith.cmpi slt, %select_n3A_1564, %sign3A_1570 : i32
        %sign3A_1572 = arith.extui %sign3A_1571 : i1 to i32
        %sign3A_1573 = arith.subi %sign3A_1569, %sign3A_1572 : i32
        %sign3A_1574 = arith.constant 0 : i32
        %sign3A_1575 = arith.cmpi sgt, %jit3A_1565, %sign3A_1574 : i32
        %sign3A_1576 = arith.extui %sign3A_1575 : i1 to i32
        %sign3A_1577 = arith.constant 0 : i32
        %sign3A_1578 = arith.cmpi slt, %jit3A_1565, %sign3A_1577 : i32
        %sign3A_1579 = arith.extui %sign3A_1578 : i1 to i32
        %sign3A_1580 = arith.subi %sign3A_1576, %sign3A_1579 : i32
        %ne3A_1581 = arith.cmpi ne, %sign3A_1573, %sign3A_1580 : i32
        %rem3A_1582 = arith.remsi %select_n3A_1564, %jit3A_1565 : i32
        %ne3A_1583 = arith.constant 0 : i32
        %ne3A_1584 = arith.cmpi ne, %rem3A_1582, %ne3A_1583 : i32
        %and3A_1585 = arith.andi %ne3A_1581, %ne3A_1584 : i1
        %sub3A_1586 = arith.constant 1 : i32
        %sub3A_1587 = arith.subi %div3A_1566, %sub3A_1586 : i32
        %select_n3A_1588 = arith.select %and3A_1585, %sub3A_1587, %div3A_1566 : i32
        %jit3A_1589 = arith.constant 2 : i32
        %eq3A_1590 = arith.constant 0 : i32
        %eq3A_1591 = arith.cmpi eq, %jit3A_1589, %eq3A_1590 : i32
        %jit3A_1592 = arith.constant 1 : i32
        %select_n3A_1593 = arith.select %eq3A_1591, %jit3A_1592, %jit3A_1589 : i32
        %rem3A_1594 = arith.remsi %add3A_459, %select_n3A_1593 : i32
        %ne3A_1595 = arith.constant 0 : i32
        %ne3A_1596 = arith.cmpi ne, %rem3A_1594, %ne3A_1595 : i32
        %lt3A_1597 = arith.constant 0 : i32
        %lt3A_1598 = arith.cmpi slt, %rem3A_1594, %lt3A_1597 : i32
        %lt3A_1599 = arith.constant 0 : i32
        %lt3A_1600 = arith.cmpi slt, %select_n3A_1593, %lt3A_1599 : i32
        %ne3A_1601 = arith.xori %lt3A_1598, %lt3A_1600 : i1
        %and3A_1602 = arith.andi %ne3A_1601, %ne3A_1596 : i1
        %add3A_1603 = arith.addi %rem3A_1594, %select_n3A_1593 : i32
        %select_n3A_1604 = arith.select %and3A_1602, %add3A_1603, %rem3A_1594 : i32
        %ne3A_1605 = arith.cmpi ne, %select_n3A_1388, %select_n3A_1508 : i32
        %ne3A_1606 = arith.cmpi ne, %select_n3A_1428, %select_n3A_1548 : i32
        %ne3A_1607 = arith.cmpi ne, %select_n3A_1468, %select_n3A_1588 : i32
        %ne3A_1608 = arith.cmpi ne, %select_n3A_1484, %select_n3A_1604 : i32
        %or3A_1609 = arith.constant false
        %or3A_1610 = arith.ori %or3A_1609, %ne3A_1605 : i1
        %or3A_1611 = arith.ori %or3A_1610, %ne3A_1606 : i1
        %or3A_1612 = arith.ori %or3A_1611, %ne3A_1607 : i1
        %or3A_1613 = arith.ori %or3A_1612, %ne3A_1608 : i1
        %or3A_1614 = arith.ori %or3A_1613, %eq3A_447 : i1
        %convert_element_type3A_1615 = arith.extui %or3A_1614 : i1 to i32
        %cond3A_1616 = arith.constant 0 : i32
        %cond3A_1617 = arith.cmpi ne, %convert_element_type3A_1615, %cond3A_1616 : i32
        scf.if %cond3A_1617 {
        } else {
        }
        %rem3A_1618 = arith.constant 2 : i32
        %rem3A_1619 = arith.remui %scan3A_440, %rem3A_1618 : i32
        %rem3A_1620 = arith.constant 2 : i32
        %rem3A_1621 = arith.remui %scan3A_442, %rem3A_1620 : i32
        %rem3A_1622 = arith.constant 2 : i32
        %rem3A_1623 = arith.remui %scan3A_443, %rem3A_1622 : i32
        %get3A = arith.constant 0 : i32
        "tpu.trace_start"() <{level = 10 : i32, message = "ep_run_kernel"}> : () -> ()
        %get3A_1624 = arith.constant 0 : i32
        %get3A_1625 = arith.constant 0 : i32
        %get3A_1626 = tpu.memref_slice %run_scoped3A_8[%rem3A_1621, %get3A_1624, %get3A_1625] : memref<2x1x16xf32, #tpu.memory_space<vmem>> -> memref<1x1x16xf32, #tpu.memory_space<vmem>>
        %get3A_1627 = tpu.memref_squeeze %get3A_1626 : memref<1x1x16xf32, #tpu.memory_space<vmem>> -> memref<1x16xf32, #tpu.memory_space<vmem>>
        %get3A_1628 = arith.index_cast %get3A : i32 to index
        %get3A_1629 = arith.constant 0 : index
        %get3A_1630 = tpu.vector_load %get3A_1627[%get3A_1628, %get3A_1629] {strides = array<i32>} : memref<1x16xf32, #tpu.memory_space<vmem>>, vector<16xf32>,
        %add3A_1631 = arith.constant 1.280000e+02 : f32
        %add3A_1632 = vector.broadcast %add3A_1631 : f32 to vector<16xf32>
        %add3A_1633 = arith.addf %get3A_1630, %add3A_1632 : vector<16xf32>
        %add3A_1634 = arith.constant 2.550000e+02 : f32
        %add3A_1635 = vector.broadcast %add3A_1634 : f32 to vector<16xf32>
        %add3A_1636 = arith.addf %get3A_1630, %add3A_1635 : vector<16xf32>
        %parallel_loop3A = arith.constant 0 : i32
        %parallel_loop3A_1637 = arith.constant 14336 : i32
        %parallel_loop3A_1638 = arith.constant 16 : i32
        scf.for %parallel_loop3A_3107 = %parallel_loop3A to %parallel_loop3A_1637 step %parallel_loop3A_1638  : i32 {
          %parallel_loop3A_3108 = arith.constant 128 : i32
          %parallel_loop3A_3109 = arith.divsi %parallel_loop3A_3107, %parallel_loop3A_3108 : i32
          %parallel_loop3A_3110 = arith.constant 0 : i32
          %parallel_loop3A_3111 = arith.cmpi sgt, %parallel_loop3A_3107, %parallel_loop3A_3110 : i32
          %parallel_loop3A_3112 = arith.extui %parallel_loop3A_3111 : i1 to i32
          %parallel_loop3A_3113 = arith.constant 0 : i32
          %parallel_loop3A_3114 = arith.cmpi slt, %parallel_loop3A_3107, %parallel_loop3A_3113 : i32
          %parallel_loop3A_3115 = arith.extui %parallel_loop3A_3114 : i1 to i32
          %parallel_loop3A_3116 = arith.subi %parallel_loop3A_3112, %parallel_loop3A_3115 : i32
          %parallel_loop3A_3117 = arith.constant 0 : i32
          %parallel_loop3A_3118 = arith.cmpi sgt, %parallel_loop3A_3108, %parallel_loop3A_3117 : i32
          %parallel_loop3A_3119 = arith.extui %parallel_loop3A_3118 : i1 to i32
          %parallel_loop3A_3120 = arith.constant 0 : i32
          %parallel_loop3A_3121 = arith.cmpi slt, %parallel_loop3A_3108, %parallel_loop3A_3120 : i32
          %parallel_loop3A_3122 = arith.extui %parallel_loop3A_3121 : i1 to i32
          %parallel_loop3A_3123 = arith.subi %parallel_loop3A_3119, %parallel_loop3A_3122 : i32
          %parallel_loop3A_3124 = arith.cmpi ne, %parallel_loop3A_3116, %parallel_loop3A_3123 : i32
          %parallel_loop3A_3125 = arith.remsi %parallel_loop3A_3107, %parallel_loop3A_3108 : i32
          %parallel_loop3A_3126 = arith.constant 0 : i32
          %parallel_loop3A_3127 = arith.cmpi ne, %parallel_loop3A_3125, %parallel_loop3A_3126 : i32
          %parallel_loop3A_3128 = arith.andi %parallel_loop3A_3124, %parallel_loop3A_3127 : i1
          %parallel_loop3A_3129 = arith.constant 1 : i32
          %parallel_loop3A_3130 = arith.subi %parallel_loop3A_3109, %parallel_loop3A_3129 : i32
          %parallel_loop3A_3131 = arith.select %parallel_loop3A_3128, %parallel_loop3A_3130, %parallel_loop3A_3109 : i32
          %parallel_loop3A_3132 = arith.constant 128 : i32
          %parallel_loop3A_3133 = arith.constant 0 : i32
          %parallel_loop3A_3134 = arith.cmpi eq, %parallel_loop3A_3132, %parallel_loop3A_3133 : i32
          %parallel_loop3A_3135 = arith.constant 1 : i32
          %parallel_loop3A_3136 = arith.select %parallel_loop3A_3134, %parallel_loop3A_3135, %parallel_loop3A_3132 : i32
          %parallel_loop3A_3137 = arith.remsi %parallel_loop3A_3107, %parallel_loop3A_3136 : i32
          %parallel_loop3A_3138 = arith.constant 0 : i32
          %parallel_loop3A_3139 = arith.cmpi ne, %parallel_loop3A_3137, %parallel_loop3A_3138 : i32
          %parallel_loop3A_3140 = arith.constant 0 : i32
          %parallel_loop3A_3141 = arith.cmpi slt, %parallel_loop3A_3137, %parallel_loop3A_3140 : i32
          %parallel_loop3A_3142 = arith.constant 0 : i32
          %parallel_loop3A_3143 = arith.cmpi slt, %parallel_loop3A_3136, %parallel_loop3A_3142 : i32
          %parallel_loop3A_3144 = arith.xori %parallel_loop3A_3141, %parallel_loop3A_3143 : i1
          %parallel_loop3A_3145 = arith.andi %parallel_loop3A_3144, %parallel_loop3A_3139 : i1
          %parallel_loop3A_3146 = arith.addi %parallel_loop3A_3137, %parallel_loop3A_3136 : i32
          %parallel_loop3A_3147 = arith.select %parallel_loop3A_3145, %parallel_loop3A_3146, %parallel_loop3A_3137 : i32
          %parallel_loop3A_3148 = arith.constant 0 : i32
          %parallel_loop3A_3149 = arith.constant 0 : i32
          %parallel_loop3A_3150 = arith.constant 0 : i32
          %parallel_loop3A_3151 = arith.constant 0 : i32
          %parallel_loop3A_3152 = arith.constant 0 : i32
          %parallel_loop3A_3153 = arith.constant 0 : i32
          %parallel_loop3A_3154 = tpu.memref_slice %run_scoped3A[%rem3A_1619, %parallel_loop3A_3150, %parallel_loop3A_3151, %parallel_loop3A_3152, %parallel_loop3A_3153] : memref<2x1x1x112x128xf32, #tpu.memory_space<vmem>> -> memref<1x1x1x112x128xf32, #tpu.memory_space<vmem>>
          %parallel_loop3A_3155 = tpu.memref_squeeze %parallel_loop3A_3154 : memref<1x1x1x112x128xf32, #tpu.memory_space<vmem>> -> memref<1x1x112x128xf32, #tpu.memory_space<vmem>>
          %parallel_loop3A_3156 = arith.index_cast %parallel_loop3A_3148 : i32 to index
          %parallel_loop3A_3157 = arith.index_cast %parallel_loop3A_3149 : i32 to index
          %parallel_loop3A_3158 = arith.index_cast %parallel_loop3A_3131 : i32 to index
          %parallel_loop3A_3159 = arith.index_cast %parallel_loop3A_3147 : i32 to index
          %parallel_loop3A_3160 = tpu.vector_load %parallel_loop3A_3155[%parallel_loop3A_3156, %parallel_loop3A_3157, %parallel_loop3A_3158, %parallel_loop3A_3159] {strides = array<i32>} : memref<1x1x112x128xf32, #tpu.memory_space<vmem>>, vector<16xf32>,
          %parallel_loop3A_3161 = arith.constant 3.200000e+01 : f32
          %parallel_loop3A_3162 = vector.broadcast %parallel_loop3A_3161 : f32 to vector<16xf32>
          %parallel_loop3A_3163 = arith.mulf %parallel_loop3A_3160, %parallel_loop3A_3162 : vector<16xf32>
          %parallel_loop3A_3164 = arith.addf %parallel_loop3A_3163, %add3A_1633 : vector<16xf32>
          %parallel_loop3A_3165 = arith.maximumf %parallel_loop3A_3164, %get3A_1630 : vector<16xf32>
          %parallel_loop3A_3166 = arith.minimumf %parallel_loop3A_3165, %add3A_1636 : vector<16xf32>
          %parallel_loop3A_3167 = arith.fptosi %parallel_loop3A_3166 : vector<16xf32> to vector<16xi32>
          %parallel_loop3A_3168 = arith.sitofp %parallel_loop3A_3167 : vector<16xi32> to vector<16xf32>
          %parallel_loop3A_3169 = arith.subf %parallel_loop3A_3164, %parallel_loop3A_3168 : vector<16xf32>
          %parallel_loop3A_3170 = tpu.bitcast %parallel_loop3A_3167 : vector<16xi32> -> vector<16xi32>
          %parallel_loop3A_3171 = arith.constant 24671 : i32
          %parallel_loop3A_3172 = vector.broadcast %parallel_loop3A_3171 : i32 to vector<16xi32>
          %parallel_loop3A_3173 = arith.minui %parallel_loop3A_3170, %parallel_loop3A_3172 : vector<16xi32>
          %parallel_loop3A_3174 = tpu.bitcast %parallel_loop3A_3173 : vector<16xi32> -> vector<16xi32>
          %parallel_loop3A_3175 = tpu.vector_load_idx %arg7[%parallel_loop3A_3174] : memref<24672xf32, #tpu.memory_space<vmem>>[vector<16xi32>], vector<16xf32>,
          %parallel_loop3A_3176 = tpu.vector_load_idx %arg8[%parallel_loop3A_3174] : memref<24672xf32, #tpu.memory_space<vmem>>[vector<16xi32>], vector<16xf32>,
          %parallel_loop3A_3177 = arith.mulf %parallel_loop3A_3169, %parallel_loop3A_3176 : vector<16xf32>
          %parallel_loop3A_3178 = arith.addf %parallel_loop3A_3175, %parallel_loop3A_3177 : vector<16xf32>
          %parallel_loop3A_3179 = arith.constant 0 : i32
          %parallel_loop3A_3180 = arith.constant 0 : i32
          %parallel_loop3A_3181 = arith.constant 0 : i32
          %parallel_loop3A_3182 = arith.constant 0 : i32
          %parallel_loop3A_3183 = arith.constant 0 : i32
          %parallel_loop3A_3184 = arith.constant 0 : i32
          %parallel_loop3A_3185 = tpu.memref_slice %run_scoped3A_10[%rem3A_1623, %parallel_loop3A_3181, %parallel_loop3A_3182, %parallel_loop3A_3183, %parallel_loop3A_3184] : memref<2x1x1x112x128xf32, #tpu.memory_space<vmem>> -> memref<1x1x1x112x128xf32, #tpu.memory_space<vmem>>
          %parallel_loop3A_3186 = tpu.memref_squeeze %parallel_loop3A_3185 : memref<1x1x1x112x128xf32, #tpu.memory_space<vmem>> -> memref<1x1x112x128xf32, #tpu.memory_space<vmem>>
          %parallel_loop3A_3187 = arith.index_cast %parallel_loop3A_3179 : i32 to index
          %parallel_loop3A_3188 = arith.index_cast %parallel_loop3A_3180 : i32 to index
          %parallel_loop3A_3189 = arith.index_cast %parallel_loop3A_3131 : i32 to index
          %parallel_loop3A_3190 = arith.index_cast %parallel_loop3A_3147 : i32 to index
          %parallel_loop3A_3191 = tpu.vector_load %parallel_loop3A_3186[%parallel_loop3A_3187, %parallel_loop3A_3188, %parallel_loop3A_3189, %parallel_loop3A_3190] {strides = array<i32>} : memref<1x1x112x128xf32, #tpu.memory_space<vmem>>, vector<16xf32>,
          tpu.vector_store %parallel_loop3A_3186[%parallel_loop3A_3187, %parallel_loop3A_3188, %parallel_loop3A_3189, %parallel_loop3A_3190], %parallel_loop3A_3178 {strides = array<i32>} : memref<1x1x112x128xf32, #tpu.memory_space<vmem>>, vector<16xf32>,
        } {sc.loop_unroll_factor = 8 : i64, sc.parallel_access}
        %jit3A_1639 = arith.constant 384 : i32
        "tpu.trace_stop"() : () -> ()
        %div3A_1640 = arith.divsi %add3A_450, %jit3A_1639 : i32
        %sign3A_1641 = arith.constant 0 : i32
        %sign3A_1642 = arith.cmpi sgt, %add3A_450, %sign3A_1641 : i32
        %sign3A_1643 = arith.extui %sign3A_1642 : i1 to i32
        %sign3A_1644 = arith.constant 0 : i32
        %sign3A_1645 = arith.cmpi slt, %add3A_450, %sign3A_1644 : i32
        %sign3A_1646 = arith.extui %sign3A_1645 : i1 to i32
        %sign3A_1647 = arith.subi %sign3A_1643, %sign3A_1646 : i32
        %sign3A_1648 = arith.constant 0 : i32
        %sign3A_1649 = arith.cmpi sgt, %jit3A_1639, %sign3A_1648 : i32
        %sign3A_1650 = arith.extui %sign3A_1649 : i1 to i32
        %sign3A_1651 = arith.constant 0 : i32
        %sign3A_1652 = arith.cmpi slt, %jit3A_1639, %sign3A_1651 : i32
        %sign3A_1653 = arith.extui %sign3A_1652 : i1 to i32
        %sign3A_1654 = arith.subi %sign3A_1650, %sign3A_1653 : i32
        %ne3A_1655 = arith.cmpi ne, %sign3A_1647, %sign3A_1654 : i32
        %rem3A_1656 = arith.remsi %add3A_450, %jit3A_1639 : i32
        %ne3A_1657 = arith.constant 0 : i32
        %ne3A_1658 = arith.cmpi ne, %rem3A_1656, %ne3A_1657 : i32
        %and3A_1659 = arith.andi %ne3A_1655, %ne3A_1658 : i1
        %sub3A_1660 = arith.constant 1 : i32
        %sub3A_1661 = arith.subi %div3A_1640, %sub3A_1660 : i32
        %select_n3A_1662 = arith.select %and3A_1659, %sub3A_1661, %div3A_1640 : i32
        %jit3A_1663 = arith.constant 4 : i32
        %div3A_1664 = arith.divsi %add3A_450, %jit3A_1663 : i32
        %sign3A_1665 = arith.constant 0 : i32
        %sign3A_1666 = arith.cmpi sgt, %add3A_450, %sign3A_1665 : i32
        %sign3A_1667 = arith.extui %sign3A_1666 : i1 to i32
        %sign3A_1668 = arith.constant 0 : i32
        %sign3A_1669 = arith.cmpi slt, %add3A_450, %sign3A_1668 : i32
        %sign3A_1670 = arith.extui %sign3A_1669 : i1 to i32
        %sign3A_1671 = arith.subi %sign3A_1667, %sign3A_1670 : i32
        %sign3A_1672 = arith.constant 0 : i32
        %sign3A_1673 = arith.cmpi sgt, %jit3A_1663, %sign3A_1672 : i32
        %sign3A_1674 = arith.extui %sign3A_1673 : i1 to i32
        %sign3A_1675 = arith.constant 0 : i32
        %sign3A_1676 = arith.cmpi slt, %jit3A_1663, %sign3A_1675 : i32
        %sign3A_1677 = arith.extui %sign3A_1676 : i1 to i32
        %sign3A_1678 = arith.subi %sign3A_1674, %sign3A_1677 : i32
        %ne3A_1679 = arith.cmpi ne, %sign3A_1671, %sign3A_1678 : i32
        %rem3A_1680 = arith.remsi %add3A_450, %jit3A_1663 : i32
        %ne3A_1681 = arith.constant 0 : i32
        %ne3A_1682 = arith.cmpi ne, %rem3A_1680, %ne3A_1681 : i32
        %and3A_1683 = arith.andi %ne3A_1679, %ne3A_1682 : i1
        %sub3A_1684 = arith.constant 1 : i32
        %sub3A_1685 = arith.subi %div3A_1664, %sub3A_1684 : i32
        %select_n3A_1686 = arith.select %and3A_1683, %sub3A_1685, %div3A_1664 : i32
        %jit3A_1687 = arith.constant 96 : i32
        %eq3A_1688 = arith.constant 0 : i32
        %eq3A_1689 = arith.cmpi eq, %jit3A_1687, %eq3A_1688 : i32
        %jit3A_1690 = arith.constant 1 : i32
        %select_n3A_1691 = arith.select %eq3A_1689, %jit3A_1690, %jit3A_1687 : i32
        %rem3A_1692 = arith.remsi %select_n3A_1686, %select_n3A_1691 : i32
        %ne3A_1693 = arith.constant 0 : i32
        %ne3A_1694 = arith.cmpi ne, %rem3A_1692, %ne3A_1693 : i32
        %lt3A_1695 = arith.constant 0 : i32
        %lt3A_1696 = arith.cmpi slt, %rem3A_1692, %lt3A_1695 : i32
        %lt3A_1697 = arith.constant 0 : i32
        %lt3A_1698 = arith.cmpi slt, %select_n3A_1691, %lt3A_1697 : i32
        %ne3A_1699 = arith.xori %lt3A_1696, %lt3A_1698 : i1
        %and3A_1700 = arith.andi %ne3A_1699, %ne3A_1694 : i1
        %add3A_1701 = arith.addi %rem3A_1692, %select_n3A_1691 : i32
        %select_n3A_1702 = arith.select %and3A_1700, %add3A_1701, %rem3A_1692 : i32
        %jit3A_1703 = arith.constant 4 : i32
        %eq3A_1704 = arith.constant 0 : i32
        %eq3A_1705 = arith.cmpi eq, %jit3A_1703, %eq3A_1704 : i32
        %jit3A_1706 = arith.constant 1 : i32
        %select_n3A_1707 = arith.select %eq3A_1705, %jit3A_1706, %jit3A_1703 : i32
        %rem3A_1708 = arith.remsi %add3A_450, %select_n3A_1707 : i32
        %ne3A_1709 = arith.constant 0 : i32
        %ne3A_1710 = arith.cmpi ne, %rem3A_1708, %ne3A_1709 : i32
        %lt3A_1711 = arith.constant 0 : i32
        %lt3A_1712 = arith.cmpi slt, %rem3A_1708, %lt3A_1711 : i32
        %lt3A_1713 = arith.constant 0 : i32
        %lt3A_1714 = arith.cmpi slt, %select_n3A_1707, %lt3A_1713 : i32
        %ne3A_1715 = arith.xori %lt3A_1712, %lt3A_1714 : i1
        %and3A_1716 = arith.andi %ne3A_1715, %ne3A_1710 : i1
        %add3A_1717 = arith.addi %rem3A_1708, %select_n3A_1707 : i32
        %select_n3A_1718 = arith.select %and3A_1716, %add3A_1717, %rem3A_1708 : i32
        %jit3A_1719 = arith.constant 2 : i32
        %div3A_1720 = arith.divsi %select_n3A_1718, %jit3A_1719 : i32
        %sign3A_1721 = arith.constant 0 : i32
        %sign3A_1722 = arith.cmpi sgt, %select_n3A_1718, %sign3A_1721 : i32
        %sign3A_1723 = arith.extui %sign3A_1722 : i1 to i32
        %sign3A_1724 = arith.constant 0 : i32
        %sign3A_1725 = arith.cmpi slt, %select_n3A_1718, %sign3A_1724 : i32
        %sign3A_1726 = arith.extui %sign3A_1725 : i1 to i32
        %sign3A_1727 = arith.subi %sign3A_1723, %sign3A_1726 : i32
        %sign3A_1728 = arith.constant 0 : i32
        %sign3A_1729 = arith.cmpi sgt, %jit3A_1719, %sign3A_1728 : i32
        %sign3A_1730 = arith.extui %sign3A_1729 : i1 to i32
        %sign3A_1731 = arith.constant 0 : i32
        %sign3A_1732 = arith.cmpi slt, %jit3A_1719, %sign3A_1731 : i32
        %sign3A_1733 = arith.extui %sign3A_1732 : i1 to i32
        %sign3A_1734 = arith.subi %sign3A_1730, %sign3A_1733 : i32
        %ne3A_1735 = arith.cmpi ne, %sign3A_1727, %sign3A_1734 : i32
        %rem3A_1736 = arith.remsi %select_n3A_1718, %jit3A_1719 : i32
        %ne3A_1737 = arith.constant 0 : i32
        %ne3A_1738 = arith.cmpi ne, %rem3A_1736, %ne3A_1737 : i32
        %and3A_1739 = arith.andi %ne3A_1735, %ne3A_1738 : i1
        %sub3A_1740 = arith.constant 1 : i32
        %sub3A_1741 = arith.subi %div3A_1720, %sub3A_1740 : i32
        %select_n3A_1742 = arith.select %and3A_1739, %sub3A_1741, %div3A_1720 : i32
        %jit3A_1743 = arith.constant 2 : i32
        %eq3A_1744 = arith.constant 0 : i32
        %eq3A_1745 = arith.cmpi eq, %jit3A_1743, %eq3A_1744 : i32
        %jit3A_1746 = arith.constant 1 : i32
        %select_n3A_1747 = arith.select %eq3A_1745, %jit3A_1746, %jit3A_1743 : i32
        %rem3A_1748 = arith.remsi %add3A_450, %select_n3A_1747 : i32
        %ne3A_1749 = arith.constant 0 : i32
        %ne3A_1750 = arith.cmpi ne, %rem3A_1748, %ne3A_1749 : i32
        %lt3A_1751 = arith.constant 0 : i32
        %lt3A_1752 = arith.cmpi slt, %rem3A_1748, %lt3A_1751 : i32
        %lt3A_1753 = arith.constant 0 : i32
        %lt3A_1754 = arith.cmpi slt, %select_n3A_1747, %lt3A_1753 : i32
        %ne3A_1755 = arith.xori %lt3A_1752, %lt3A_1754 : i1
        %and3A_1756 = arith.andi %ne3A_1755, %ne3A_1750 : i1
        %add3A_1757 = arith.addi %rem3A_1748, %select_n3A_1747 : i32
        %select_n3A_1758 = arith.select %and3A_1756, %add3A_1757, %rem3A_1748 : i32
        %jit3A_1759 = arith.constant 384 : i32
        %div3A_1760 = arith.divsi %add3A_468, %jit3A_1759 : i32
        %sign3A_1761 = arith.constant 0 : i32
        %sign3A_1762 = arith.cmpi sgt, %add3A_468, %sign3A_1761 : i32
        %sign3A_1763 = arith.extui %sign3A_1762 : i1 to i32
        %sign3A_1764 = arith.constant 0 : i32
        %sign3A_1765 = arith.cmpi slt, %add3A_468, %sign3A_1764 : i32
        %sign3A_1766 = arith.extui %sign3A_1765 : i1 to i32
        %sign3A_1767 = arith.subi %sign3A_1763, %sign3A_1766 : i32
        %sign3A_1768 = arith.constant 0 : i32
        %sign3A_1769 = arith.cmpi sgt, %jit3A_1759, %sign3A_1768 : i32
        %sign3A_1770 = arith.extui %sign3A_1769 : i1 to i32
        %sign3A_1771 = arith.constant 0 : i32
        %sign3A_1772 = arith.cmpi slt, %jit3A_1759, %sign3A_1771 : i32
        %sign3A_1773 = arith.extui %sign3A_1772 : i1 to i32
        %sign3A_1774 = arith.subi %sign3A_1770, %sign3A_1773 : i32
        %ne3A_1775 = arith.cmpi ne, %sign3A_1767, %sign3A_1774 : i32
        %rem3A_1776 = arith.remsi %add3A_468, %jit3A_1759 : i32
        %ne3A_1777 = arith.constant 0 : i32
        %ne3A_1778 = arith.cmpi ne, %rem3A_1776, %ne3A_1777 : i32
        %and3A_1779 = arith.andi %ne3A_1775, %ne3A_1778 : i1
        %sub3A_1780 = arith.constant 1 : i32
        %sub3A_1781 = arith.subi %div3A_1760, %sub3A_1780 : i32
        %select_n3A_1782 = arith.select %and3A_1779, %sub3A_1781, %div3A_1760 : i32
        %jit3A_1783 = arith.constant 4 : i32
        %div3A_1784 = arith.divsi %add3A_468, %jit3A_1783 : i32
        %sign3A_1785 = arith.constant 0 : i32
        %sign3A_1786 = arith.cmpi sgt, %add3A_468, %sign3A_1785 : i32
        %sign3A_1787 = arith.extui %sign3A_1786 : i1 to i32
        %sign3A_1788 = arith.constant 0 : i32
        %sign3A_1789 = arith.cmpi slt, %add3A_468, %sign3A_1788 : i32
        %sign3A_1790 = arith.extui %sign3A_1789 : i1 to i32
        %sign3A_1791 = arith.subi %sign3A_1787, %sign3A_1790 : i32
        %sign3A_1792 = arith.constant 0 : i32
        %sign3A_1793 = arith.cmpi sgt, %jit3A_1783, %sign3A_1792 : i32
        %sign3A_1794 = arith.extui %sign3A_1793 : i1 to i32
        %sign3A_1795 = arith.constant 0 : i32
        %sign3A_1796 = arith.cmpi slt, %jit3A_1783, %sign3A_1795 : i32
        %sign3A_1797 = arith.extui %sign3A_1796 : i1 to i32
        %sign3A_1798 = arith.subi %sign3A_1794, %sign3A_1797 : i32
        %ne3A_1799 = arith.cmpi ne, %sign3A_1791, %sign3A_1798 : i32
        %rem3A_1800 = arith.remsi %add3A_468, %jit3A_1783 : i32
        %ne3A_1801 = arith.constant 0 : i32
        %ne3A_1802 = arith.cmpi ne, %rem3A_1800, %ne3A_1801 : i32
        %and3A_1803 = arith.andi %ne3A_1799, %ne3A_1802 : i1
        %sub3A_1804 = arith.constant 1 : i32
        %sub3A_1805 = arith.subi %div3A_1784, %sub3A_1804 : i32
        %select_n3A_1806 = arith.select %and3A_1803, %sub3A_1805, %div3A_1784 : i32
        %jit3A_1807 = arith.constant 96 : i32
        %eq3A_1808 = arith.constant 0 : i32
        %eq3A_1809 = arith.cmpi eq, %jit3A_1807, %eq3A_1808 : i32
        %jit3A_1810 = arith.constant 1 : i32
        %select_n3A_1811 = arith.select %eq3A_1809, %jit3A_1810, %jit3A_1807 : i32
        %rem3A_1812 = arith.remsi %select_n3A_1806, %select_n3A_1811 : i32
        %ne3A_1813 = arith.constant 0 : i32
        %ne3A_1814 = arith.cmpi ne, %rem3A_1812, %ne3A_1813 : i32
        %lt3A_1815 = arith.constant 0 : i32
        %lt3A_1816 = arith.cmpi slt, %rem3A_1812, %lt3A_1815 : i32
        %lt3A_1817 = arith.constant 0 : i32
        %lt3A_1818 = arith.cmpi slt, %select_n3A_1811, %lt3A_1817 : i32
        %ne3A_1819 = arith.xori %lt3A_1816, %lt3A_1818 : i1
        %and3A_1820 = arith.andi %ne3A_1819, %ne3A_1814 : i1
        %add3A_1821 = arith.addi %rem3A_1812, %select_n3A_1811 : i32
        %select_n3A_1822 = arith.select %and3A_1820, %add3A_1821, %rem3A_1812 : i32
        %jit3A_1823 = arith.constant 4 : i32
        %eq3A_1824 = arith.constant 0 : i32
        %eq3A_1825 = arith.cmpi eq, %jit3A_1823, %eq3A_1824 : i32
        %jit3A_1826 = arith.constant 1 : i32
        %select_n3A_1827 = arith.select %eq3A_1825, %jit3A_1826, %jit3A_1823 : i32
        %rem3A_1828 = arith.remsi %add3A_468, %select_n3A_1827 : i32
        %ne3A_1829 = arith.constant 0 : i32
        %ne3A_1830 = arith.cmpi ne, %rem3A_1828, %ne3A_1829 : i32
        %lt3A_1831 = arith.constant 0 : i32
        %lt3A_1832 = arith.cmpi slt, %rem3A_1828, %lt3A_1831 : i32
        %lt3A_1833 = arith.constant 0 : i32
        %lt3A_1834 = arith.cmpi slt, %select_n3A_1827, %lt3A_1833 : i32
        %ne3A_1835 = arith.xori %lt3A_1832, %lt3A_1834 : i1
        %and3A_1836 = arith.andi %ne3A_1835, %ne3A_1830 : i1
        %add3A_1837 = arith.addi %rem3A_1828, %select_n3A_1827 : i32
        %select_n3A_1838 = arith.select %and3A_1836, %add3A_1837, %rem3A_1828 : i32
        %jit3A_1839 = arith.constant 2 : i32
        %div3A_1840 = arith.divsi %select_n3A_1838, %jit3A_1839 : i32
        %sign3A_1841 = arith.constant 0 : i32
        %sign3A_1842 = arith.cmpi sgt, %select_n3A_1838, %sign3A_1841 : i32
        %sign3A_1843 = arith.extui %sign3A_1842 : i1 to i32
        %sign3A_1844 = arith.constant 0 : i32
        %sign3A_1845 = arith.cmpi slt, %select_n3A_1838, %sign3A_1844 : i32
        %sign3A_1846 = arith.extui %sign3A_1845 : i1 to i32
        %sign3A_1847 = arith.subi %sign3A_1843, %sign3A_1846 : i32
        %sign3A_1848 = arith.constant 0 : i32
        %sign3A_1849 = arith.cmpi sgt, %jit3A_1839, %sign3A_1848 : i32
        %sign3A_1850 = arith.extui %sign3A_1849 : i1 to i32
        %sign3A_1851 = arith.constant 0 : i32
        %sign3A_1852 = arith.cmpi slt, %jit3A_1839, %sign3A_1851 : i32
        %sign3A_1853 = arith.extui %sign3A_1852 : i1 to i32
        %sign3A_1854 = arith.subi %sign3A_1850, %sign3A_1853 : i32
        %ne3A_1855 = arith.cmpi ne, %sign3A_1847, %sign3A_1854 : i32
        %rem3A_1856 = arith.remsi %select_n3A_1838, %jit3A_1839 : i32
        %ne3A_1857 = arith.constant 0 : i32
        %ne3A_1858 = arith.cmpi ne, %rem3A_1856, %ne3A_1857 : i32
        %and3A_1859 = arith.andi %ne3A_1855, %ne3A_1858 : i1
        %sub3A_1860 = arith.constant 1 : i32
        %sub3A_1861 = arith.subi %div3A_1840, %sub3A_1860 : i32
        %select_n3A_1862 = arith.select %and3A_1859, %sub3A_1861, %div3A_1840 : i32
        %jit3A_1863 = arith.constant 2 : i32
        %eq3A_1864 = arith.constant 0 : i32
        %eq3A_1865 = arith.cmpi eq, %jit3A_1863, %eq3A_1864 : i32
        %jit3A_1866 = arith.constant 1 : i32
        %select_n3A_1867 = arith.select %eq3A_1865, %jit3A_1866, %jit3A_1863 : i32
        %rem3A_1868 = arith.remsi %add3A_468, %select_n3A_1867 : i32
        %ne3A_1869 = arith.constant 0 : i32
        %ne3A_1870 = arith.cmpi ne, %rem3A_1868, %ne3A_1869 : i32
        %lt3A_1871 = arith.constant 0 : i32
        %lt3A_1872 = arith.cmpi slt, %rem3A_1868, %lt3A_1871 : i32
        %lt3A_1873 = arith.constant 0 : i32
        %lt3A_1874 = arith.cmpi slt, %select_n3A_1867, %lt3A_1873 : i32
        %ne3A_1875 = arith.xori %lt3A_1872, %lt3A_1874 : i1
        %and3A_1876 = arith.andi %ne3A_1875, %ne3A_1870 : i1
        %add3A_1877 = arith.addi %rem3A_1868, %select_n3A_1867 : i32
        %select_n3A_1878 = arith.select %and3A_1876, %add3A_1877, %rem3A_1868 : i32
        %ne3A_1879 = arith.cmpi ne, %select_n3A_1662, %select_n3A_1782 : i32
        %ne3A_1880 = arith.cmpi ne, %select_n3A_1702, %select_n3A_1822 : i32
        %ne3A_1881 = arith.cmpi ne, %select_n3A_1742, %select_n3A_1862 : i32
        %ne3A_1882 = arith.cmpi ne, %select_n3A_1758, %select_n3A_1878 : i32
        %or3A_1883 = arith.constant false
        %or3A_1884 = arith.ori %or3A_1883, %ne3A_1879 : i1
        %or3A_1885 = arith.ori %or3A_1884, %ne3A_1880 : i1
        %or3A_1886 = arith.ori %or3A_1885, %ne3A_1881 : i1
        %or3A_1887 = arith.ori %or3A_1886, %ne3A_1882 : i1
        %or3A_1888 = arith.ori %or3A_1887, %eq3A_449 : i1
        %convert_element_type3A_1889 = arith.extui %or3A_1888 : i1 to i32
        %cond3A_1890 = arith.constant 0 : i32
        %cond3A_1891 = arith.cmpi ne, %convert_element_type3A_1889, %cond3A_1890 : i32
        scf.if %cond3A_1891 {
        } else {
        }
        %and3A_1892 = arith.constant false
        %and3A_1893 = arith.andi %or3A_1888, %and3A_1892 : i1
        %jit3A_1894 = arith.constant 4 : i32
        %div3A_1895 = arith.divsi %add3A_450, %jit3A_1894 : i32
        %sign3A_1896 = arith.constant 0 : i32
        %sign3A_1897 = arith.cmpi sgt, %add3A_450, %sign3A_1896 : i32
        %sign3A_1898 = arith.extui %sign3A_1897 : i1 to i32
        %sign3A_1899 = arith.constant 0 : i32
        %sign3A_1900 = arith.cmpi slt, %add3A_450, %sign3A_1899 : i32
        %sign3A_1901 = arith.extui %sign3A_1900 : i1 to i32
        %sign3A_1902 = arith.subi %sign3A_1898, %sign3A_1901 : i32
        %sign3A_1903 = arith.constant 0 : i32
        %sign3A_1904 = arith.cmpi sgt, %jit3A_1894, %sign3A_1903 : i32
        %sign3A_1905 = arith.extui %sign3A_1904 : i1 to i32
        %sign3A_1906 = arith.constant 0 : i32
        %sign3A_1907 = arith.cmpi slt, %jit3A_1894, %sign3A_1906 : i32
        %sign3A_1908 = arith.extui %sign3A_1907 : i1 to i32
        %sign3A_1909 = arith.subi %sign3A_1905, %sign3A_1908 : i32
        %ne3A_1910 = arith.cmpi ne, %sign3A_1902, %sign3A_1909 : i32
        %rem3A_1911 = arith.remsi %add3A_450, %jit3A_1894 : i32
        %ne3A_1912 = arith.constant 0 : i32
        %ne3A_1913 = arith.cmpi ne, %rem3A_1911, %ne3A_1912 : i32
        %and3A_1914 = arith.andi %ne3A_1910, %ne3A_1913 : i1
        %sub3A_1915 = arith.constant 1 : i32
        %sub3A_1916 = arith.subi %div3A_1895, %sub3A_1915 : i32
        %select_n3A_1917 = arith.select %and3A_1914, %sub3A_1916, %div3A_1895 : i32
        %jit3A_1918 = arith.constant 4 : i32
        %div3A_1919 = arith.divsi %add3A_468, %jit3A_1918 : i32
        %sign3A_1920 = arith.constant 0 : i32
        %sign3A_1921 = arith.cmpi sgt, %add3A_468, %sign3A_1920 : i32
        %sign3A_1922 = arith.extui %sign3A_1921 : i1 to i32
        %sign3A_1923 = arith.constant 0 : i32
        %sign3A_1924 = arith.cmpi slt, %add3A_468, %sign3A_1923 : i32
        %sign3A_1925 = arith.extui %sign3A_1924 : i1 to i32
        %sign3A_1926 = arith.subi %sign3A_1922, %sign3A_1925 : i32
        %sign3A_1927 = arith.constant 0 : i32
        %sign3A_1928 = arith.cmpi sgt, %jit3A_1918, %sign3A_1927 : i32
        %sign3A_1929 = arith.extui %sign3A_1928 : i1 to i32
        %sign3A_1930 = arith.constant 0 : i32
        %sign3A_1931 = arith.cmpi slt, %jit3A_1918, %sign3A_1930 : i32
        %sign3A_1932 = arith.extui %sign3A_1931 : i1 to i32
        %sign3A_1933 = arith.subi %sign3A_1929, %sign3A_1932 : i32
        %ne3A_1934 = arith.cmpi ne, %sign3A_1926, %sign3A_1933 : i32
        %rem3A_1935 = arith.remsi %add3A_468, %jit3A_1918 : i32
        %ne3A_1936 = arith.constant 0 : i32
        %ne3A_1937 = arith.cmpi ne, %rem3A_1935, %ne3A_1936 : i32
        %and3A_1938 = arith.andi %ne3A_1934, %ne3A_1937 : i1
        %sub3A_1939 = arith.constant 1 : i32
        %sub3A_1940 = arith.subi %div3A_1919, %sub3A_1939 : i32
        %select_n3A_1941 = arith.select %and3A_1938, %sub3A_1940, %div3A_1919 : i32
        %ne3A_1942 = arith.cmpi ne, %select_n3A_1917, %select_n3A_1941 : i32
        %or3A_1943 = arith.constant false
        %or3A_1944 = arith.ori %or3A_1943, %ne3A_1942 : i1
        %or3A_1945 = arith.constant false
        %or3A_1946 = arith.ori %or3A_1944, %or3A_1945 : i1
        %or3A_1947 = arith.ori %or3A_1946, %eq3A_449 : i1
        %convert_element_type3A_1948 = arith.extui %or3A_1947 : i1 to i32
        %cond3A_1949 = arith.constant 0 : i32
        %cond3A_1950 = arith.cmpi ne, %convert_element_type3A_1948, %cond3A_1949 : i32
        scf.if %cond3A_1950 {
        } else {
        }
        %and3A_1951 = arith.constant false
        %and3A_1952 = arith.andi %or3A_1947, %and3A_1951 : i1
        %jit3A_1953 = arith.constant 384 : i32
        %div3A_1954 = arith.divsi %add3A_450, %jit3A_1953 : i32
        %sign3A_1955 = arith.constant 0 : i32
        %sign3A_1956 = arith.cmpi sgt, %add3A_450, %sign3A_1955 : i32
        %sign3A_1957 = arith.extui %sign3A_1956 : i1 to i32
        %sign3A_1958 = arith.constant 0 : i32
        %sign3A_1959 = arith.cmpi slt, %add3A_450, %sign3A_1958 : i32
        %sign3A_1960 = arith.extui %sign3A_1959 : i1 to i32
        %sign3A_1961 = arith.subi %sign3A_1957, %sign3A_1960 : i32
        %sign3A_1962 = arith.constant 0 : i32
        %sign3A_1963 = arith.cmpi sgt, %jit3A_1953, %sign3A_1962 : i32
        %sign3A_1964 = arith.extui %sign3A_1963 : i1 to i32
        %sign3A_1965 = arith.constant 0 : i32
        %sign3A_1966 = arith.cmpi slt, %jit3A_1953, %sign3A_1965 : i32
        %sign3A_1967 = arith.extui %sign3A_1966 : i1 to i32
        %sign3A_1968 = arith.subi %sign3A_1964, %sign3A_1967 : i32
        %ne3A_1969 = arith.cmpi ne, %sign3A_1961, %sign3A_1968 : i32
        %rem3A_1970 = arith.remsi %add3A_450, %jit3A_1953 : i32
        %ne3A_1971 = arith.constant 0 : i32
        %ne3A_1972 = arith.cmpi ne, %rem3A_1970, %ne3A_1971 : i32
        %and3A_1973 = arith.andi %ne3A_1969, %ne3A_1972 : i1
        %sub3A_1974 = arith.constant 1 : i32
        %sub3A_1975 = arith.subi %div3A_1954, %sub3A_1974 : i32
        %select_n3A_1976 = arith.select %and3A_1973, %sub3A_1975, %div3A_1954 : i32
        %jit3A_1977 = arith.constant 4 : i32
        %div3A_1978 = arith.divsi %add3A_450, %jit3A_1977 : i32
        %sign3A_1979 = arith.constant 0 : i32
        %sign3A_1980 = arith.cmpi sgt, %add3A_450, %sign3A_1979 : i32
        %sign3A_1981 = arith.extui %sign3A_1980 : i1 to i32
        %sign3A_1982 = arith.constant 0 : i32
        %sign3A_1983 = arith.cmpi slt, %add3A_450, %sign3A_1982 : i32
        %sign3A_1984 = arith.extui %sign3A_1983 : i1 to i32
        %sign3A_1985 = arith.subi %sign3A_1981, %sign3A_1984 : i32
        %sign3A_1986 = arith.constant 0 : i32
        %sign3A_1987 = arith.cmpi sgt, %jit3A_1977, %sign3A_1986 : i32
        %sign3A_1988 = arith.extui %sign3A_1987 : i1 to i32
        %sign3A_1989 = arith.constant 0 : i32
        %sign3A_1990 = arith.cmpi slt, %jit3A_1977, %sign3A_1989 : i32
        %sign3A_1991 = arith.extui %sign3A_1990 : i1 to i32
        %sign3A_1992 = arith.subi %sign3A_1988, %sign3A_1991 : i32
        %ne3A_1993 = arith.cmpi ne, %sign3A_1985, %sign3A_1992 : i32
        %rem3A_1994 = arith.remsi %add3A_450, %jit3A_1977 : i32
        %ne3A_1995 = arith.constant 0 : i32
        %ne3A_1996 = arith.cmpi ne, %rem3A_1994, %ne3A_1995 : i32
        %and3A_1997 = arith.andi %ne3A_1993, %ne3A_1996 : i1
        %sub3A_1998 = arith.constant 1 : i32
        %sub3A_1999 = arith.subi %div3A_1978, %sub3A_1998 : i32
        %select_n3A_2000 = arith.select %and3A_1997, %sub3A_1999, %div3A_1978 : i32
        %jit3A_2001 = arith.constant 96 : i32
        %eq3A_2002 = arith.constant 0 : i32
        %eq3A_2003 = arith.cmpi eq, %jit3A_2001, %eq3A_2002 : i32
        %jit3A_2004 = arith.constant 1 : i32
        %select_n3A_2005 = arith.select %eq3A_2003, %jit3A_2004, %jit3A_2001 : i32
        %rem3A_2006 = arith.remsi %select_n3A_2000, %select_n3A_2005 : i32
        %ne3A_2007 = arith.constant 0 : i32
        %ne3A_2008 = arith.cmpi ne, %rem3A_2006, %ne3A_2007 : i32
        %lt3A_2009 = arith.constant 0 : i32
        %lt3A_2010 = arith.cmpi slt, %rem3A_2006, %lt3A_2009 : i32
        %lt3A_2011 = arith.constant 0 : i32
        %lt3A_2012 = arith.cmpi slt, %select_n3A_2005, %lt3A_2011 : i32
        %ne3A_2013 = arith.xori %lt3A_2010, %lt3A_2012 : i1
        %and3A_2014 = arith.andi %ne3A_2013, %ne3A_2008 : i1
        %add3A_2015 = arith.addi %rem3A_2006, %select_n3A_2005 : i32
        %select_n3A_2016 = arith.select %and3A_2014, %add3A_2015, %rem3A_2006 : i32
        %jit3A_2017 = arith.constant 4 : i32
        %eq3A_2018 = arith.constant 0 : i32
        %eq3A_2019 = arith.cmpi eq, %jit3A_2017, %eq3A_2018 : i32
        %jit3A_2020 = arith.constant 1 : i32
        %select_n3A_2021 = arith.select %eq3A_2019, %jit3A_2020, %jit3A_2017 : i32
        %rem3A_2022 = arith.remsi %add3A_450, %select_n3A_2021 : i32
        %ne3A_2023 = arith.constant 0 : i32
        %ne3A_2024 = arith.cmpi ne, %rem3A_2022, %ne3A_2023 : i32
        %lt3A_2025 = arith.constant 0 : i32
        %lt3A_2026 = arith.cmpi slt, %rem3A_2022, %lt3A_2025 : i32
        %lt3A_2027 = arith.constant 0 : i32
        %lt3A_2028 = arith.cmpi slt, %select_n3A_2021, %lt3A_2027 : i32
        %ne3A_2029 = arith.xori %lt3A_2026, %lt3A_2028 : i1
        %and3A_2030 = arith.andi %ne3A_2029, %ne3A_2024 : i1
        %add3A_2031 = arith.addi %rem3A_2022, %select_n3A_2021 : i32
        %select_n3A_2032 = arith.select %and3A_2030, %add3A_2031, %rem3A_2022 : i32
        %jit3A_2033 = arith.constant 2 : i32
        %div3A_2034 = arith.divsi %select_n3A_2032, %jit3A_2033 : i32
        %sign3A_2035 = arith.constant 0 : i32
        %sign3A_2036 = arith.cmpi sgt, %select_n3A_2032, %sign3A_2035 : i32
        %sign3A_2037 = arith.extui %sign3A_2036 : i1 to i32
        %sign3A_2038 = arith.constant 0 : i32
        %sign3A_2039 = arith.cmpi slt, %select_n3A_2032, %sign3A_2038 : i32
        %sign3A_2040 = arith.extui %sign3A_2039 : i1 to i32
        %sign3A_2041 = arith.subi %sign3A_2037, %sign3A_2040 : i32
        %sign3A_2042 = arith.constant 0 : i32
        %sign3A_2043 = arith.cmpi sgt, %jit3A_2033, %sign3A_2042 : i32
        %sign3A_2044 = arith.extui %sign3A_2043 : i1 to i32
        %sign3A_2045 = arith.constant 0 : i32
        %sign3A_2046 = arith.cmpi slt, %jit3A_2033, %sign3A_2045 : i32
        %sign3A_2047 = arith.extui %sign3A_2046 : i1 to i32
        %sign3A_2048 = arith.subi %sign3A_2044, %sign3A_2047 : i32
        %ne3A_2049 = arith.cmpi ne, %sign3A_2041, %sign3A_2048 : i32
        %rem3A_2050 = arith.remsi %select_n3A_2032, %jit3A_2033 : i32
        %ne3A_2051 = arith.constant 0 : i32
        %ne3A_2052 = arith.cmpi ne, %rem3A_2050, %ne3A_2051 : i32
        %and3A_2053 = arith.andi %ne3A_2049, %ne3A_2052 : i1
        %sub3A_2054 = arith.constant 1 : i32
        %sub3A_2055 = arith.subi %div3A_2034, %sub3A_2054 : i32
        %select_n3A_2056 = arith.select %and3A_2053, %sub3A_2055, %div3A_2034 : i32
        %jit3A_2057 = arith.constant 2 : i32
        %eq3A_2058 = arith.constant 0 : i32
        %eq3A_2059 = arith.cmpi eq, %jit3A_2057, %eq3A_2058 : i32
        %jit3A_2060 = arith.constant 1 : i32
        %select_n3A_2061 = arith.select %eq3A_2059, %jit3A_2060, %jit3A_2057 : i32
        %rem3A_2062 = arith.remsi %add3A_450, %select_n3A_2061 : i32
        %ne3A_2063 = arith.constant 0 : i32
        %ne3A_2064 = arith.cmpi ne, %rem3A_2062, %ne3A_2063 : i32
        %lt3A_2065 = arith.constant 0 : i32
        %lt3A_2066 = arith.cmpi slt, %rem3A_2062, %lt3A_2065 : i32
        %lt3A_2067 = arith.constant 0 : i32
        %lt3A_2068 = arith.cmpi slt, %select_n3A_2061, %lt3A_2067 : i32
        %ne3A_2069 = arith.xori %lt3A_2066, %lt3A_2068 : i1
        %and3A_2070 = arith.andi %ne3A_2069, %ne3A_2064 : i1
        %add3A_2071 = arith.addi %rem3A_2062, %select_n3A_2061 : i32
        %select_n3A_2072 = arith.select %and3A_2070, %add3A_2071, %rem3A_2062 : i32
        %jit3A_2073 = arith.constant 384 : i32
        %div3A_2074 = arith.divsi %add3A_468, %jit3A_2073 : i32
        %sign3A_2075 = arith.constant 0 : i32
        %sign3A_2076 = arith.cmpi sgt, %add3A_468, %sign3A_2075 : i32
        %sign3A_2077 = arith.extui %sign3A_2076 : i1 to i32
        %sign3A_2078 = arith.constant 0 : i32
        %sign3A_2079 = arith.cmpi slt, %add3A_468, %sign3A_2078 : i32
        %sign3A_2080 = arith.extui %sign3A_2079 : i1 to i32
        %sign3A_2081 = arith.subi %sign3A_2077, %sign3A_2080 : i32
        %sign3A_2082 = arith.constant 0 : i32
        %sign3A_2083 = arith.cmpi sgt, %jit3A_2073, %sign3A_2082 : i32
        %sign3A_2084 = arith.extui %sign3A_2083 : i1 to i32
        %sign3A_2085 = arith.constant 0 : i32
        %sign3A_2086 = arith.cmpi slt, %jit3A_2073, %sign3A_2085 : i32
        %sign3A_2087 = arith.extui %sign3A_2086 : i1 to i32
        %sign3A_2088 = arith.subi %sign3A_2084, %sign3A_2087 : i32
        %ne3A_2089 = arith.cmpi ne, %sign3A_2081, %sign3A_2088 : i32
        %rem3A_2090 = arith.remsi %add3A_468, %jit3A_2073 : i32
        %ne3A_2091 = arith.constant 0 : i32
        %ne3A_2092 = arith.cmpi ne, %rem3A_2090, %ne3A_2091 : i32
        %and3A_2093 = arith.andi %ne3A_2089, %ne3A_2092 : i1
        %sub3A_2094 = arith.constant 1 : i32
        %sub3A_2095 = arith.subi %div3A_2074, %sub3A_2094 : i32
        %select_n3A_2096 = arith.select %and3A_2093, %sub3A_2095, %div3A_2074 : i32
        %jit3A_2097 = arith.constant 4 : i32
        %div3A_2098 = arith.divsi %add3A_468, %jit3A_2097 : i32
        %sign3A_2099 = arith.constant 0 : i32
        %sign3A_2100 = arith.cmpi sgt, %add3A_468, %sign3A_2099 : i32
        %sign3A_2101 = arith.extui %sign3A_2100 : i1 to i32
        %sign3A_2102 = arith.constant 0 : i32
        %sign3A_2103 = arith.cmpi slt, %add3A_468, %sign3A_2102 : i32
        %sign3A_2104 = arith.extui %sign3A_2103 : i1 to i32
        %sign3A_2105 = arith.subi %sign3A_2101, %sign3A_2104 : i32
        %sign3A_2106 = arith.constant 0 : i32
        %sign3A_2107 = arith.cmpi sgt, %jit3A_2097, %sign3A_2106 : i32
        %sign3A_2108 = arith.extui %sign3A_2107 : i1 to i32
        %sign3A_2109 = arith.constant 0 : i32
        %sign3A_2110 = arith.cmpi slt, %jit3A_2097, %sign3A_2109 : i32
        %sign3A_2111 = arith.extui %sign3A_2110 : i1 to i32
        %sign3A_2112 = arith.subi %sign3A_2108, %sign3A_2111 : i32
        %ne3A_2113 = arith.cmpi ne, %sign3A_2105, %sign3A_2112 : i32
        %rem3A_2114 = arith.remsi %add3A_468, %jit3A_2097 : i32
        %ne3A_2115 = arith.constant 0 : i32
        %ne3A_2116 = arith.cmpi ne, %rem3A_2114, %ne3A_2115 : i32
        %and3A_2117 = arith.andi %ne3A_2113, %ne3A_2116 : i1
        %sub3A_2118 = arith.constant 1 : i32
        %sub3A_2119 = arith.subi %div3A_2098, %sub3A_2118 : i32
        %select_n3A_2120 = arith.select %and3A_2117, %sub3A_2119, %div3A_2098 : i32
        %jit3A_2121 = arith.constant 96 : i32
        %eq3A_2122 = arith.constant 0 : i32
        %eq3A_2123 = arith.cmpi eq, %jit3A_2121, %eq3A_2122 : i32
        %jit3A_2124 = arith.constant 1 : i32
        %select_n3A_2125 = arith.select %eq3A_2123, %jit3A_2124, %jit3A_2121 : i32
        %rem3A_2126 = arith.remsi %select_n3A_2120, %select_n3A_2125 : i32
        %ne3A_2127 = arith.constant 0 : i32
        %ne3A_2128 = arith.cmpi ne, %rem3A_2126, %ne3A_2127 : i32
        %lt3A_2129 = arith.constant 0 : i32
        %lt3A_2130 = arith.cmpi slt, %rem3A_2126, %lt3A_2129 : i32
        %lt3A_2131 = arith.constant 0 : i32
        %lt3A_2132 = arith.cmpi slt, %select_n3A_2125, %lt3A_2131 : i32
        %ne3A_2133 = arith.xori %lt3A_2130, %lt3A_2132 : i1
        %and3A_2134 = arith.andi %ne3A_2133, %ne3A_2128 : i1
        %add3A_2135 = arith.addi %rem3A_2126, %select_n3A_2125 : i32
        %select_n3A_2136 = arith.select %and3A_2134, %add3A_2135, %rem3A_2126 : i32
        %jit3A_2137 = arith.constant 4 : i32
        %eq3A_2138 = arith.constant 0 : i32
        %eq3A_2139 = arith.cmpi eq, %jit3A_2137, %eq3A_2138 : i32
        %jit3A_2140 = arith.constant 1 : i32
        %select_n3A_2141 = arith.select %eq3A_2139, %jit3A_2140, %jit3A_2137 : i32
        %rem3A_2142 = arith.remsi %add3A_468, %select_n3A_2141 : i32
        %ne3A_2143 = arith.constant 0 : i32
        %ne3A_2144 = arith.cmpi ne, %rem3A_2142, %ne3A_2143 : i32
        %lt3A_2145 = arith.constant 0 : i32
        %lt3A_2146 = arith.cmpi slt, %rem3A_2142, %lt3A_2145 : i32
        %lt3A_2147 = arith.constant 0 : i32
        %lt3A_2148 = arith.cmpi slt, %select_n3A_2141, %lt3A_2147 : i32
        %ne3A_2149 = arith.xori %lt3A_2146, %lt3A_2148 : i1
        %and3A_2150 = arith.andi %ne3A_2149, %ne3A_2144 : i1
        %add3A_2151 = arith.addi %rem3A_2142, %select_n3A_2141 : i32
        %select_n3A_2152 = arith.select %and3A_2150, %add3A_2151, %rem3A_2142 : i32
        %jit3A_2153 = arith.constant 2 : i32
        %div3A_2154 = arith.divsi %select_n3A_2152, %jit3A_2153 : i32
        %sign3A_2155 = arith.constant 0 : i32
        %sign3A_2156 = arith.cmpi sgt, %select_n3A_2152, %sign3A_2155 : i32
        %sign3A_2157 = arith.extui %sign3A_2156 : i1 to i32
        %sign3A_2158 = arith.constant 0 : i32
        %sign3A_2159 = arith.cmpi slt, %select_n3A_2152, %sign3A_2158 : i32
        %sign3A_2160 = arith.extui %sign3A_2159 : i1 to i32
        %sign3A_2161 = arith.subi %sign3A_2157, %sign3A_2160 : i32
        %sign3A_2162 = arith.constant 0 : i32
        %sign3A_2163 = arith.cmpi sgt, %jit3A_2153, %sign3A_2162 : i32
        %sign3A_2164 = arith.extui %sign3A_2163 : i1 to i32
        %sign3A_2165 = arith.constant 0 : i32
        %sign3A_2166 = arith.cmpi slt, %jit3A_2153, %sign3A_2165 : i32
        %sign3A_2167 = arith.extui %sign3A_2166 : i1 to i32
        %sign3A_2168 = arith.subi %sign3A_2164, %sign3A_2167 : i32
        %ne3A_2169 = arith.cmpi ne, %sign3A_2161, %sign3A_2168 : i32
        %rem3A_2170 = arith.remsi %select_n3A_2152, %jit3A_2153 : i32
        %ne3A_2171 = arith.constant 0 : i32
        %ne3A_2172 = arith.cmpi ne, %rem3A_2170, %ne3A_2171 : i32
        %and3A_2173 = arith.andi %ne3A_2169, %ne3A_2172 : i1
        %sub3A_2174 = arith.constant 1 : i32
        %sub3A_2175 = arith.subi %div3A_2154, %sub3A_2174 : i32
        %select_n3A_2176 = arith.select %and3A_2173, %sub3A_2175, %div3A_2154 : i32
        %jit3A_2177 = arith.constant 2 : i32
        %eq3A_2178 = arith.constant 0 : i32
        %eq3A_2179 = arith.cmpi eq, %jit3A_2177, %eq3A_2178 : i32
        %jit3A_2180 = arith.constant 1 : i32
        %select_n3A_2181 = arith.select %eq3A_2179, %jit3A_2180, %jit3A_2177 : i32
        %rem3A_2182 = arith.remsi %add3A_468, %select_n3A_2181 : i32
        %ne3A_2183 = arith.constant 0 : i32
        %ne3A_2184 = arith.cmpi ne, %rem3A_2182, %ne3A_2183 : i32
        %lt3A_2185 = arith.constant 0 : i32
        %lt3A_2186 = arith.cmpi slt, %rem3A_2182, %lt3A_2185 : i32
        %lt3A_2187 = arith.constant 0 : i32
        %lt3A_2188 = arith.cmpi slt, %select_n3A_2181, %lt3A_2187 : i32
        %ne3A_2189 = arith.xori %lt3A_2186, %lt3A_2188 : i1
        %and3A_2190 = arith.andi %ne3A_2189, %ne3A_2184 : i1
        %add3A_2191 = arith.addi %rem3A_2182, %select_n3A_2181 : i32
        %select_n3A_2192 = arith.select %and3A_2190, %add3A_2191, %rem3A_2182 : i32
        %ne3A_2193 = arith.cmpi ne, %select_n3A_1976, %select_n3A_2096 : i32
        %ne3A_2194 = arith.cmpi ne, %select_n3A_2016, %select_n3A_2136 : i32
        %ne3A_2195 = arith.cmpi ne, %select_n3A_2056, %select_n3A_2176 : i32
        %ne3A_2196 = arith.cmpi ne, %select_n3A_2072, %select_n3A_2192 : i32
        %or3A_2197 = arith.constant false
        %or3A_2198 = arith.ori %or3A_2197, %ne3A_2193 : i1
        %or3A_2199 = arith.ori %or3A_2198, %ne3A_2194 : i1
        %or3A_2200 = arith.ori %or3A_2199, %ne3A_2195 : i1
        %or3A_2201 = arith.ori %or3A_2200, %ne3A_2196 : i1
        %or3A_2202 = arith.ori %or3A_2201, %eq3A_449 : i1
        %convert_element_type3A_2203 = arith.extui %or3A_2202 : i1 to i32
        %cond3A_2204 = arith.constant 0 : i32
        %cond3A_2205 = arith.cmpi ne, %convert_element_type3A_2203, %cond3A_2204 : i32
        scf.if %cond3A_2205 {
          "tpu.trace_start"() <{level = 10 : i32, message = "ep_copy_out"}> : () -> ()
          %rem3A_3107 = arith.constant 2 : i32
          %rem3A_3108 = arith.remui %scan3A_443, %rem3A_3107 : i32
          %jit3A_3109 = arith.constant 384 : i32
          %div3A_3110 = arith.divsi %add3A_450, %jit3A_3109 : i32
          %sign3A_3111 = arith.constant 0 : i32
          %sign3A_3112 = arith.cmpi sgt, %add3A_450, %sign3A_3111 : i32
          %sign3A_3113 = arith.extui %sign3A_3112 : i1 to i32
          %sign3A_3114 = arith.constant 0 : i32
          %sign3A_3115 = arith.cmpi slt, %add3A_450, %sign3A_3114 : i32
          %sign3A_3116 = arith.extui %sign3A_3115 : i1 to i32
          %sign3A_3117 = arith.subi %sign3A_3113, %sign3A_3116 : i32
          %sign3A_3118 = arith.constant 0 : i32
          %sign3A_3119 = arith.cmpi sgt, %jit3A_3109, %sign3A_3118 : i32
          %sign3A_3120 = arith.extui %sign3A_3119 : i1 to i32
          %sign3A_3121 = arith.constant 0 : i32
          %sign3A_3122 = arith.cmpi slt, %jit3A_3109, %sign3A_3121 : i32
          %sign3A_3123 = arith.extui %sign3A_3122 : i1 to i32
          %sign3A_3124 = arith.subi %sign3A_3120, %sign3A_3123 : i32
          %ne3A_3125 = arith.cmpi ne, %sign3A_3117, %sign3A_3124 : i32
          %rem3A_3126 = arith.remsi %add3A_450, %jit3A_3109 : i32
          %ne3A_3127 = arith.constant 0 : i32
          %ne3A_3128 = arith.cmpi ne, %rem3A_3126, %ne3A_3127 : i32
          %and3A_3129 = arith.andi %ne3A_3125, %ne3A_3128 : i1
          %sub3A_3130 = arith.constant 1 : i32
          %sub3A_3131 = arith.subi %div3A_3110, %sub3A_3130 : i32
          %select_n3A_3132 = arith.select %and3A_3129, %sub3A_3131, %div3A_3110 : i32
          %jit3A_3133 = arith.constant 4 : i32
          %div3A_3134 = arith.divsi %add3A_450, %jit3A_3133 : i32
          %sign3A_3135 = arith.constant 0 : i32
          %sign3A_3136 = arith.cmpi sgt, %add3A_450, %sign3A_3135 : i32
          %sign3A_3137 = arith.extui %sign3A_3136 : i1 to i32
          %sign3A_3138 = arith.constant 0 : i32
          %sign3A_3139 = arith.cmpi slt, %add3A_450, %sign3A_3138 : i32
          %sign3A_3140 = arith.extui %sign3A_3139 : i1 to i32
          %sign3A_3141 = arith.subi %sign3A_3137, %sign3A_3140 : i32
          %sign3A_3142 = arith.constant 0 : i32
          %sign3A_3143 = arith.cmpi sgt, %jit3A_3133, %sign3A_3142 : i32
          %sign3A_3144 = arith.extui %sign3A_3143 : i1 to i32
          %sign3A_3145 = arith.constant 0 : i32
          %sign3A_3146 = arith.cmpi slt, %jit3A_3133, %sign3A_3145 : i32
          %sign3A_3147 = arith.extui %sign3A_3146 : i1 to i32
          %sign3A_3148 = arith.subi %sign3A_3144, %sign3A_3147 : i32
          %ne3A_3149 = arith.cmpi ne, %sign3A_3141, %sign3A_3148 : i32
          %rem3A_3150 = arith.remsi %add3A_450, %jit3A_3133 : i32
          %ne3A_3151 = arith.constant 0 : i32
          %ne3A_3152 = arith.cmpi ne, %rem3A_3150, %ne3A_3151 : i32
          %and3A_3153 = arith.andi %ne3A_3149, %ne3A_3152 : i1
          %sub3A_3154 = arith.constant 1 : i32
          %sub3A_3155 = arith.subi %div3A_3134, %sub3A_3154 : i32
          %select_n3A_3156 = arith.select %and3A_3153, %sub3A_3155, %div3A_3134 : i32
          %jit3A_3157 = arith.constant 96 : i32
          %eq3A_3158 = arith.constant 0 : i32
          %eq3A_3159 = arith.cmpi eq, %jit3A_3157, %eq3A_3158 : i32
          %jit3A_3160 = arith.constant 1 : i32
          %select_n3A_3161 = arith.select %eq3A_3159, %jit3A_3160, %jit3A_3157 : i32
          %rem3A_3162 = arith.remsi %select_n3A_3156, %select_n3A_3161 : i32
          %ne3A_3163 = arith.constant 0 : i32
          %ne3A_3164 = arith.cmpi ne, %rem3A_3162, %ne3A_3163 : i32
          %lt3A_3165 = arith.constant 0 : i32
          %lt3A_3166 = arith.cmpi slt, %rem3A_3162, %lt3A_3165 : i32
          %lt3A_3167 = arith.constant 0 : i32
          %lt3A_3168 = arith.cmpi slt, %select_n3A_3161, %lt3A_3167 : i32
          %ne3A_3169 = arith.xori %lt3A_3166, %lt3A_3168 : i1
          %and3A_3170 = arith.andi %ne3A_3169, %ne3A_3164 : i1
          %add3A_3171 = arith.addi %rem3A_3162, %select_n3A_3161 : i32
          %select_n3A_3172 = arith.select %and3A_3170, %add3A_3171, %rem3A_3162 : i32
          %jit3A_3173 = arith.constant 4 : i32
          %eq3A_3174 = arith.constant 0 : i32
          %eq3A_3175 = arith.cmpi eq, %jit3A_3173, %eq3A_3174 : i32
          %jit3A_3176 = arith.constant 1 : i32
          %select_n3A_3177 = arith.select %eq3A_3175, %jit3A_3176, %jit3A_3173 : i32
          %rem3A_3178 = arith.remsi %add3A_450, %select_n3A_3177 : i32
          %ne3A_3179 = arith.constant 0 : i32
          %ne3A_3180 = arith.cmpi ne, %rem3A_3178, %ne3A_3179 : i32
          %lt3A_3181 = arith.constant 0 : i32
          %lt3A_3182 = arith.cmpi slt, %rem3A_3178, %lt3A_3181 : i32
          %lt3A_3183 = arith.constant 0 : i32
          %lt3A_3184 = arith.cmpi slt, %select_n3A_3177, %lt3A_3183 : i32
          %ne3A_3185 = arith.xori %lt3A_3182, %lt3A_3184 : i1
          %and3A_3186 = arith.andi %ne3A_3185, %ne3A_3180 : i1
          %add3A_3187 = arith.addi %rem3A_3178, %select_n3A_3177 : i32
          %select_n3A_3188 = arith.select %and3A_3186, %add3A_3187, %rem3A_3178 : i32
          %jit3A_3189 = arith.constant 2 : i32
          %div3A_3190 = arith.divsi %select_n3A_3188, %jit3A_3189 : i32
          %sign3A_3191 = arith.constant 0 : i32
          %sign3A_3192 = arith.cmpi sgt, %select_n3A_3188, %sign3A_3191 : i32
          %sign3A_3193 = arith.extui %sign3A_3192 : i1 to i32
          %sign3A_3194 = arith.constant 0 : i32
          %sign3A_3195 = arith.cmpi slt, %select_n3A_3188, %sign3A_3194 : i32
          %sign3A_3196 = arith.extui %sign3A_3195 : i1 to i32
          %sign3A_3197 = arith.subi %sign3A_3193, %sign3A_3196 : i32
          %sign3A_3198 = arith.constant 0 : i32
          %sign3A_3199 = arith.cmpi sgt, %jit3A_3189, %sign3A_3198 : i32
          %sign3A_3200 = arith.extui %sign3A_3199 : i1 to i32
          %sign3A_3201 = arith.constant 0 : i32
          %sign3A_3202 = arith.cmpi slt, %jit3A_3189, %sign3A_3201 : i32
          %sign3A_3203 = arith.extui %sign3A_3202 : i1 to i32
          %sign3A_3204 = arith.subi %sign3A_3200, %sign3A_3203 : i32
          %ne3A_3205 = arith.cmpi ne, %sign3A_3197, %sign3A_3204 : i32
          %rem3A_3206 = arith.remsi %select_n3A_3188, %jit3A_3189 : i32
          %ne3A_3207 = arith.constant 0 : i32
          %ne3A_3208 = arith.cmpi ne, %rem3A_3206, %ne3A_3207 : i32
          %and3A_3209 = arith.andi %ne3A_3205, %ne3A_3208 : i1
          %sub3A_3210 = arith.constant 1 : i32
          %sub3A_3211 = arith.subi %div3A_3190, %sub3A_3210 : i32
          %select_n3A_3212 = arith.select %and3A_3209, %sub3A_3211, %div3A_3190 : i32
          %jit3A_3213 = arith.constant 2 : i32
          %eq3A_3214 = arith.constant 0 : i32
          %eq3A_3215 = arith.cmpi eq, %jit3A_3213, %eq3A_3214 : i32
          %jit3A_3216 = arith.constant 1 : i32
          %select_n3A_3217 = arith.select %eq3A_3215, %jit3A_3216, %jit3A_3213 : i32
          %rem3A_3218 = arith.remsi %add3A_450, %select_n3A_3217 : i32
          %ne3A_3219 = arith.constant 0 : i32
          %ne3A_3220 = arith.cmpi ne, %rem3A_3218, %ne3A_3219 : i32
          %lt3A_3221 = arith.constant 0 : i32
          %lt3A_3222 = arith.cmpi slt, %rem3A_3218, %lt3A_3221 : i32
          %lt3A_3223 = arith.constant 0 : i32
          %lt3A_3224 = arith.cmpi slt, %select_n3A_3217, %lt3A_3223 : i32
          %ne3A_3225 = arith.xori %lt3A_3222, %lt3A_3224 : i1
          %and3A_3226 = arith.andi %ne3A_3225, %ne3A_3220 : i1
          %add3A_3227 = arith.addi %rem3A_3218, %select_n3A_3217 : i32
          %select_n3A_3228 = arith.select %and3A_3226, %add3A_3227, %rem3A_3218 : i32
          %mul3A_3229 = arith.constant 1 : i32
          %mul3A_3230 = arith.muli %mul3A_3229, %select_n3A_3132 : i32
          %mul3A_3231 = arith.constant 1 : i32
          %mul3A_3232 = arith.muli %mul3A_3231, %select_n3A_3172 : i32
          %mul3A_3233 = arith.constant 112 : i32
          %mul3A_3234 = arith.muli %mul3A_3233, %select_n3A_3212 : i32
          %mul3A_3235 = arith.constant 128 : i32
          %mul3A_3236 = arith.muli %mul3A_3235, %select_n3A_3228 : i32
          %eq3A_3237 = arith.constant 1 : i32
          %eq3A_3238 = arith.cmpi eq, %select_n3A_3228, %eq3A_3237 : i32
          %jit3A_3239 = arith.constant 128 : i32
          %jit3A_3240 = arith.constant 128 : i32
          %select_n3A_3241 = arith.select %eq3A_3238, %jit3A_3239, %jit3A_3240 : i32
          %multiple_of3A_3242 = tpu.assume_multiple %select_n3A_3241, 128 : i32
          %mul3A_3243 = arith.constant 128 : i32
          %mul3A_3244 = arith.muli %select_n3A_3228, %mul3A_3243 : i32
          %dma_start3A_3245 = arith.constant 0 : i32
          %dma_start3A_3246 = arith.constant 0 : i32
          %dma_start3A_3247 = arith.constant 0 : i32
          %dma_start3A_3248 = arith.constant 0 : i32
          %dma_start3A_3249 = tpu.memref_slice %run_scoped3A_10[%rem3A_3108, %dma_start3A_3245, %dma_start3A_3246, %dma_start3A_3247, %dma_start3A_3248] <%multiple_of3A_3242> : memref<2x1x1x112x128xf32, #tpu.memory_space<vmem>> -> memref<1x1x1x112x?xf32, #tpu.memory_space<vmem>>
          %dma_start3A_3250 = tpu.memref_squeeze %dma_start3A_3249 : memref<1x1x1x112x?xf32, #tpu.memory_space<vmem>> -> memref<1x1x112x?xf32, #tpu.memory_space<vmem>>
          %dma_start3A_3251 = tpu.memref_slice %arg6[%mul3A_3230, %mul3A_3232, %mul3A_3234, %mul3A_3244] <%multiple_of3A_3242> : memref<8x96x224x224xf32, #tpu.memory_space<hbm>> -> memref<1x1x112x?xf32, #tpu.memory_space<hbm>>
          %dma_start3A_3252 = tpu.memref_slice %run_scoped3A_11[%rem3A_3108] : memref<2x!tpu.dma_semaphore, #tpu.memory_space<semaphore_mem>> -> memref<1x!tpu.dma_semaphore, #tpu.memory_space<semaphore_mem>>
          %dma_start3A_3253 = tpu.memref_squeeze %dma_start3A_3252 : memref<1x!tpu.dma_semaphore, #tpu.memory_space<semaphore_mem>> -> memref<!tpu.dma_semaphore, #tpu.memory_space<semaphore_mem>>
          %dma_start3A_3254 = tpu.memref_slice %arg6[%mul3A_3230, %mul3A_3232, %mul3A_3234, %mul3A_3244] <%multiple_of3A_3242> : memref<8x96x224x224xf32, #tpu.memory_space<hbm>> -> memref<1x1x112x?xf32, #tpu.memory_space<hbm>>
          %dma_start3A_3255 = arith.constant 0 : i32
          %dma_start3A_3256 = arith.constant 0 : i32
          %dma_start3A_3257 = arith.constant 0 : i32
          %dma_start3A_3258 = arith.constant 0 : i32
          %dma_start3A_3259 = tpu.memref_slice %run_scoped3A_10[%rem3A_3108, %dma_start3A_3255, %dma_start3A_3256, %dma_start3A_3257, %dma_start3A_3258] <%multiple_of3A_3242> : memref<2x1x1x112x128xf32, #tpu.memory_space<vmem>> -> memref<1x1x1x112x?xf32, #tpu.memory_space<vmem>>
          %dma_start3A_3260 = tpu.memref_squeeze %dma_start3A_3259 : memref<1x1x1x112x?xf32, #tpu.memory_space<vmem>> -> memref<1x1x112x?xf32, #tpu.memory_space<vmem>>
          tpu.enqueue_dma source(%dma_start3A_3260 : memref<1x1x112x?xf32, #tpu.memory_space<vmem>>) target(%dma_start3A_3254 : memref<1x1x112x?xf32, #tpu.memory_space<hbm>>) target_semaphore(%dma_start3A_3253 : memref<!tpu.dma_semaphore, #tpu.memory_space<semaphore_mem>>)
          "tpu.trace_stop"() : () -> ()
        } else {
        }
        %and3A_2206 = arith.constant true
        %and3A_2207 = arith.andi %or3A_2202, %and3A_2206 : i1
        %add3A_2208 = arith.constant 1 : i32
        %add3A_2209 = arith.addi %scan3A_443, %add3A_2208 : i32
        %select_n3A_2210 = arith.select %and3A_2207, %add3A_2209, %scan3A_443 : i32
        %jit3A_2211 = arith.constant 384 : i32
        %div3A_2212 = arith.divsi %add3A_450, %jit3A_2211 : i32
        %sign3A_2213 = arith.constant 0 : i32
        %sign3A_2214 = arith.cmpi sgt, %add3A_450, %sign3A_2213 : i32
        %sign3A_2215 = arith.extui %sign3A_2214 : i1 to i32
        %sign3A_2216 = arith.constant 0 : i32
        %sign3A_2217 = arith.cmpi slt, %add3A_450, %sign3A_2216 : i32
        %sign3A_2218 = arith.extui %sign3A_2217 : i1 to i32
        %sign3A_2219 = arith.subi %sign3A_2215, %sign3A_2218 : i32
        %sign3A_2220 = arith.constant 0 : i32
        %sign3A_2221 = arith.cmpi sgt, %jit3A_2211, %sign3A_2220 : i32
        %sign3A_2222 = arith.extui %sign3A_2221 : i1 to i32
        %sign3A_2223 = arith.constant 0 : i32
        %sign3A_2224 = arith.cmpi slt, %jit3A_2211, %sign3A_2223 : i32
        %sign3A_2225 = arith.extui %sign3A_2224 : i1 to i32
        %sign3A_2226 = arith.subi %sign3A_2222, %sign3A_2225 : i32
        %ne3A_2227 = arith.cmpi ne, %sign3A_2219, %sign3A_2226 : i32
        %rem3A_2228 = arith.remsi %add3A_450, %jit3A_2211 : i32
        %ne3A_2229 = arith.constant 0 : i32
        %ne3A_2230 = arith.cmpi ne, %rem3A_2228, %ne3A_2229 : i32
        %and3A_2231 = arith.andi %ne3A_2227, %ne3A_2230 : i1
        %sub3A_2232 = arith.constant 1 : i32
        %sub3A_2233 = arith.subi %div3A_2212, %sub3A_2232 : i32
        %select_n3A_2234 = arith.select %and3A_2231, %sub3A_2233, %div3A_2212 : i32
        %jit3A_2235 = arith.constant 4 : i32
        %div3A_2236 = arith.divsi %add3A_450, %jit3A_2235 : i32
        %sign3A_2237 = arith.constant 0 : i32
        %sign3A_2238 = arith.cmpi sgt, %add3A_450, %sign3A_2237 : i32
        %sign3A_2239 = arith.extui %sign3A_2238 : i1 to i32
        %sign3A_2240 = arith.constant 0 : i32
        %sign3A_2241 = arith.cmpi slt, %add3A_450, %sign3A_2240 : i32
        %sign3A_2242 = arith.extui %sign3A_2241 : i1 to i32
        %sign3A_2243 = arith.subi %sign3A_2239, %sign3A_2242 : i32
        %sign3A_2244 = arith.constant 0 : i32
        %sign3A_2245 = arith.cmpi sgt, %jit3A_2235, %sign3A_2244 : i32
        %sign3A_2246 = arith.extui %sign3A_2245 : i1 to i32
        %sign3A_2247 = arith.constant 0 : i32
        %sign3A_2248 = arith.cmpi slt, %jit3A_2235, %sign3A_2247 : i32
        %sign3A_2249 = arith.extui %sign3A_2248 : i1 to i32
        %sign3A_2250 = arith.subi %sign3A_2246, %sign3A_2249 : i32
        %ne3A_2251 = arith.cmpi ne, %sign3A_2243, %sign3A_2250 : i32
        %rem3A_2252 = arith.remsi %add3A_450, %jit3A_2235 : i32
        %ne3A_2253 = arith.constant 0 : i32
        %ne3A_2254 = arith.cmpi ne, %rem3A_2252, %ne3A_2253 : i32
        %and3A_2255 = arith.andi %ne3A_2251, %ne3A_2254 : i1
        %sub3A_2256 = arith.constant 1 : i32
        %sub3A_2257 = arith.subi %div3A_2236, %sub3A_2256 : i32
        %select_n3A_2258 = arith.select %and3A_2255, %sub3A_2257, %div3A_2236 : i32
        %jit3A_2259 = arith.constant 96 : i32
        %eq3A_2260 = arith.constant 0 : i32
        %eq3A_2261 = arith.cmpi eq, %jit3A_2259, %eq3A_2260 : i32
        %jit3A_2262 = arith.constant 1 : i32
        %select_n3A_2263 = arith.select %eq3A_2261, %jit3A_2262, %jit3A_2259 : i32
        %rem3A_2264 = arith.remsi %select_n3A_2258, %select_n3A_2263 : i32
        %ne3A_2265 = arith.constant 0 : i32
        %ne3A_2266 = arith.cmpi ne, %rem3A_2264, %ne3A_2265 : i32
        %lt3A_2267 = arith.constant 0 : i32
        %lt3A_2268 = arith.cmpi slt, %rem3A_2264, %lt3A_2267 : i32
        %lt3A_2269 = arith.constant 0 : i32
        %lt3A_2270 = arith.cmpi slt, %select_n3A_2263, %lt3A_2269 : i32
        %ne3A_2271 = arith.xori %lt3A_2268, %lt3A_2270 : i1
        %and3A_2272 = arith.andi %ne3A_2271, %ne3A_2266 : i1
        %add3A_2273 = arith.addi %rem3A_2264, %select_n3A_2263 : i32
        %select_n3A_2274 = arith.select %and3A_2272, %add3A_2273, %rem3A_2264 : i32
        %jit3A_2275 = arith.constant 4 : i32
        %eq3A_2276 = arith.constant 0 : i32
        %eq3A_2277 = arith.cmpi eq, %jit3A_2275, %eq3A_2276 : i32
        %jit3A_2278 = arith.constant 1 : i32
        %select_n3A_2279 = arith.select %eq3A_2277, %jit3A_2278, %jit3A_2275 : i32
        %rem3A_2280 = arith.remsi %add3A_450, %select_n3A_2279 : i32
        %ne3A_2281 = arith.constant 0 : i32
        %ne3A_2282 = arith.cmpi ne, %rem3A_2280, %ne3A_2281 : i32
        %lt3A_2283 = arith.constant 0 : i32
        %lt3A_2284 = arith.cmpi slt, %rem3A_2280, %lt3A_2283 : i32
        %lt3A_2285 = arith.constant 0 : i32
        %lt3A_2286 = arith.cmpi slt, %select_n3A_2279, %lt3A_2285 : i32
        %ne3A_2287 = arith.xori %lt3A_2284, %lt3A_2286 : i1
        %and3A_2288 = arith.andi %ne3A_2287, %ne3A_2282 : i1
        %add3A_2289 = arith.addi %rem3A_2280, %select_n3A_2279 : i32
        %select_n3A_2290 = arith.select %and3A_2288, %add3A_2289, %rem3A_2280 : i32
        %jit3A_2291 = arith.constant 2 : i32
        %div3A_2292 = arith.divsi %select_n3A_2290, %jit3A_2291 : i32
        %sign3A_2293 = arith.constant 0 : i32
        %sign3A_2294 = arith.cmpi sgt, %select_n3A_2290, %sign3A_2293 : i32
        %sign3A_2295 = arith.extui %sign3A_2294 : i1 to i32
        %sign3A_2296 = arith.constant 0 : i32
        %sign3A_2297 = arith.cmpi slt, %select_n3A_2290, %sign3A_2296 : i32
        %sign3A_2298 = arith.extui %sign3A_2297 : i1 to i32
        %sign3A_2299 = arith.subi %sign3A_2295, %sign3A_2298 : i32
        %sign3A_2300 = arith.constant 0 : i32
        %sign3A_2301 = arith.cmpi sgt, %jit3A_2291, %sign3A_2300 : i32
        %sign3A_2302 = arith.extui %sign3A_2301 : i1 to i32
        %sign3A_2303 = arith.constant 0 : i32
        %sign3A_2304 = arith.cmpi slt, %jit3A_2291, %sign3A_2303 : i32
        %sign3A_2305 = arith.extui %sign3A_2304 : i1 to i32
        %sign3A_2306 = arith.subi %sign3A_2302, %sign3A_2305 : i32
        %ne3A_2307 = arith.cmpi ne, %sign3A_2299, %sign3A_2306 : i32
        %rem3A_2308 = arith.remsi %select_n3A_2290, %jit3A_2291 : i32
        %ne3A_2309 = arith.constant 0 : i32
        %ne3A_2310 = arith.cmpi ne, %rem3A_2308, %ne3A_2309 : i32
        %and3A_2311 = arith.andi %ne3A_2307, %ne3A_2310 : i1
        %sub3A_2312 = arith.constant 1 : i32
        %sub3A_2313 = arith.subi %div3A_2292, %sub3A_2312 : i32
        %select_n3A_2314 = arith.select %and3A_2311, %sub3A_2313, %div3A_2292 : i32
        %jit3A_2315 = arith.constant 2 : i32
        %eq3A_2316 = arith.constant 0 : i32
        %eq3A_2317 = arith.cmpi eq, %jit3A_2315, %eq3A_2316 : i32
        %jit3A_2318 = arith.constant 1 : i32
        %select_n3A_2319 = arith.select %eq3A_2317, %jit3A_2318, %jit3A_2315 : i32
        %rem3A_2320 = arith.remsi %add3A_450, %select_n3A_2319 : i32
        %ne3A_2321 = arith.constant 0 : i32
        %ne3A_2322 = arith.cmpi ne, %rem3A_2320, %ne3A_2321 : i32
        %lt3A_2323 = arith.constant 0 : i32
        %lt3A_2324 = arith.cmpi slt, %rem3A_2320, %lt3A_2323 : i32
        %lt3A_2325 = arith.constant 0 : i32
        %lt3A_2326 = arith.cmpi slt, %select_n3A_2319, %lt3A_2325 : i32
        %ne3A_2327 = arith.xori %lt3A_2324, %lt3A_2326 : i1
        %and3A_2328 = arith.andi %ne3A_2327, %ne3A_2322 : i1
        %add3A_2329 = arith.addi %rem3A_2320, %select_n3A_2319 : i32
        %select_n3A_2330 = arith.select %and3A_2328, %add3A_2329, %rem3A_2320 : i32
        %jit3A_2331 = arith.constant 384 : i32
        %div3A_2332 = arith.divsi %add3A_459, %jit3A_2331 : i32
        %sign3A_2333 = arith.constant 0 : i32
        %sign3A_2334 = arith.cmpi sgt, %add3A_459, %sign3A_2333 : i32
        %sign3A_2335 = arith.extui %sign3A_2334 : i1 to i32
        %sign3A_2336 = arith.constant 0 : i32
        %sign3A_2337 = arith.cmpi slt, %add3A_459, %sign3A_2336 : i32
        %sign3A_2338 = arith.extui %sign3A_2337 : i1 to i32
        %sign3A_2339 = arith.subi %sign3A_2335, %sign3A_2338 : i32
        %sign3A_2340 = arith.constant 0 : i32
        %sign3A_2341 = arith.cmpi sgt, %jit3A_2331, %sign3A_2340 : i32
        %sign3A_2342 = arith.extui %sign3A_2341 : i1 to i32
        %sign3A_2343 = arith.constant 0 : i32
        %sign3A_2344 = arith.cmpi slt, %jit3A_2331, %sign3A_2343 : i32
        %sign3A_2345 = arith.extui %sign3A_2344 : i1 to i32
        %sign3A_2346 = arith.subi %sign3A_2342, %sign3A_2345 : i32
        %ne3A_2347 = arith.cmpi ne, %sign3A_2339, %sign3A_2346 : i32
        %rem3A_2348 = arith.remsi %add3A_459, %jit3A_2331 : i32
        %ne3A_2349 = arith.constant 0 : i32
        %ne3A_2350 = arith.cmpi ne, %rem3A_2348, %ne3A_2349 : i32
        %and3A_2351 = arith.andi %ne3A_2347, %ne3A_2350 : i1
        %sub3A_2352 = arith.constant 1 : i32
        %sub3A_2353 = arith.subi %div3A_2332, %sub3A_2352 : i32
        %select_n3A_2354 = arith.select %and3A_2351, %sub3A_2353, %div3A_2332 : i32
        %jit3A_2355 = arith.constant 4 : i32
        %div3A_2356 = arith.divsi %add3A_459, %jit3A_2355 : i32
        %sign3A_2357 = arith.constant 0 : i32
        %sign3A_2358 = arith.cmpi sgt, %add3A_459, %sign3A_2357 : i32
        %sign3A_2359 = arith.extui %sign3A_2358 : i1 to i32
        %sign3A_2360 = arith.constant 0 : i32
        %sign3A_2361 = arith.cmpi slt, %add3A_459, %sign3A_2360 : i32
        %sign3A_2362 = arith.extui %sign3A_2361 : i1 to i32
        %sign3A_2363 = arith.subi %sign3A_2359, %sign3A_2362 : i32
        %sign3A_2364 = arith.constant 0 : i32
        %sign3A_2365 = arith.cmpi sgt, %jit3A_2355, %sign3A_2364 : i32
        %sign3A_2366 = arith.extui %sign3A_2365 : i1 to i32
        %sign3A_2367 = arith.constant 0 : i32
        %sign3A_2368 = arith.cmpi slt, %jit3A_2355, %sign3A_2367 : i32
        %sign3A_2369 = arith.extui %sign3A_2368 : i1 to i32
        %sign3A_2370 = arith.subi %sign3A_2366, %sign3A_2369 : i32
        %ne3A_2371 = arith.cmpi ne, %sign3A_2363, %sign3A_2370 : i32
        %rem3A_2372 = arith.remsi %add3A_459, %jit3A_2355 : i32
        %ne3A_2373 = arith.constant 0 : i32
        %ne3A_2374 = arith.cmpi ne, %rem3A_2372, %ne3A_2373 : i32
        %and3A_2375 = arith.andi %ne3A_2371, %ne3A_2374 : i1
        %sub3A_2376 = arith.constant 1 : i32
        %sub3A_2377 = arith.subi %div3A_2356, %sub3A_2376 : i32
        %select_n3A_2378 = arith.select %and3A_2375, %sub3A_2377, %div3A_2356 : i32
        %jit3A_2379 = arith.constant 96 : i32
        %eq3A_2380 = arith.constant 0 : i32
        %eq3A_2381 = arith.cmpi eq, %jit3A_2379, %eq3A_2380 : i32
        %jit3A_2382 = arith.constant 1 : i32
        %select_n3A_2383 = arith.select %eq3A_2381, %jit3A_2382, %jit3A_2379 : i32
        %rem3A_2384 = arith.remsi %select_n3A_2378, %select_n3A_2383 : i32
        %ne3A_2385 = arith.constant 0 : i32
        %ne3A_2386 = arith.cmpi ne, %rem3A_2384, %ne3A_2385 : i32
        %lt3A_2387 = arith.constant 0 : i32
        %lt3A_2388 = arith.cmpi slt, %rem3A_2384, %lt3A_2387 : i32
        %lt3A_2389 = arith.constant 0 : i32
        %lt3A_2390 = arith.cmpi slt, %select_n3A_2383, %lt3A_2389 : i32
        %ne3A_2391 = arith.xori %lt3A_2388, %lt3A_2390 : i1
        %and3A_2392 = arith.andi %ne3A_2391, %ne3A_2386 : i1
        %add3A_2393 = arith.addi %rem3A_2384, %select_n3A_2383 : i32
        %select_n3A_2394 = arith.select %and3A_2392, %add3A_2393, %rem3A_2384 : i32
        %jit3A_2395 = arith.constant 4 : i32
        %eq3A_2396 = arith.constant 0 : i32
        %eq3A_2397 = arith.cmpi eq, %jit3A_2395, %eq3A_2396 : i32
        %jit3A_2398 = arith.constant 1 : i32
        %select_n3A_2399 = arith.select %eq3A_2397, %jit3A_2398, %jit3A_2395 : i32
        %rem3A_2400 = arith.remsi %add3A_459, %select_n3A_2399 : i32
        %ne3A_2401 = arith.constant 0 : i32
        %ne3A_2402 = arith.cmpi ne, %rem3A_2400, %ne3A_2401 : i32
        %lt3A_2403 = arith.constant 0 : i32
        %lt3A_2404 = arith.cmpi slt, %rem3A_2400, %lt3A_2403 : i32
        %lt3A_2405 = arith.constant 0 : i32
        %lt3A_2406 = arith.cmpi slt, %select_n3A_2399, %lt3A_2405 : i32
        %ne3A_2407 = arith.xori %lt3A_2404, %lt3A_2406 : i1
        %and3A_2408 = arith.andi %ne3A_2407, %ne3A_2402 : i1
        %add3A_2409 = arith.addi %rem3A_2400, %select_n3A_2399 : i32
        %select_n3A_2410 = arith.select %and3A_2408, %add3A_2409, %rem3A_2400 : i32
        %jit3A_2411 = arith.constant 2 : i32
        %div3A_2412 = arith.divsi %select_n3A_2410, %jit3A_2411 : i32
        %sign3A_2413 = arith.constant 0 : i32
        %sign3A_2414 = arith.cmpi sgt, %select_n3A_2410, %sign3A_2413 : i32
        %sign3A_2415 = arith.extui %sign3A_2414 : i1 to i32
        %sign3A_2416 = arith.constant 0 : i32
        %sign3A_2417 = arith.cmpi slt, %select_n3A_2410, %sign3A_2416 : i32
        %sign3A_2418 = arith.extui %sign3A_2417 : i1 to i32
        %sign3A_2419 = arith.subi %sign3A_2415, %sign3A_2418 : i32
        %sign3A_2420 = arith.constant 0 : i32
        %sign3A_2421 = arith.cmpi sgt, %jit3A_2411, %sign3A_2420 : i32
        %sign3A_2422 = arith.extui %sign3A_2421 : i1 to i32
        %sign3A_2423 = arith.constant 0 : i32
        %sign3A_2424 = arith.cmpi slt, %jit3A_2411, %sign3A_2423 : i32
        %sign3A_2425 = arith.extui %sign3A_2424 : i1 to i32
        %sign3A_2426 = arith.subi %sign3A_2422, %sign3A_2425 : i32
        %ne3A_2427 = arith.cmpi ne, %sign3A_2419, %sign3A_2426 : i32
        %rem3A_2428 = arith.remsi %select_n3A_2410, %jit3A_2411 : i32
        %ne3A_2429 = arith.constant 0 : i32
        %ne3A_2430 = arith.cmpi ne, %rem3A_2428, %ne3A_2429 : i32
        %and3A_2431 = arith.andi %ne3A_2427, %ne3A_2430 : i1
        %sub3A_2432 = arith.constant 1 : i32
        %sub3A_2433 = arith.subi %div3A_2412, %sub3A_2432 : i32
        %select_n3A_2434 = arith.select %and3A_2431, %sub3A_2433, %div3A_2412 : i32
        %jit3A_2435 = arith.constant 2 : i32
        %eq3A_2436 = arith.constant 0 : i32
        %eq3A_2437 = arith.cmpi eq, %jit3A_2435, %eq3A_2436 : i32
        %jit3A_2438 = arith.constant 1 : i32
        %select_n3A_2439 = arith.select %eq3A_2437, %jit3A_2438, %jit3A_2435 : i32
        %rem3A_2440 = arith.remsi %add3A_459, %select_n3A_2439 : i32
        %ne3A_2441 = arith.constant 0 : i32
        %ne3A_2442 = arith.cmpi ne, %rem3A_2440, %ne3A_2441 : i32
        %lt3A_2443 = arith.constant 0 : i32
        %lt3A_2444 = arith.cmpi slt, %rem3A_2440, %lt3A_2443 : i32
        %lt3A_2445 = arith.constant 0 : i32
        %lt3A_2446 = arith.cmpi slt, %select_n3A_2439, %lt3A_2445 : i32
        %ne3A_2447 = arith.xori %lt3A_2444, %lt3A_2446 : i1
        %and3A_2448 = arith.andi %ne3A_2447, %ne3A_2442 : i1
        %add3A_2449 = arith.addi %rem3A_2440, %select_n3A_2439 : i32
        %select_n3A_2450 = arith.select %and3A_2448, %add3A_2449, %rem3A_2440 : i32
        %ne3A_2451 = arith.cmpi ne, %select_n3A_2234, %select_n3A_2354 : i32
        %ne3A_2452 = arith.cmpi ne, %select_n3A_2274, %select_n3A_2394 : i32
        %ne3A_2453 = arith.cmpi ne, %select_n3A_2314, %select_n3A_2434 : i32
        %ne3A_2454 = arith.cmpi ne, %select_n3A_2330, %select_n3A_2450 : i32
        %or3A_2455 = arith.constant false
        %or3A_2456 = arith.ori %or3A_2455, %ne3A_2451 : i1
        %or3A_2457 = arith.ori %or3A_2456, %ne3A_2452 : i1
        %or3A_2458 = arith.ori %or3A_2457, %ne3A_2453 : i1
        %or3A_2459 = arith.ori %or3A_2458, %ne3A_2454 : i1
        %not3A_2460 = arith.constant true
        %not3A_2461 = arith.xori %eq3A_447, %not3A_2460 : i1
        %and3A_2462 = arith.andi %or3A_2459, %not3A_2461 : i1
        %convert_element_type3A_2463 = arith.extui %and3A_2462 : i1 to i32
        %cond3A_2464 = arith.constant 0 : i32
        %cond3A_2465 = arith.cmpi ne, %convert_element_type3A_2463, %cond3A_2464 : i32
        scf.if %cond3A_2465 {
        } else {
        }
        %and3A_2466 = arith.constant false
        %and3A_2467 = arith.andi %and3A_2462, %and3A_2466 : i1
        %jit3A_2468 = arith.constant 4 : i32
        %div3A_2469 = arith.divsi %add3A_450, %jit3A_2468 : i32
        %sign3A_2470 = arith.constant 0 : i32
        %sign3A_2471 = arith.cmpi sgt, %add3A_450, %sign3A_2470 : i32
        %sign3A_2472 = arith.extui %sign3A_2471 : i1 to i32
        %sign3A_2473 = arith.constant 0 : i32
        %sign3A_2474 = arith.cmpi slt, %add3A_450, %sign3A_2473 : i32
        %sign3A_2475 = arith.extui %sign3A_2474 : i1 to i32
        %sign3A_2476 = arith.subi %sign3A_2472, %sign3A_2475 : i32
        %sign3A_2477 = arith.constant 0 : i32
        %sign3A_2478 = arith.cmpi sgt, %jit3A_2468, %sign3A_2477 : i32
        %sign3A_2479 = arith.extui %sign3A_2478 : i1 to i32
        %sign3A_2480 = arith.constant 0 : i32
        %sign3A_2481 = arith.cmpi slt, %jit3A_2468, %sign3A_2480 : i32
        %sign3A_2482 = arith.extui %sign3A_2481 : i1 to i32
        %sign3A_2483 = arith.subi %sign3A_2479, %sign3A_2482 : i32
        %ne3A_2484 = arith.cmpi ne, %sign3A_2476, %sign3A_2483 : i32
        %rem3A_2485 = arith.remsi %add3A_450, %jit3A_2468 : i32
        %ne3A_2486 = arith.constant 0 : i32
        %ne3A_2487 = arith.cmpi ne, %rem3A_2485, %ne3A_2486 : i32
        %and3A_2488 = arith.andi %ne3A_2484, %ne3A_2487 : i1
        %sub3A_2489 = arith.constant 1 : i32
        %sub3A_2490 = arith.subi %div3A_2469, %sub3A_2489 : i32
        %select_n3A_2491 = arith.select %and3A_2488, %sub3A_2490, %div3A_2469 : i32
        %jit3A_2492 = arith.constant 4 : i32
        %div3A_2493 = arith.divsi %add3A_459, %jit3A_2492 : i32
        %sign3A_2494 = arith.constant 0 : i32
        %sign3A_2495 = arith.cmpi sgt, %add3A_459, %sign3A_2494 : i32
        %sign3A_2496 = arith.extui %sign3A_2495 : i1 to i32
        %sign3A_2497 = arith.constant 0 : i32
        %sign3A_2498 = arith.cmpi slt, %add3A_459, %sign3A_2497 : i32
        %sign3A_2499 = arith.extui %sign3A_2498 : i1 to i32
        %sign3A_2500 = arith.subi %sign3A_2496, %sign3A_2499 : i32
        %sign3A_2501 = arith.constant 0 : i32
        %sign3A_2502 = arith.cmpi sgt, %jit3A_2492, %sign3A_2501 : i32
        %sign3A_2503 = arith.extui %sign3A_2502 : i1 to i32
        %sign3A_2504 = arith.constant 0 : i32
        %sign3A_2505 = arith.cmpi slt, %jit3A_2492, %sign3A_2504 : i32
        %sign3A_2506 = arith.extui %sign3A_2505 : i1 to i32
        %sign3A_2507 = arith.subi %sign3A_2503, %sign3A_2506 : i32
        %ne3A_2508 = arith.cmpi ne, %sign3A_2500, %sign3A_2507 : i32
        %rem3A_2509 = arith.remsi %add3A_459, %jit3A_2492 : i32
        %ne3A_2510 = arith.constant 0 : i32
        %ne3A_2511 = arith.cmpi ne, %rem3A_2509, %ne3A_2510 : i32
        %and3A_2512 = arith.andi %ne3A_2508, %ne3A_2511 : i1
        %sub3A_2513 = arith.constant 1 : i32
        %sub3A_2514 = arith.subi %div3A_2493, %sub3A_2513 : i32
        %select_n3A_2515 = arith.select %and3A_2512, %sub3A_2514, %div3A_2493 : i32
        %ne3A_2516 = arith.cmpi ne, %select_n3A_2491, %select_n3A_2515 : i32
        %or3A_2517 = arith.constant false
        %or3A_2518 = arith.ori %or3A_2517, %ne3A_2516 : i1
        %or3A_2519 = arith.constant false
        %or3A_2520 = arith.ori %or3A_2518, %or3A_2519 : i1
        %not3A_2521 = arith.constant true
        %not3A_2522 = arith.xori %eq3A_447, %not3A_2521 : i1
        %and3A_2523 = arith.andi %or3A_2520, %not3A_2522 : i1
        %convert_element_type3A_2524 = arith.extui %and3A_2523 : i1 to i32
        %cond3A_2525 = arith.constant 0 : i32
        %cond3A_2526 = arith.cmpi ne, %convert_element_type3A_2524, %cond3A_2525 : i32
        scf.if %cond3A_2526 {
        } else {
        }
        %and3A_2527 = arith.constant false
        %and3A_2528 = arith.andi %and3A_2523, %and3A_2527 : i1
        %jit3A_2529 = arith.constant 384 : i32
        %div3A_2530 = arith.divsi %add3A_450, %jit3A_2529 : i32
        %sign3A_2531 = arith.constant 0 : i32
        %sign3A_2532 = arith.cmpi sgt, %add3A_450, %sign3A_2531 : i32
        %sign3A_2533 = arith.extui %sign3A_2532 : i1 to i32
        %sign3A_2534 = arith.constant 0 : i32
        %sign3A_2535 = arith.cmpi slt, %add3A_450, %sign3A_2534 : i32
        %sign3A_2536 = arith.extui %sign3A_2535 : i1 to i32
        %sign3A_2537 = arith.subi %sign3A_2533, %sign3A_2536 : i32
        %sign3A_2538 = arith.constant 0 : i32
        %sign3A_2539 = arith.cmpi sgt, %jit3A_2529, %sign3A_2538 : i32
        %sign3A_2540 = arith.extui %sign3A_2539 : i1 to i32
        %sign3A_2541 = arith.constant 0 : i32
        %sign3A_2542 = arith.cmpi slt, %jit3A_2529, %sign3A_2541 : i32
        %sign3A_2543 = arith.extui %sign3A_2542 : i1 to i32
        %sign3A_2544 = arith.subi %sign3A_2540, %sign3A_2543 : i32
        %ne3A_2545 = arith.cmpi ne, %sign3A_2537, %sign3A_2544 : i32
        %rem3A_2546 = arith.remsi %add3A_450, %jit3A_2529 : i32
        %ne3A_2547 = arith.constant 0 : i32
        %ne3A_2548 = arith.cmpi ne, %rem3A_2546, %ne3A_2547 : i32
        %and3A_2549 = arith.andi %ne3A_2545, %ne3A_2548 : i1
        %sub3A_2550 = arith.constant 1 : i32
        %sub3A_2551 = arith.subi %div3A_2530, %sub3A_2550 : i32
        %select_n3A_2552 = arith.select %and3A_2549, %sub3A_2551, %div3A_2530 : i32
        %jit3A_2553 = arith.constant 4 : i32
        %div3A_2554 = arith.divsi %add3A_450, %jit3A_2553 : i32
        %sign3A_2555 = arith.constant 0 : i32
        %sign3A_2556 = arith.cmpi sgt, %add3A_450, %sign3A_2555 : i32
        %sign3A_2557 = arith.extui %sign3A_2556 : i1 to i32
        %sign3A_2558 = arith.constant 0 : i32
        %sign3A_2559 = arith.cmpi slt, %add3A_450, %sign3A_2558 : i32
        %sign3A_2560 = arith.extui %sign3A_2559 : i1 to i32
        %sign3A_2561 = arith.subi %sign3A_2557, %sign3A_2560 : i32
        %sign3A_2562 = arith.constant 0 : i32
        %sign3A_2563 = arith.cmpi sgt, %jit3A_2553, %sign3A_2562 : i32
        %sign3A_2564 = arith.extui %sign3A_2563 : i1 to i32
        %sign3A_2565 = arith.constant 0 : i32
        %sign3A_2566 = arith.cmpi slt, %jit3A_2553, %sign3A_2565 : i32
        %sign3A_2567 = arith.extui %sign3A_2566 : i1 to i32
        %sign3A_2568 = arith.subi %sign3A_2564, %sign3A_2567 : i32
        %ne3A_2569 = arith.cmpi ne, %sign3A_2561, %sign3A_2568 : i32
        %rem3A_2570 = arith.remsi %add3A_450, %jit3A_2553 : i32
        %ne3A_2571 = arith.constant 0 : i32
        %ne3A_2572 = arith.cmpi ne, %rem3A_2570, %ne3A_2571 : i32
        %and3A_2573 = arith.andi %ne3A_2569, %ne3A_2572 : i1
        %sub3A_2574 = arith.constant 1 : i32
        %sub3A_2575 = arith.subi %div3A_2554, %sub3A_2574 : i32
        %select_n3A_2576 = arith.select %and3A_2573, %sub3A_2575, %div3A_2554 : i32
        %jit3A_2577 = arith.constant 96 : i32
        %eq3A_2578 = arith.constant 0 : i32
        %eq3A_2579 = arith.cmpi eq, %jit3A_2577, %eq3A_2578 : i32
        %jit3A_2580 = arith.constant 1 : i32
        %select_n3A_2581 = arith.select %eq3A_2579, %jit3A_2580, %jit3A_2577 : i32
        %rem3A_2582 = arith.remsi %select_n3A_2576, %select_n3A_2581 : i32
        %ne3A_2583 = arith.constant 0 : i32
        %ne3A_2584 = arith.cmpi ne, %rem3A_2582, %ne3A_2583 : i32
        %lt3A_2585 = arith.constant 0 : i32
        %lt3A_2586 = arith.cmpi slt, %rem3A_2582, %lt3A_2585 : i32
        %lt3A_2587 = arith.constant 0 : i32
        %lt3A_2588 = arith.cmpi slt, %select_n3A_2581, %lt3A_2587 : i32
        %ne3A_2589 = arith.xori %lt3A_2586, %lt3A_2588 : i1
        %and3A_2590 = arith.andi %ne3A_2589, %ne3A_2584 : i1
        %add3A_2591 = arith.addi %rem3A_2582, %select_n3A_2581 : i32
        %select_n3A_2592 = arith.select %and3A_2590, %add3A_2591, %rem3A_2582 : i32
        %jit3A_2593 = arith.constant 4 : i32
        %eq3A_2594 = arith.constant 0 : i32
        %eq3A_2595 = arith.cmpi eq, %jit3A_2593, %eq3A_2594 : i32
        %jit3A_2596 = arith.constant 1 : i32
        %select_n3A_2597 = arith.select %eq3A_2595, %jit3A_2596, %jit3A_2593 : i32
        %rem3A_2598 = arith.remsi %add3A_450, %select_n3A_2597 : i32
        %ne3A_2599 = arith.constant 0 : i32
        %ne3A_2600 = arith.cmpi ne, %rem3A_2598, %ne3A_2599 : i32
        %lt3A_2601 = arith.constant 0 : i32
        %lt3A_2602 = arith.cmpi slt, %rem3A_2598, %lt3A_2601 : i32
        %lt3A_2603 = arith.constant 0 : i32
        %lt3A_2604 = arith.cmpi slt, %select_n3A_2597, %lt3A_2603 : i32
        %ne3A_2605 = arith.xori %lt3A_2602, %lt3A_2604 : i1
        %and3A_2606 = arith.andi %ne3A_2605, %ne3A_2600 : i1
        %add3A_2607 = arith.addi %rem3A_2598, %select_n3A_2597 : i32
        %select_n3A_2608 = arith.select %and3A_2606, %add3A_2607, %rem3A_2598 : i32
        %jit3A_2609 = arith.constant 2 : i32
        %div3A_2610 = arith.divsi %select_n3A_2608, %jit3A_2609 : i32
        %sign3A_2611 = arith.constant 0 : i32
        %sign3A_2612 = arith.cmpi sgt, %select_n3A_2608, %sign3A_2611 : i32
        %sign3A_2613 = arith.extui %sign3A_2612 : i1 to i32
        %sign3A_2614 = arith.constant 0 : i32
        %sign3A_2615 = arith.cmpi slt, %select_n3A_2608, %sign3A_2614 : i32
        %sign3A_2616 = arith.extui %sign3A_2615 : i1 to i32
        %sign3A_2617 = arith.subi %sign3A_2613, %sign3A_2616 : i32
        %sign3A_2618 = arith.constant 0 : i32
        %sign3A_2619 = arith.cmpi sgt, %jit3A_2609, %sign3A_2618 : i32
        %sign3A_2620 = arith.extui %sign3A_2619 : i1 to i32
        %sign3A_2621 = arith.constant 0 : i32
        %sign3A_2622 = arith.cmpi slt, %jit3A_2609, %sign3A_2621 : i32
        %sign3A_2623 = arith.extui %sign3A_2622 : i1 to i32
        %sign3A_2624 = arith.subi %sign3A_2620, %sign3A_2623 : i32
        %ne3A_2625 = arith.cmpi ne, %sign3A_2617, %sign3A_2624 : i32
        %rem3A_2626 = arith.remsi %select_n3A_2608, %jit3A_2609 : i32
        %ne3A_2627 = arith.constant 0 : i32
        %ne3A_2628 = arith.cmpi ne, %rem3A_2626, %ne3A_2627 : i32
        %and3A_2629 = arith.andi %ne3A_2625, %ne3A_2628 : i1
        %sub3A_2630 = arith.constant 1 : i32
        %sub3A_2631 = arith.subi %div3A_2610, %sub3A_2630 : i32
        %select_n3A_2632 = arith.select %and3A_2629, %sub3A_2631, %div3A_2610 : i32
        %jit3A_2633 = arith.constant 2 : i32
        %eq3A_2634 = arith.constant 0 : i32
        %eq3A_2635 = arith.cmpi eq, %jit3A_2633, %eq3A_2634 : i32
        %jit3A_2636 = arith.constant 1 : i32
        %select_n3A_2637 = arith.select %eq3A_2635, %jit3A_2636, %jit3A_2633 : i32
        %rem3A_2638 = arith.remsi %add3A_450, %select_n3A_2637 : i32
        %ne3A_2639 = arith.constant 0 : i32
        %ne3A_2640 = arith.cmpi ne, %rem3A_2638, %ne3A_2639 : i32
        %lt3A_2641 = arith.constant 0 : i32
        %lt3A_2642 = arith.cmpi slt, %rem3A_2638, %lt3A_2641 : i32
        %lt3A_2643 = arith.constant 0 : i32
        %lt3A_2644 = arith.cmpi slt, %select_n3A_2637, %lt3A_2643 : i32
        %ne3A_2645 = arith.xori %lt3A_2642, %lt3A_2644 : i1
        %and3A_2646 = arith.andi %ne3A_2645, %ne3A_2640 : i1
        %add3A_2647 = arith.addi %rem3A_2638, %select_n3A_2637 : i32
        %select_n3A_2648 = arith.select %and3A_2646, %add3A_2647, %rem3A_2638 : i32
        %jit3A_2649 = arith.constant 384 : i32
        %div3A_2650 = arith.divsi %add3A_459, %jit3A_2649 : i32
        %sign3A_2651 = arith.constant 0 : i32
        %sign3A_2652 = arith.cmpi sgt, %add3A_459, %sign3A_2651 : i32
        %sign3A_2653 = arith.extui %sign3A_2652 : i1 to i32
        %sign3A_2654 = arith.constant 0 : i32
        %sign3A_2655 = arith.cmpi slt, %add3A_459, %sign3A_2654 : i32
        %sign3A_2656 = arith.extui %sign3A_2655 : i1 to i32
        %sign3A_2657 = arith.subi %sign3A_2653, %sign3A_2656 : i32
        %sign3A_2658 = arith.constant 0 : i32
        %sign3A_2659 = arith.cmpi sgt, %jit3A_2649, %sign3A_2658 : i32
        %sign3A_2660 = arith.extui %sign3A_2659 : i1 to i32
        %sign3A_2661 = arith.constant 0 : i32
        %sign3A_2662 = arith.cmpi slt, %jit3A_2649, %sign3A_2661 : i32
        %sign3A_2663 = arith.extui %sign3A_2662 : i1 to i32
        %sign3A_2664 = arith.subi %sign3A_2660, %sign3A_2663 : i32
        %ne3A_2665 = arith.cmpi ne, %sign3A_2657, %sign3A_2664 : i32
        %rem3A_2666 = arith.remsi %add3A_459, %jit3A_2649 : i32
        %ne3A_2667 = arith.constant 0 : i32
        %ne3A_2668 = arith.cmpi ne, %rem3A_2666, %ne3A_2667 : i32
        %and3A_2669 = arith.andi %ne3A_2665, %ne3A_2668 : i1
        %sub3A_2670 = arith.constant 1 : i32
        %sub3A_2671 = arith.subi %div3A_2650, %sub3A_2670 : i32
        %select_n3A_2672 = arith.select %and3A_2669, %sub3A_2671, %div3A_2650 : i32
        %jit3A_2673 = arith.constant 4 : i32
        %div3A_2674 = arith.divsi %add3A_459, %jit3A_2673 : i32
        %sign3A_2675 = arith.constant 0 : i32
        %sign3A_2676 = arith.cmpi sgt, %add3A_459, %sign3A_2675 : i32
        %sign3A_2677 = arith.extui %sign3A_2676 : i1 to i32
        %sign3A_2678 = arith.constant 0 : i32
        %sign3A_2679 = arith.cmpi slt, %add3A_459, %sign3A_2678 : i32
        %sign3A_2680 = arith.extui %sign3A_2679 : i1 to i32
        %sign3A_2681 = arith.subi %sign3A_2677, %sign3A_2680 : i32
        %sign3A_2682 = arith.constant 0 : i32
        %sign3A_2683 = arith.cmpi sgt, %jit3A_2673, %sign3A_2682 : i32
        %sign3A_2684 = arith.extui %sign3A_2683 : i1 to i32
        %sign3A_2685 = arith.constant 0 : i32
        %sign3A_2686 = arith.cmpi slt, %jit3A_2673, %sign3A_2685 : i32
        %sign3A_2687 = arith.extui %sign3A_2686 : i1 to i32
        %sign3A_2688 = arith.subi %sign3A_2684, %sign3A_2687 : i32
        %ne3A_2689 = arith.cmpi ne, %sign3A_2681, %sign3A_2688 : i32
        %rem3A_2690 = arith.remsi %add3A_459, %jit3A_2673 : i32
        %ne3A_2691 = arith.constant 0 : i32
        %ne3A_2692 = arith.cmpi ne, %rem3A_2690, %ne3A_2691 : i32
        %and3A_2693 = arith.andi %ne3A_2689, %ne3A_2692 : i1
        %sub3A_2694 = arith.constant 1 : i32
        %sub3A_2695 = arith.subi %div3A_2674, %sub3A_2694 : i32
        %select_n3A_2696 = arith.select %and3A_2693, %sub3A_2695, %div3A_2674 : i32
        %jit3A_2697 = arith.constant 96 : i32
        %eq3A_2698 = arith.constant 0 : i32
        %eq3A_2699 = arith.cmpi eq, %jit3A_2697, %eq3A_2698 : i32
        %jit3A_2700 = arith.constant 1 : i32
        %select_n3A_2701 = arith.select %eq3A_2699, %jit3A_2700, %jit3A_2697 : i32
        %rem3A_2702 = arith.remsi %select_n3A_2696, %select_n3A_2701 : i32
        %ne3A_2703 = arith.constant 0 : i32
        %ne3A_2704 = arith.cmpi ne, %rem3A_2702, %ne3A_2703 : i32
        %lt3A_2705 = arith.constant 0 : i32
        %lt3A_2706 = arith.cmpi slt, %rem3A_2702, %lt3A_2705 : i32
        %lt3A_2707 = arith.constant 0 : i32
        %lt3A_2708 = arith.cmpi slt, %select_n3A_2701, %lt3A_2707 : i32
        %ne3A_2709 = arith.xori %lt3A_2706, %lt3A_2708 : i1
        %and3A_2710 = arith.andi %ne3A_2709, %ne3A_2704 : i1
        %add3A_2711 = arith.addi %rem3A_2702, %select_n3A_2701 : i32
        %select_n3A_2712 = arith.select %and3A_2710, %add3A_2711, %rem3A_2702 : i32
        %jit3A_2713 = arith.constant 4 : i32
        %eq3A_2714 = arith.constant 0 : i32
        %eq3A_2715 = arith.cmpi eq, %jit3A_2713, %eq3A_2714 : i32
        %jit3A_2716 = arith.constant 1 : i32
        %select_n3A_2717 = arith.select %eq3A_2715, %jit3A_2716, %jit3A_2713 : i32
        %rem3A_2718 = arith.remsi %add3A_459, %select_n3A_2717 : i32
        %ne3A_2719 = arith.constant 0 : i32
        %ne3A_2720 = arith.cmpi ne, %rem3A_2718, %ne3A_2719 : i32
        %lt3A_2721 = arith.constant 0 : i32
        %lt3A_2722 = arith.cmpi slt, %rem3A_2718, %lt3A_2721 : i32
        %lt3A_2723 = arith.constant 0 : i32
        %lt3A_2724 = arith.cmpi slt, %select_n3A_2717, %lt3A_2723 : i32
        %ne3A_2725 = arith.xori %lt3A_2722, %lt3A_2724 : i1
        %and3A_2726 = arith.andi %ne3A_2725, %ne3A_2720 : i1
        %add3A_2727 = arith.addi %rem3A_2718, %select_n3A_2717 : i32
        %select_n3A_2728 = arith.select %and3A_2726, %add3A_2727, %rem3A_2718 : i32
        %jit3A_2729 = arith.constant 2 : i32
        %div3A_2730 = arith.divsi %select_n3A_2728, %jit3A_2729 : i32
        %sign3A_2731 = arith.constant 0 : i32
        %sign3A_2732 = arith.cmpi sgt, %select_n3A_2728, %sign3A_2731 : i32
        %sign3A_2733 = arith.extui %sign3A_2732 : i1 to i32
        %sign3A_2734 = arith.constant 0 : i32
        %sign3A_2735 = arith.cmpi slt, %select_n3A_2728, %sign3A_2734 : i32
        %sign3A_2736 = arith.extui %sign3A_2735 : i1 to i32
        %sign3A_2737 = arith.subi %sign3A_2733, %sign3A_2736 : i32
        %sign3A_2738 = arith.constant 0 : i32
        %sign3A_2739 = arith.cmpi sgt, %jit3A_2729, %sign3A_2738 : i32
        %sign3A_2740 = arith.extui %sign3A_2739 : i1 to i32
        %sign3A_2741 = arith.constant 0 : i32
        %sign3A_2742 = arith.cmpi slt, %jit3A_2729, %sign3A_2741 : i32
        %sign3A_2743 = arith.extui %sign3A_2742 : i1 to i32
        %sign3A_2744 = arith.subi %sign3A_2740, %sign3A_2743 : i32
        %ne3A_2745 = arith.cmpi ne, %sign3A_2737, %sign3A_2744 : i32
        %rem3A_2746 = arith.remsi %select_n3A_2728, %jit3A_2729 : i32
        %ne3A_2747 = arith.constant 0 : i32
        %ne3A_2748 = arith.cmpi ne, %rem3A_2746, %ne3A_2747 : i32
        %and3A_2749 = arith.andi %ne3A_2745, %ne3A_2748 : i1
        %sub3A_2750 = arith.constant 1 : i32
        %sub3A_2751 = arith.subi %div3A_2730, %sub3A_2750 : i32
        %select_n3A_2752 = arith.select %and3A_2749, %sub3A_2751, %div3A_2730 : i32
        %jit3A_2753 = arith.constant 2 : i32
        %eq3A_2754 = arith.constant 0 : i32
        %eq3A_2755 = arith.cmpi eq, %jit3A_2753, %eq3A_2754 : i32
        %jit3A_2756 = arith.constant 1 : i32
        %select_n3A_2757 = arith.select %eq3A_2755, %jit3A_2756, %jit3A_2753 : i32
        %rem3A_2758 = arith.remsi %add3A_459, %select_n3A_2757 : i32
        %ne3A_2759 = arith.constant 0 : i32
        %ne3A_2760 = arith.cmpi ne, %rem3A_2758, %ne3A_2759 : i32
        %lt3A_2761 = arith.constant 0 : i32
        %lt3A_2762 = arith.cmpi slt, %rem3A_2758, %lt3A_2761 : i32
        %lt3A_2763 = arith.constant 0 : i32
        %lt3A_2764 = arith.cmpi slt, %select_n3A_2757, %lt3A_2763 : i32
        %ne3A_2765 = arith.xori %lt3A_2762, %lt3A_2764 : i1
        %and3A_2766 = arith.andi %ne3A_2765, %ne3A_2760 : i1
        %add3A_2767 = arith.addi %rem3A_2758, %select_n3A_2757 : i32
        %select_n3A_2768 = arith.select %and3A_2766, %add3A_2767, %rem3A_2758 : i32
        %ne3A_2769 = arith.cmpi ne, %select_n3A_2552, %select_n3A_2672 : i32
        %ne3A_2770 = arith.cmpi ne, %select_n3A_2592, %select_n3A_2712 : i32
        %ne3A_2771 = arith.cmpi ne, %select_n3A_2632, %select_n3A_2752 : i32
        %ne3A_2772 = arith.cmpi ne, %select_n3A_2648, %select_n3A_2768 : i32
        %or3A_2773 = arith.constant false
        %or3A_2774 = arith.ori %or3A_2773, %ne3A_2769 : i1
        %or3A_2775 = arith.ori %or3A_2774, %ne3A_2770 : i1
        %or3A_2776 = arith.ori %or3A_2775, %ne3A_2771 : i1
        %or3A_2777 = arith.ori %or3A_2776, %ne3A_2772 : i1
        %not3A_2778 = arith.constant true
        %not3A_2779 = arith.xori %eq3A_447, %not3A_2778 : i1
        %and3A_2780 = arith.andi %or3A_2777, %not3A_2779 : i1
        %convert_element_type3A_2781 = arith.extui %and3A_2780 : i1 to i32
        %cond3A_2782 = arith.constant 0 : i32
        %cond3A_2783 = arith.cmpi ne, %convert_element_type3A_2781, %cond3A_2782 : i32
        scf.if %cond3A_2783 {
          "tpu.trace_start"() <{level = 10 : i32, message = "ep_wait_out"}> : () -> ()
          %rem3A_3107 = arith.constant 2 : i32
          %rem3A_3108 = arith.remui %scan3A_444, %rem3A_3107 : i32
          %jit3A_3109 = arith.constant 384 : i32
          %div3A_3110 = arith.divsi %add3A_459, %jit3A_3109 : i32
          %sign3A_3111 = arith.constant 0 : i32
          %sign3A_3112 = arith.cmpi sgt, %add3A_459, %sign3A_3111 : i32
          %sign3A_3113 = arith.extui %sign3A_3112 : i1 to i32
          %sign3A_3114 = arith.constant 0 : i32
          %sign3A_3115 = arith.cmpi slt, %add3A_459, %sign3A_3114 : i32
          %sign3A_3116 = arith.extui %sign3A_3115 : i1 to i32
          %sign3A_3117 = arith.subi %sign3A_3113, %sign3A_3116 : i32
          %sign3A_3118 = arith.constant 0 : i32
          %sign3A_3119 = arith.cmpi sgt, %jit3A_3109, %sign3A_3118 : i32
          %sign3A_3120 = arith.extui %sign3A_3119 : i1 to i32
          %sign3A_3121 = arith.constant 0 : i32
          %sign3A_3122 = arith.cmpi slt, %jit3A_3109, %sign3A_3121 : i32
          %sign3A_3123 = arith.extui %sign3A_3122 : i1 to i32
          %sign3A_3124 = arith.subi %sign3A_3120, %sign3A_3123 : i32
          %ne3A_3125 = arith.cmpi ne, %sign3A_3117, %sign3A_3124 : i32
          %rem3A_3126 = arith.remsi %add3A_459, %jit3A_3109 : i32
          %ne3A_3127 = arith.constant 0 : i32
          %ne3A_3128 = arith.cmpi ne, %rem3A_3126, %ne3A_3127 : i32
          %and3A_3129 = arith.andi %ne3A_3125, %ne3A_3128 : i1
          %sub3A_3130 = arith.constant 1 : i32
          %sub3A_3131 = arith.subi %div3A_3110, %sub3A_3130 : i32
          %select_n3A_3132 = arith.select %and3A_3129, %sub3A_3131, %div3A_3110 : i32
          %jit3A_3133 = arith.constant 4 : i32
          %div3A_3134 = arith.divsi %add3A_459, %jit3A_3133 : i32
          %sign3A_3135 = arith.constant 0 : i32
          %sign3A_3136 = arith.cmpi sgt, %add3A_459, %sign3A_3135 : i32
          %sign3A_3137 = arith.extui %sign3A_3136 : i1 to i32
          %sign3A_3138 = arith.constant 0 : i32
          %sign3A_3139 = arith.cmpi slt, %add3A_459, %sign3A_3138 : i32
          %sign3A_3140 = arith.extui %sign3A_3139 : i1 to i32
          %sign3A_3141 = arith.subi %sign3A_3137, %sign3A_3140 : i32
          %sign3A_3142 = arith.constant 0 : i32
          %sign3A_3143 = arith.cmpi sgt, %jit3A_3133, %sign3A_3142 : i32
          %sign3A_3144 = arith.extui %sign3A_3143 : i1 to i32
          %sign3A_3145 = arith.constant 0 : i32
          %sign3A_3146 = arith.cmpi slt, %jit3A_3133, %sign3A_3145 : i32
          %sign3A_3147 = arith.extui %sign3A_3146 : i1 to i32
          %sign3A_3148 = arith.subi %sign3A_3144, %sign3A_3147 : i32
          %ne3A_3149 = arith.cmpi ne, %sign3A_3141, %sign3A_3148 : i32
          %rem3A_3150 = arith.remsi %add3A_459, %jit3A_3133 : i32
          %ne3A_3151 = arith.constant 0 : i32
          %ne3A_3152 = arith.cmpi ne, %rem3A_3150, %ne3A_3151 : i32
          %and3A_3153 = arith.andi %ne3A_3149, %ne3A_3152 : i1
          %sub3A_3154 = arith.constant 1 : i32
          %sub3A_3155 = arith.subi %div3A_3134, %sub3A_3154 : i32
          %select_n3A_3156 = arith.select %and3A_3153, %sub3A_3155, %div3A_3134 : i32
          %jit3A_3157 = arith.constant 96 : i32
          %eq3A_3158 = arith.constant 0 : i32
          %eq3A_3159 = arith.cmpi eq, %jit3A_3157, %eq3A_3158 : i32
          %jit3A_3160 = arith.constant 1 : i32
          %select_n3A_3161 = arith.select %eq3A_3159, %jit3A_3160, %jit3A_3157 : i32
          %rem3A_3162 = arith.remsi %select_n3A_3156, %select_n3A_3161 : i32
          %ne3A_3163 = arith.constant 0 : i32
          %ne3A_3164 = arith.cmpi ne, %rem3A_3162, %ne3A_3163 : i32
          %lt3A_3165 = arith.constant 0 : i32
          %lt3A_3166 = arith.cmpi slt, %rem3A_3162, %lt3A_3165 : i32
          %lt3A_3167 = arith.constant 0 : i32
          %lt3A_3168 = arith.cmpi slt, %select_n3A_3161, %lt3A_3167 : i32
          %ne3A_3169 = arith.xori %lt3A_3166, %lt3A_3168 : i1
          %and3A_3170 = arith.andi %ne3A_3169, %ne3A_3164 : i1
          %add3A_3171 = arith.addi %rem3A_3162, %select_n3A_3161 : i32
          %select_n3A_3172 = arith.select %and3A_3170, %add3A_3171, %rem3A_3162 : i32
          %jit3A_3173 = arith.constant 4 : i32
          %eq3A_3174 = arith.constant 0 : i32
          %eq3A_3175 = arith.cmpi eq, %jit3A_3173, %eq3A_3174 : i32
          %jit3A_3176 = arith.constant 1 : i32
          %select_n3A_3177 = arith.select %eq3A_3175, %jit3A_3176, %jit3A_3173 : i32
          %rem3A_3178 = arith.remsi %add3A_459, %select_n3A_3177 : i32
          %ne3A_3179 = arith.constant 0 : i32
          %ne3A_3180 = arith.cmpi ne, %rem3A_3178, %ne3A_3179 : i32
          %lt3A_3181 = arith.constant 0 : i32
          %lt3A_3182 = arith.cmpi slt, %rem3A_3178, %lt3A_3181 : i32
          %lt3A_3183 = arith.constant 0 : i32
          %lt3A_3184 = arith.cmpi slt, %select_n3A_3177, %lt3A_3183 : i32
          %ne3A_3185 = arith.xori %lt3A_3182, %lt3A_3184 : i1
          %and3A_3186 = arith.andi %ne3A_3185, %ne3A_3180 : i1
          %add3A_3187 = arith.addi %rem3A_3178, %select_n3A_3177 : i32
          %select_n3A_3188 = arith.select %and3A_3186, %add3A_3187, %rem3A_3178 : i32
          %jit3A_3189 = arith.constant 2 : i32
          %div3A_3190 = arith.divsi %select_n3A_3188, %jit3A_3189 : i32
          %sign3A_3191 = arith.constant 0 : i32
          %sign3A_3192 = arith.cmpi sgt, %select_n3A_3188, %sign3A_3191 : i32
          %sign3A_3193 = arith.extui %sign3A_3192 : i1 to i32
          %sign3A_3194 = arith.constant 0 : i32
          %sign3A_3195 = arith.cmpi slt, %select_n3A_3188, %sign3A_3194 : i32
          %sign3A_3196 = arith.extui %sign3A_3195 : i1 to i32
          %sign3A_3197 = arith.subi %sign3A_3193, %sign3A_3196 : i32
          %sign3A_3198 = arith.constant 0 : i32
          %sign3A_3199 = arith.cmpi sgt, %jit3A_3189, %sign3A_3198 : i32
          %sign3A_3200 = arith.extui %sign3A_3199 : i1 to i32
          %sign3A_3201 = arith.constant 0 : i32
          %sign3A_3202 = arith.cmpi slt, %jit3A_3189, %sign3A_3201 : i32
          %sign3A_3203 = arith.extui %sign3A_3202 : i1 to i32
          %sign3A_3204 = arith.subi %sign3A_3200, %sign3A_3203 : i32
          %ne3A_3205 = arith.cmpi ne, %sign3A_3197, %sign3A_3204 : i32
          %rem3A_3206 = arith.remsi %select_n3A_3188, %jit3A_3189 : i32
          %ne3A_3207 = arith.constant 0 : i32
          %ne3A_3208 = arith.cmpi ne, %rem3A_3206, %ne3A_3207 : i32
          %and3A_3209 = arith.andi %ne3A_3205, %ne3A_3208 : i1
          %sub3A_3210 = arith.constant 1 : i32
          %sub3A_3211 = arith.subi %div3A_3190, %sub3A_3210 : i32
          %select_n3A_3212 = arith.select %and3A_3209, %sub3A_3211, %div3A_3190 : i32
          %jit3A_3213 = arith.constant 2 : i32
          %eq3A_3214 = arith.constant 0 : i32
          %eq3A_3215 = arith.cmpi eq, %jit3A_3213, %eq3A_3214 : i32
          %jit3A_3216 = arith.constant 1 : i32
          %select_n3A_3217 = arith.select %eq3A_3215, %jit3A_3216, %jit3A_3213 : i32
          %rem3A_3218 = arith.remsi %add3A_459, %select_n3A_3217 : i32
          %ne3A_3219 = arith.constant 0 : i32
          %ne3A_3220 = arith.cmpi ne, %rem3A_3218, %ne3A_3219 : i32
          %lt3A_3221 = arith.constant 0 : i32
          %lt3A_3222 = arith.cmpi slt, %rem3A_3218, %lt3A_3221 : i32
          %lt3A_3223 = arith.constant 0 : i32
          %lt3A_3224 = arith.cmpi slt, %select_n3A_3217, %lt3A_3223 : i32
          %ne3A_3225 = arith.xori %lt3A_3222, %lt3A_3224 : i1
          %and3A_3226 = arith.andi %ne3A_3225, %ne3A_3220 : i1
          %add3A_3227 = arith.addi %rem3A_3218, %select_n3A_3217 : i32
          %select_n3A_3228 = arith.select %and3A_3226, %add3A_3227, %rem3A_3218 : i32
          %mul3A_3229 = arith.constant 1 : i32
          %mul3A_3230 = arith.muli %mul3A_3229, %select_n3A_3132 : i32
          %mul3A_3231 = arith.constant 1 : i32
          %mul3A_3232 = arith.muli %mul3A_3231, %select_n3A_3172 : i32
          %mul3A_3233 = arith.constant 112 : i32
          %mul3A_3234 = arith.muli %mul3A_3233, %select_n3A_3212 : i32
          %mul3A_3235 = arith.constant 128 : i32
          %mul3A_3236 = arith.muli %mul3A_3235, %select_n3A_3228 : i32
          %eq3A_3237 = arith.constant 1 : i32
          %eq3A_3238 = arith.cmpi eq, %select_n3A_3228, %eq3A_3237 : i32
          %jit3A_3239 = arith.constant 128 : i32
          %jit3A_3240 = arith.constant 128 : i32
          %select_n3A_3241 = arith.select %eq3A_3238, %jit3A_3239, %jit3A_3240 : i32
          %multiple_of3A_3242 = tpu.assume_multiple %select_n3A_3241, 128 : i32
          %mul3A_3243 = arith.constant 128 : i32
          %mul3A_3244 = arith.muli %select_n3A_3228, %mul3A_3243 : i32
          %dma_wait3A_3245 = arith.constant 0 : i32
          %dma_wait3A_3246 = arith.constant 0 : i32
          %dma_wait3A_3247 = arith.constant 0 : i32
          %dma_wait3A_3248 = arith.constant 0 : i32
          %dma_wait3A_3249 = tpu.memref_slice %run_scoped3A_10[%rem3A_3108, %dma_wait3A_3245, %dma_wait3A_3246, %dma_wait3A_3247, %dma_wait3A_3248] <%multiple_of3A_3242> : memref<2x1x1x112x128xf32, #tpu.memory_space<vmem>> -> memref<1x1x1x112x?xf32, #tpu.memory_space<vmem>>
          %dma_wait3A_3250 = tpu.memref_squeeze %dma_wait3A_3249 : memref<1x1x1x112x?xf32, #tpu.memory_space<vmem>> -> memref<1x1x112x?xf32, #tpu.memory_space<vmem>>
          %dma_wait3A_3251 = tpu.memref_slice %arg6[%mul3A_3230, %mul3A_3232, %mul3A_3234, %mul3A_3244] <%multiple_of3A_3242> : memref<8x96x224x224xf32, #tpu.memory_space<hbm>> -> memref<1x1x112x?xf32, #tpu.memory_space<hbm>>
          %dma_wait3A_3252 = tpu.memref_slice %run_scoped3A_11[%rem3A_3108] : memref<2x!tpu.dma_semaphore, #tpu.memory_space<semaphore_mem>> -> memref<1x!tpu.dma_semaphore, #tpu.memory_space<semaphore_mem>>
          %dma_wait3A_3253 = tpu.memref_squeeze %dma_wait3A_3252 : memref<1x!tpu.dma_semaphore, #tpu.memory_space<semaphore_mem>> -> memref<!tpu.dma_semaphore, #tpu.memory_space<semaphore_mem>>
          %dma_wait3A_3254 = tpu.memref_slice %arg6[%mul3A_3230, %mul3A_3232, %mul3A_3234, %mul3A_3244] <%multiple_of3A_3242> : memref<8x96x224x224xf32, #tpu.memory_space<hbm>> -> memref<1x1x112x?xf32, #tpu.memory_space<hbm>>
          %dma_wait3A_3255 = arith.constant 0 : i32
          %dma_wait3A_3256 = arith.constant 0 : i32
          %dma_wait3A_3257 = arith.constant 0 : i32
          %dma_wait3A_3258 = arith.constant 0 : i32
          %dma_wait3A_3259 = tpu.memref_slice %run_scoped3A_10[%rem3A_3108, %dma_wait3A_3255, %dma_wait3A_3256, %dma_wait3A_3257, %dma_wait3A_3258] <%multiple_of3A_3242> : memref<2x1x1x112x128xf32, #tpu.memory_space<vmem>> -> memref<1x1x1x112x?xf32, #tpu.memory_space<vmem>>
          %dma_wait3A_3260 = tpu.memref_squeeze %dma_wait3A_3259 : memref<1x1x1x112x?xf32, #tpu.memory_space<vmem>> -> memref<1x1x112x?xf32, #tpu.memory_space<vmem>>
          tpu.wait_dma2 semaphore(%dma_wait3A_3253 : memref<!tpu.dma_semaphore, #tpu.memory_space<semaphore_mem>>) src(%dma_wait3A_3260 : memref<1x1x112x?xf32, #tpu.memory_space<vmem>>) dst(%dma_wait3A_3254 : memref<1x1x112x?xf32, #tpu.memory_space<hbm>>)
          "tpu.trace_stop"() : () -> ()
        } else {
        }
        %and3A_2784 = arith.constant true
        %and3A_2785 = arith.andi %and3A_2780, %and3A_2784 : i1
        %add3A_2786 = arith.constant 1 : i32
        %add3A_2787 = arith.addi %scan3A_444, %add3A_2786 : i32
        %select_n3A_2788 = arith.select %and3A_2785, %add3A_2787, %scan3A_444 : i32
        %jit3A_2789 = arith.constant 384 : i32
        %div3A_2790 = arith.divsi %add3A_450, %jit3A_2789 : i32
        %sign3A_2791 = arith.constant 0 : i32
        %sign3A_2792 = arith.cmpi sgt, %add3A_450, %sign3A_2791 : i32
        %sign3A_2793 = arith.extui %sign3A_2792 : i1 to i32
        %sign3A_2794 = arith.constant 0 : i32
        %sign3A_2795 = arith.cmpi slt, %add3A_450, %sign3A_2794 : i32
        %sign3A_2796 = arith.extui %sign3A_2795 : i1 to i32
        %sign3A_2797 = arith.subi %sign3A_2793, %sign3A_2796 : i32
        %sign3A_2798 = arith.constant 0 : i32
        %sign3A_2799 = arith.cmpi sgt, %jit3A_2789, %sign3A_2798 : i32
        %sign3A_2800 = arith.extui %sign3A_2799 : i1 to i32
        %sign3A_2801 = arith.constant 0 : i32
        %sign3A_2802 = arith.cmpi slt, %jit3A_2789, %sign3A_2801 : i32
        %sign3A_2803 = arith.extui %sign3A_2802 : i1 to i32
        %sign3A_2804 = arith.subi %sign3A_2800, %sign3A_2803 : i32
        %ne3A_2805 = arith.cmpi ne, %sign3A_2797, %sign3A_2804 : i32
        %rem3A_2806 = arith.remsi %add3A_450, %jit3A_2789 : i32
        %ne3A_2807 = arith.constant 0 : i32
        %ne3A_2808 = arith.cmpi ne, %rem3A_2806, %ne3A_2807 : i32
        %and3A_2809 = arith.andi %ne3A_2805, %ne3A_2808 : i1
        %sub3A_2810 = arith.constant 1 : i32
        %sub3A_2811 = arith.subi %div3A_2790, %sub3A_2810 : i32
        %select_n3A_2812 = arith.select %and3A_2809, %sub3A_2811, %div3A_2790 : i32
        %jit3A_2813 = arith.constant 4 : i32
        %div3A_2814 = arith.divsi %add3A_450, %jit3A_2813 : i32
        %sign3A_2815 = arith.constant 0 : i32
        %sign3A_2816 = arith.cmpi sgt, %add3A_450, %sign3A_2815 : i32
        %sign3A_2817 = arith.extui %sign3A_2816 : i1 to i32
        %sign3A_2818 = arith.constant 0 : i32
        %sign3A_2819 = arith.cmpi slt, %add3A_450, %sign3A_2818 : i32
        %sign3A_2820 = arith.extui %sign3A_2819 : i1 to i32
        %sign3A_2821 = arith.subi %sign3A_2817, %sign3A_2820 : i32
        %sign3A_2822 = arith.constant 0 : i32
        %sign3A_2823 = arith.cmpi sgt, %jit3A_2813, %sign3A_2822 : i32
        %sign3A_2824 = arith.extui %sign3A_2823 : i1 to i32
        %sign3A_2825 = arith.constant 0 : i32
        %sign3A_2826 = arith.cmpi slt, %jit3A_2813, %sign3A_2825 : i32
        %sign3A_2827 = arith.extui %sign3A_2826 : i1 to i32
        %sign3A_2828 = arith.subi %sign3A_2824, %sign3A_2827 : i32
        %ne3A_2829 = arith.cmpi ne, %sign3A_2821, %sign3A_2828 : i32
        %rem3A_2830 = arith.remsi %add3A_450, %jit3A_2813 : i32
        %ne3A_2831 = arith.constant 0 : i32
        %ne3A_2832 = arith.cmpi ne, %rem3A_2830, %ne3A_2831 : i32
        %and3A_2833 = arith.andi %ne3A_2829, %ne3A_2832 : i1
        %sub3A_2834 = arith.constant 1 : i32
        %sub3A_2835 = arith.subi %div3A_2814, %sub3A_2834 : i32
        %select_n3A_2836 = arith.select %and3A_2833, %sub3A_2835, %div3A_2814 : i32
        %jit3A_2837 = arith.constant 96 : i32
        %eq3A_2838 = arith.constant 0 : i32
        %eq3A_2839 = arith.cmpi eq, %jit3A_2837, %eq3A_2838 : i32
        %jit3A_2840 = arith.constant 1 : i32
        %select_n3A_2841 = arith.select %eq3A_2839, %jit3A_2840, %jit3A_2837 : i32
        %rem3A_2842 = arith.remsi %select_n3A_2836, %select_n3A_2841 : i32
        %ne3A_2843 = arith.constant 0 : i32
        %ne3A_2844 = arith.cmpi ne, %rem3A_2842, %ne3A_2843 : i32
        %lt3A_2845 = arith.constant 0 : i32
        %lt3A_2846 = arith.cmpi slt, %rem3A_2842, %lt3A_2845 : i32
        %lt3A_2847 = arith.constant 0 : i32
        %lt3A_2848 = arith.cmpi slt, %select_n3A_2841, %lt3A_2847 : i32
        %ne3A_2849 = arith.xori %lt3A_2846, %lt3A_2848 : i1
        %and3A_2850 = arith.andi %ne3A_2849, %ne3A_2844 : i1
        %add3A_2851 = arith.addi %rem3A_2842, %select_n3A_2841 : i32
        %select_n3A_2852 = arith.select %and3A_2850, %add3A_2851, %rem3A_2842 : i32
        %jit3A_2853 = arith.constant 4 : i32
        %eq3A_2854 = arith.constant 0 : i32
        %eq3A_2855 = arith.cmpi eq, %jit3A_2853, %eq3A_2854 : i32
        %jit3A_2856 = arith.constant 1 : i32
        %select_n3A_2857 = arith.select %eq3A_2855, %jit3A_2856, %jit3A_2853 : i32
        %rem3A_2858 = arith.remsi %add3A_450, %select_n3A_2857 : i32
        %ne3A_2859 = arith.constant 0 : i32
        %ne3A_2860 = arith.cmpi ne, %rem3A_2858, %ne3A_2859 : i32
        %lt3A_2861 = arith.constant 0 : i32
        %lt3A_2862 = arith.cmpi slt, %rem3A_2858, %lt3A_2861 : i32
        %lt3A_2863 = arith.constant 0 : i32
        %lt3A_2864 = arith.cmpi slt, %select_n3A_2857, %lt3A_2863 : i32
        %ne3A_2865 = arith.xori %lt3A_2862, %lt3A_2864 : i1
        %and3A_2866 = arith.andi %ne3A_2865, %ne3A_2860 : i1
        %add3A_2867 = arith.addi %rem3A_2858, %select_n3A_2857 : i32
        %select_n3A_2868 = arith.select %and3A_2866, %add3A_2867, %rem3A_2858 : i32
        %jit3A_2869 = arith.constant 2 : i32
        %div3A_2870 = arith.divsi %select_n3A_2868, %jit3A_2869 : i32
        %sign3A_2871 = arith.constant 0 : i32
        %sign3A_2872 = arith.cmpi sgt, %select_n3A_2868, %sign3A_2871 : i32
        %sign3A_2873 = arith.extui %sign3A_2872 : i1 to i32
        %sign3A_2874 = arith.constant 0 : i32
        %sign3A_2875 = arith.cmpi slt, %select_n3A_2868, %sign3A_2874 : i32
        %sign3A_2876 = arith.extui %sign3A_2875 : i1 to i32
        %sign3A_2877 = arith.subi %sign3A_2873, %sign3A_2876 : i32
        %sign3A_2878 = arith.constant 0 : i32
        %sign3A_2879 = arith.cmpi sgt, %jit3A_2869, %sign3A_2878 : i32
        %sign3A_2880 = arith.extui %sign3A_2879 : i1 to i32
        %sign3A_2881 = arith.constant 0 : i32
        %sign3A_2882 = arith.cmpi slt, %jit3A_2869, %sign3A_2881 : i32
        %sign3A_2883 = arith.extui %sign3A_2882 : i1 to i32
        %sign3A_2884 = arith.subi %sign3A_2880, %sign3A_2883 : i32
        %ne3A_2885 = arith.cmpi ne, %sign3A_2877, %sign3A_2884 : i32
        %rem3A_2886 = arith.remsi %select_n3A_2868, %jit3A_2869 : i32
        %ne3A_2887 = arith.constant 0 : i32
        %ne3A_2888 = arith.cmpi ne, %rem3A_2886, %ne3A_2887 : i32
        %and3A_2889 = arith.andi %ne3A_2885, %ne3A_2888 : i1
        %sub3A_2890 = arith.constant 1 : i32
        %sub3A_2891 = arith.subi %div3A_2870, %sub3A_2890 : i32
        %select_n3A_2892 = arith.select %and3A_2889, %sub3A_2891, %div3A_2870 : i32
        %jit3A_2893 = arith.constant 2 : i32
        %eq3A_2894 = arith.constant 0 : i32
        %eq3A_2895 = arith.cmpi eq, %jit3A_2893, %eq3A_2894 : i32
        %jit3A_2896 = arith.constant 1 : i32
        %select_n3A_2897 = arith.select %eq3A_2895, %jit3A_2896, %jit3A_2893 : i32
        %rem3A_2898 = arith.remsi %add3A_450, %select_n3A_2897 : i32
        %ne3A_2899 = arith.constant 0 : i32
        %ne3A_2900 = arith.cmpi ne, %rem3A_2898, %ne3A_2899 : i32
        %lt3A_2901 = arith.constant 0 : i32
        %lt3A_2902 = arith.cmpi slt, %rem3A_2898, %lt3A_2901 : i32
        %lt3A_2903 = arith.constant 0 : i32
        %lt3A_2904 = arith.cmpi slt, %select_n3A_2897, %lt3A_2903 : i32
        %ne3A_2905 = arith.xori %lt3A_2902, %lt3A_2904 : i1
        %and3A_2906 = arith.andi %ne3A_2905, %ne3A_2900 : i1
        %add3A_2907 = arith.addi %rem3A_2898, %select_n3A_2897 : i32
        %select_n3A_2908 = arith.select %and3A_2906, %add3A_2907, %rem3A_2898 : i32
        %jit3A_2909 = arith.constant 384 : i32
        %div3A_2910 = arith.divsi %add3A_468, %jit3A_2909 : i32
        %sign3A_2911 = arith.constant 0 : i32
        %sign3A_2912 = arith.cmpi sgt, %add3A_468, %sign3A_2911 : i32
        %sign3A_2913 = arith.extui %sign3A_2912 : i1 to i32
        %sign3A_2914 = arith.constant 0 : i32
        %sign3A_2915 = arith.cmpi slt, %add3A_468, %sign3A_2914 : i32
        %sign3A_2916 = arith.extui %sign3A_2915 : i1 to i32
        %sign3A_2917 = arith.subi %sign3A_2913, %sign3A_2916 : i32
        %sign3A_2918 = arith.constant 0 : i32
        %sign3A_2919 = arith.cmpi sgt, %jit3A_2909, %sign3A_2918 : i32
        %sign3A_2920 = arith.extui %sign3A_2919 : i1 to i32
        %sign3A_2921 = arith.constant 0 : i32
        %sign3A_2922 = arith.cmpi slt, %jit3A_2909, %sign3A_2921 : i32
        %sign3A_2923 = arith.extui %sign3A_2922 : i1 to i32
        %sign3A_2924 = arith.subi %sign3A_2920, %sign3A_2923 : i32
        %ne3A_2925 = arith.cmpi ne, %sign3A_2917, %sign3A_2924 : i32
        %rem3A_2926 = arith.remsi %add3A_468, %jit3A_2909 : i32
        %ne3A_2927 = arith.constant 0 : i32
        %ne3A_2928 = arith.cmpi ne, %rem3A_2926, %ne3A_2927 : i32
        %and3A_2929 = arith.andi %ne3A_2925, %ne3A_2928 : i1
        %sub3A_2930 = arith.constant 1 : i32
        %sub3A_2931 = arith.subi %div3A_2910, %sub3A_2930 : i32
        %select_n3A_2932 = arith.select %and3A_2929, %sub3A_2931, %div3A_2910 : i32
        %jit3A_2933 = arith.constant 4 : i32
        %div3A_2934 = arith.divsi %add3A_468, %jit3A_2933 : i32
        %sign3A_2935 = arith.constant 0 : i32
        %sign3A_2936 = arith.cmpi sgt, %add3A_468, %sign3A_2935 : i32
        %sign3A_2937 = arith.extui %sign3A_2936 : i1 to i32
        %sign3A_2938 = arith.constant 0 : i32
        %sign3A_2939 = arith.cmpi slt, %add3A_468, %sign3A_2938 : i32
        %sign3A_2940 = arith.extui %sign3A_2939 : i1 to i32
        %sign3A_2941 = arith.subi %sign3A_2937, %sign3A_2940 : i32
        %sign3A_2942 = arith.constant 0 : i32
        %sign3A_2943 = arith.cmpi sgt, %jit3A_2933, %sign3A_2942 : i32
        %sign3A_2944 = arith.extui %sign3A_2943 : i1 to i32
        %sign3A_2945 = arith.constant 0 : i32
        %sign3A_2946 = arith.cmpi slt, %jit3A_2933, %sign3A_2945 : i32
        %sign3A_2947 = arith.extui %sign3A_2946 : i1 to i32
        %sign3A_2948 = arith.subi %sign3A_2944, %sign3A_2947 : i32
        %ne3A_2949 = arith.cmpi ne, %sign3A_2941, %sign3A_2948 : i32
        %rem3A_2950 = arith.remsi %add3A_468, %jit3A_2933 : i32
        %ne3A_2951 = arith.constant 0 : i32
        %ne3A_2952 = arith.cmpi ne, %rem3A_2950, %ne3A_2951 : i32
        %and3A_2953 = arith.andi %ne3A_2949, %ne3A_2952 : i1
        %sub3A_2954 = arith.constant 1 : i32
        %sub3A_2955 = arith.subi %div3A_2934, %sub3A_2954 : i32
        %select_n3A_2956 = arith.select %and3A_2953, %sub3A_2955, %div3A_2934 : i32
        %jit3A_2957 = arith.constant 96 : i32
        %eq3A_2958 = arith.constant 0 : i32
        %eq3A_2959 = arith.cmpi eq, %jit3A_2957, %eq3A_2958 : i32
        %jit3A_2960 = arith.constant 1 : i32
        %select_n3A_2961 = arith.select %eq3A_2959, %jit3A_2960, %jit3A_2957 : i32
        %rem3A_2962 = arith.remsi %select_n3A_2956, %select_n3A_2961 : i32
        %ne3A_2963 = arith.constant 0 : i32
        %ne3A_2964 = arith.cmpi ne, %rem3A_2962, %ne3A_2963 : i32
        %lt3A_2965 = arith.constant 0 : i32
        %lt3A_2966 = arith.cmpi slt, %rem3A_2962, %lt3A_2965 : i32
        %lt3A_2967 = arith.constant 0 : i32
        %lt3A_2968 = arith.cmpi slt, %select_n3A_2961, %lt3A_2967 : i32
        %ne3A_2969 = arith.xori %lt3A_2966, %lt3A_2968 : i1
        %and3A_2970 = arith.andi %ne3A_2969, %ne3A_2964 : i1
        %add3A_2971 = arith.addi %rem3A_2962, %select_n3A_2961 : i32
        %select_n3A_2972 = arith.select %and3A_2970, %add3A_2971, %rem3A_2962 : i32
        %jit3A_2973 = arith.constant 4 : i32
        %eq3A_2974 = arith.constant 0 : i32
        %eq3A_2975 = arith.cmpi eq, %jit3A_2973, %eq3A_2974 : i32
        %jit3A_2976 = arith.constant 1 : i32
        %select_n3A_2977 = arith.select %eq3A_2975, %jit3A_2976, %jit3A_2973 : i32
        %rem3A_2978 = arith.remsi %add3A_468, %select_n3A_2977 : i32
        %ne3A_2979 = arith.constant 0 : i32
        %ne3A_2980 = arith.cmpi ne, %rem3A_2978, %ne3A_2979 : i32
        %lt3A_2981 = arith.constant 0 : i32
        %lt3A_2982 = arith.cmpi slt, %rem3A_2978, %lt3A_2981 : i32
        %lt3A_2983 = arith.constant 0 : i32
        %lt3A_2984 = arith.cmpi slt, %select_n3A_2977, %lt3A_2983 : i32
        %ne3A_2985 = arith.xori %lt3A_2982, %lt3A_2984 : i1
        %and3A_2986 = arith.andi %ne3A_2985, %ne3A_2980 : i1
        %add3A_2987 = arith.addi %rem3A_2978, %select_n3A_2977 : i32
        %select_n3A_2988 = arith.select %and3A_2986, %add3A_2987, %rem3A_2978 : i32
        %jit3A_2989 = arith.constant 2 : i32
        %div3A_2990 = arith.divsi %select_n3A_2988, %jit3A_2989 : i32
        %sign3A_2991 = arith.constant 0 : i32
        %sign3A_2992 = arith.cmpi sgt, %select_n3A_2988, %sign3A_2991 : i32
        %sign3A_2993 = arith.extui %sign3A_2992 : i1 to i32
        %sign3A_2994 = arith.constant 0 : i32
        %sign3A_2995 = arith.cmpi slt, %select_n3A_2988, %sign3A_2994 : i32
        %sign3A_2996 = arith.extui %sign3A_2995 : i1 to i32
        %sign3A_2997 = arith.subi %sign3A_2993, %sign3A_2996 : i32
        %sign3A_2998 = arith.constant 0 : i32
        %sign3A_2999 = arith.cmpi sgt, %jit3A_2989, %sign3A_2998 : i32
        %sign3A_3000 = arith.extui %sign3A_2999 : i1 to i32
        %sign3A_3001 = arith.constant 0 : i32
        %sign3A_3002 = arith.cmpi slt, %jit3A_2989, %sign3A_3001 : i32
        %sign3A_3003 = arith.extui %sign3A_3002 : i1 to i32
        %sign3A_3004 = arith.subi %sign3A_3000, %sign3A_3003 : i32
        %ne3A_3005 = arith.cmpi ne, %sign3A_2997, %sign3A_3004 : i32
        %rem3A_3006 = arith.remsi %select_n3A_2988, %jit3A_2989 : i32
        %ne3A_3007 = arith.constant 0 : i32
        %ne3A_3008 = arith.cmpi ne, %rem3A_3006, %ne3A_3007 : i32
        %and3A_3009 = arith.andi %ne3A_3005, %ne3A_3008 : i1
        %sub3A_3010 = arith.constant 1 : i32
        %sub3A_3011 = arith.subi %div3A_2990, %sub3A_3010 : i32
        %select_n3A_3012 = arith.select %and3A_3009, %sub3A_3011, %div3A_2990 : i32
        %jit3A_3013 = arith.constant 2 : i32
        %eq3A_3014 = arith.constant 0 : i32
        %eq3A_3015 = arith.cmpi eq, %jit3A_3013, %eq3A_3014 : i32
        %jit3A_3016 = arith.constant 1 : i32
        %select_n3A_3017 = arith.select %eq3A_3015, %jit3A_3016, %jit3A_3013 : i32
        %rem3A_3018 = arith.remsi %add3A_468, %select_n3A_3017 : i32
        %ne3A_3019 = arith.constant 0 : i32
        %ne3A_3020 = arith.cmpi ne, %rem3A_3018, %ne3A_3019 : i32
        %lt3A_3021 = arith.constant 0 : i32
        %lt3A_3022 = arith.cmpi slt, %rem3A_3018, %lt3A_3021 : i32
        %lt3A_3023 = arith.constant 0 : i32
        %lt3A_3024 = arith.cmpi slt, %select_n3A_3017, %lt3A_3023 : i32
        %ne3A_3025 = arith.xori %lt3A_3022, %lt3A_3024 : i1
        %and3A_3026 = arith.andi %ne3A_3025, %ne3A_3020 : i1
        %add3A_3027 = arith.addi %rem3A_3018, %select_n3A_3017 : i32
        %select_n3A_3028 = arith.select %and3A_3026, %add3A_3027, %rem3A_3018 : i32
        %ne3A_3029 = arith.cmpi ne, %select_n3A_2812, %select_n3A_2932 : i32
        %ne3A_3030 = arith.cmpi ne, %select_n3A_2852, %select_n3A_2972 : i32
        %ne3A_3031 = arith.cmpi ne, %select_n3A_2892, %select_n3A_3012 : i32
        %ne3A_3032 = arith.cmpi ne, %select_n3A_2908, %select_n3A_3028 : i32
        %or3A_3033 = arith.constant false
        %or3A_3034 = arith.ori %or3A_3033, %ne3A_3029 : i1
        %or3A_3035 = arith.ori %or3A_3034, %ne3A_3030 : i1
        %or3A_3036 = arith.ori %or3A_3035, %ne3A_3031 : i1
        %or3A_3037 = arith.ori %or3A_3036, %ne3A_3032 : i1
        %or3A_3038 = arith.ori %or3A_3037, %eq3A_449 : i1
        %add3A_3039 = arith.constant 1 : i32
        %add3A_3040 = arith.addi %scan3A_440, %add3A_3039 : i32
        %select_n3A_3041 = arith.select %or3A_3038, %add3A_3040, %scan3A_440 : i32
        %jit3A_3042 = arith.constant 4 : i32
        %div3A_3043 = arith.divsi %add3A_450, %jit3A_3042 : i32
        %sign3A_3044 = arith.constant 0 : i32
        %sign3A_3045 = arith.cmpi sgt, %add3A_450, %sign3A_3044 : i32
        %sign3A_3046 = arith.extui %sign3A_3045 : i1 to i32
        %sign3A_3047 = arith.constant 0 : i32
        %sign3A_3048 = arith.cmpi slt, %add3A_450, %sign3A_3047 : i32
        %sign3A_3049 = arith.extui %sign3A_3048 : i1 to i32
        %sign3A_3050 = arith.subi %sign3A_3046, %sign3A_3049 : i32
        %sign3A_3051 = arith.constant 0 : i32
        %sign3A_3052 = arith.cmpi sgt, %jit3A_3042, %sign3A_3051 : i32
        %sign3A_3053 = arith.extui %sign3A_3052 : i1 to i32
        %sign3A_3054 = arith.constant 0 : i32
        %sign3A_3055 = arith.cmpi slt, %jit3A_3042, %sign3A_3054 : i32
        %sign3A_3056 = arith.extui %sign3A_3055 : i1 to i32
        %sign3A_3057 = arith.subi %sign3A_3053, %sign3A_3056 : i32
        %ne3A_3058 = arith.cmpi ne, %sign3A_3050, %sign3A_3057 : i32
        %rem3A_3059 = arith.remsi %add3A_450, %jit3A_3042 : i32
        %ne3A_3060 = arith.constant 0 : i32
        %ne3A_3061 = arith.cmpi ne, %rem3A_3059, %ne3A_3060 : i32
        %and3A_3062 = arith.andi %ne3A_3058, %ne3A_3061 : i1
        %sub3A_3063 = arith.constant 1 : i32
        %sub3A_3064 = arith.subi %div3A_3043, %sub3A_3063 : i32
        %select_n3A_3065 = arith.select %and3A_3062, %sub3A_3064, %div3A_3043 : i32
        %jit3A_3066 = arith.constant 4 : i32
        %div3A_3067 = arith.divsi %add3A_468, %jit3A_3066 : i32
        %sign3A_3068 = arith.constant 0 : i32
        %sign3A_3069 = arith.cmpi sgt, %add3A_468, %sign3A_3068 : i32
        %sign3A_3070 = arith.extui %sign3A_3069 : i1 to i32
        %sign3A_3071 = arith.constant 0 : i32
        %sign3A_3072 = arith.cmpi slt, %add3A_468, %sign3A_3071 : i32
        %sign3A_3073 = arith.extui %sign3A_3072 : i1 to i32
        %sign3A_3074 = arith.subi %sign3A_3070, %sign3A_3073 : i32
        %sign3A_3075 = arith.constant 0 : i32
        %sign3A_3076 = arith.cmpi sgt, %jit3A_3066, %sign3A_3075 : i32
        %sign3A_3077 = arith.extui %sign3A_3076 : i1 to i32
        %sign3A_3078 = arith.constant 0 : i32
        %sign3A_3079 = arith.cmpi slt, %jit3A_3066, %sign3A_3078 : i32
        %sign3A_3080 = arith.extui %sign3A_3079 : i1 to i32
        %sign3A_3081 = arith.subi %sign3A_3077, %sign3A_3080 : i32
        %ne3A_3082 = arith.cmpi ne, %sign3A_3074, %sign3A_3081 : i32
        %rem3A_3083 = arith.remsi %add3A_468, %jit3A_3066 : i32
        %ne3A_3084 = arith.constant 0 : i32
        %ne3A_3085 = arith.cmpi ne, %rem3A_3083, %ne3A_3084 : i32
        %and3A_3086 = arith.andi %ne3A_3082, %ne3A_3085 : i1
        %sub3A_3087 = arith.constant 1 : i32
        %sub3A_3088 = arith.subi %div3A_3067, %sub3A_3087 : i32
        %select_n3A_3089 = arith.select %and3A_3086, %sub3A_3088, %div3A_3067 : i32
        %ne3A_3090 = arith.cmpi ne, %select_n3A_3065, %select_n3A_3089 : i32
        %or3A_3091 = arith.constant false
        %or3A_3092 = arith.ori %or3A_3091, %ne3A_3090 : i1
        %or3A_3093 = arith.constant false
        %or3A_3094 = arith.ori %or3A_3092, %or3A_3093 : i1
        %or3A_3095 = arith.ori %or3A_3094, %eq3A_449 : i1
        %add3A_3096 = arith.constant 1 : i32
        %add3A_3097 = arith.addi %scan3A_442, %add3A_3096 : i32
        %select_n3A_3098 = arith.select %or3A_3095, %add3A_3097, %scan3A_442 : i32
        %add3A_3099 = arith.constant 1 : i32
        %add3A_3100 = arith.addi %scan3A_445, %add3A_3099 : i32
        %select_n3A_3101 = arith.constant true
        %select_n3A_3102 = arith.select %select_n3A_3101, %add3A_3100, %scan3A_445 : i32
        %eq3A_3103 = arith.constant 96 : i32
        %eq3A_3104 = arith.cmpi eq, %select_n3A_3102, %eq3A_3103 : i32
        %select_n3A_3105 = arith.constant 0 : i32
        %select_n3A_3106 = arith.select %eq3A_3104, %select_n3A_3105, %select_n3A_3102 : i32
        scf.yield %select_n3A_734, %select_n3A_3041, %select_n3A_800, %select_n3A_3098, %select_n3A_2210, %select_n3A_2788, %select_n3A_3106 : i32, i32, i32, i32, i32, i32, i32
      }
      %scan3A_248 = arith.constant 96 : i32
      %sub3A_249 = arith.constant 1 : i32
      %sub3A_250 = arith.subi %scan3A_247#6, %sub3A_249 : i32
      %select_n3A_251 = arith.constant true
      %select_n3A_252 = arith.select %select_n3A_251, %sub3A_250, %scan3A_247#6 : i32
      %eq3A_253 = arith.constant -1 : i32
      %eq3A_254 = arith.cmpi eq, %select_n3A_252, %eq3A_253 : i32
      %select_n3A_255 = arith.constant 95 : i32
      %select_n3A_256 = arith.select %eq3A_254, %select_n3A_255, %select_n3A_252 : i32
      %add3A_257 = arith.addi %select_n3A_256, %mul3A_6 : i32
      %sub3A_258 = arith.constant 1 : i32
      %sub3A_259 = arith.subi %select_n3A_256, %sub3A_258 : i32
      %select_n3A_260 = arith.constant true
      %select_n3A_261 = arith.select %select_n3A_260, %sub3A_259, %select_n3A_256 : i32
      %eq3A_262 = arith.constant -1 : i32
      %eq3A_263 = arith.cmpi eq, %select_n3A_261, %eq3A_262 : i32
      %select_n3A_264 = arith.constant 95 : i32
      %select_n3A_265 = arith.select %eq3A_263, %select_n3A_264, %select_n3A_261 : i32
      %add3A_266 = arith.addi %select_n3A_265, %mul3A_6 : i32
      %add3A_267 = arith.constant 1 : i32
      %add3A_268 = arith.addi %select_n3A_256, %add3A_267 : i32
      %select_n3A_269 = arith.constant true
      %select_n3A_270 = arith.select %select_n3A_269, %add3A_268, %select_n3A_256 : i32
      %eq3A_271 = arith.constant 96 : i32
      %eq3A_272 = arith.cmpi eq, %select_n3A_270, %eq3A_271 : i32
      %select_n3A_273 = arith.constant 0 : i32
      %select_n3A_274 = arith.select %eq3A_272, %select_n3A_273, %select_n3A_270 : i32
      %add3A_275 = arith.addi %select_n3A_274, %mul3A_6 : i32
      %add3A_276 = arith.constant 1 : i32
      %add3A_277 = arith.addi %select_n3A_274, %add3A_276 : i32
      %select_n3A_278 = arith.constant true
      %select_n3A_279 = arith.select %select_n3A_278, %add3A_277, %select_n3A_274 : i32
      %eq3A_280 = arith.constant 96 : i32
      %eq3A_281 = arith.cmpi eq, %select_n3A_279, %eq3A_280 : i32
      %select_n3A_282 = arith.constant 0 : i32
      %select_n3A_283 = arith.select %eq3A_281, %select_n3A_282, %select_n3A_279 : i32
      %add3A_284 = arith.addi %select_n3A_283, %mul3A_6 : i32
      "tpu.trace_start"() <{level = 10 : i32, message = "ep_finalize"}> : () -> ()
      %rem3A_285 = arith.constant 2 : i32
      %rem3A_286 = arith.remui %scan3A_247#5, %rem3A_285 : i32
      %jit3A_287 = arith.constant 384 : i32
      %div3A_288 = arith.divsi %add3A_257, %jit3A_287 : i32
      %sign3A_289 = arith.constant 0 : i32
      %sign3A_290 = arith.cmpi sgt, %add3A_257, %sign3A_289 : i32
      %sign3A_291 = arith.extui %sign3A_290 : i1 to i32
      %sign3A_292 = arith.constant 0 : i32
      %sign3A_293 = arith.cmpi slt, %add3A_257, %sign3A_292 : i32
      %sign3A_294 = arith.extui %sign3A_293 : i1 to i32
      %sign3A_295 = arith.subi %sign3A_291, %sign3A_294 : i32
      %sign3A_296 = arith.constant 0 : i32
      %sign3A_297 = arith.cmpi sgt, %jit3A_287, %sign3A_296 : i32
      %sign3A_298 = arith.extui %sign3A_297 : i1 to i32
      %sign3A_299 = arith.constant 0 : i32
      %sign3A_300 = arith.cmpi slt, %jit3A_287, %sign3A_299 : i32
      %sign3A_301 = arith.extui %sign3A_300 : i1 to i32
      %sign3A_302 = arith.subi %sign3A_298, %sign3A_301 : i32
      %ne3A_303 = arith.cmpi ne, %sign3A_295, %sign3A_302 : i32
      %rem3A_304 = arith.remsi %add3A_257, %jit3A_287 : i32
      %ne3A_305 = arith.constant 0 : i32
      %ne3A_306 = arith.cmpi ne, %rem3A_304, %ne3A_305 : i32
      %and3A_307 = arith.andi %ne3A_303, %ne3A_306 : i1
      %sub3A_308 = arith.constant 1 : i32
      %sub3A_309 = arith.subi %div3A_288, %sub3A_308 : i32
      %select_n3A_310 = arith.select %and3A_307, %sub3A_309, %div3A_288 : i32
      %jit3A_311 = arith.constant 4 : i32
      %div3A_312 = arith.divsi %add3A_257, %jit3A_311 : i32
      %sign3A_313 = arith.constant 0 : i32
      %sign3A_314 = arith.cmpi sgt, %add3A_257, %sign3A_313 : i32
      %sign3A_315 = arith.extui %sign3A_314 : i1 to i32
      %sign3A_316 = arith.constant 0 : i32
      %sign3A_317 = arith.cmpi slt, %add3A_257, %sign3A_316 : i32
      %sign3A_318 = arith.extui %sign3A_317 : i1 to i32
      %sign3A_319 = arith.subi %sign3A_315, %sign3A_318 : i32
      %sign3A_320 = arith.constant 0 : i32
      %sign3A_321 = arith.cmpi sgt, %jit3A_311, %sign3A_320 : i32
      %sign3A_322 = arith.extui %sign3A_321 : i1 to i32
      %sign3A_323 = arith.constant 0 : i32
      %sign3A_324 = arith.cmpi slt, %jit3A_311, %sign3A_323 : i32
      %sign3A_325 = arith.extui %sign3A_324 : i1 to i32
      %sign3A_326 = arith.subi %sign3A_322, %sign3A_325 : i32
      %ne3A_327 = arith.cmpi ne, %sign3A_319, %sign3A_326 : i32
      %rem3A_328 = arith.remsi %add3A_257, %jit3A_311 : i32
      %ne3A_329 = arith.constant 0 : i32
      %ne3A_330 = arith.cmpi ne, %rem3A_328, %ne3A_329 : i32
      %and3A_331 = arith.andi %ne3A_327, %ne3A_330 : i1
      %sub3A_332 = arith.constant 1 : i32
      %sub3A_333 = arith.subi %div3A_312, %sub3A_332 : i32
      %select_n3A_334 = arith.select %and3A_331, %sub3A_333, %div3A_312 : i32
      %jit3A_335 = arith.constant 96 : i32
      %eq3A_336 = arith.constant 0 : i32
      %eq3A_337 = arith.cmpi eq, %jit3A_335, %eq3A_336 : i32
      %jit3A_338 = arith.constant 1 : i32
      %select_n3A_339 = arith.select %eq3A_337, %jit3A_338, %jit3A_335 : i32
      %rem3A_340 = arith.remsi %select_n3A_334, %select_n3A_339 : i32
      %ne3A_341 = arith.constant 0 : i32
      %ne3A_342 = arith.cmpi ne, %rem3A_340, %ne3A_341 : i32
      %lt3A_343 = arith.constant 0 : i32
      %lt3A_344 = arith.cmpi slt, %rem3A_340, %lt3A_343 : i32
      %lt3A_345 = arith.constant 0 : i32
      %lt3A_346 = arith.cmpi slt, %select_n3A_339, %lt3A_345 : i32
      %ne3A_347 = arith.xori %lt3A_344, %lt3A_346 : i1
      %and3A_348 = arith.andi %ne3A_347, %ne3A_342 : i1
      %add3A_349 = arith.addi %rem3A_340, %select_n3A_339 : i32
      %select_n3A_350 = arith.select %and3A_348, %add3A_349, %rem3A_340 : i32
      %jit3A_351 = arith.constant 4 : i32
      %eq3A_352 = arith.constant 0 : i32
      %eq3A_353 = arith.cmpi eq, %jit3A_351, %eq3A_352 : i32
      %jit3A_354 = arith.constant 1 : i32
      %select_n3A_355 = arith.select %eq3A_353, %jit3A_354, %jit3A_351 : i32
      %rem3A_356 = arith.remsi %add3A_257, %select_n3A_355 : i32
      %ne3A_357 = arith.constant 0 : i32
      %ne3A_358 = arith.cmpi ne, %rem3A_356, %ne3A_357 : i32
      %lt3A_359 = arith.constant 0 : i32
      %lt3A_360 = arith.cmpi slt, %rem3A_356, %lt3A_359 : i32
      %lt3A_361 = arith.constant 0 : i32
      %lt3A_362 = arith.cmpi slt, %select_n3A_355, %lt3A_361 : i32
      %ne3A_363 = arith.xori %lt3A_360, %lt3A_362 : i1
      %and3A_364 = arith.andi %ne3A_363, %ne3A_358 : i1
      %add3A_365 = arith.addi %rem3A_356, %select_n3A_355 : i32
      %select_n3A_366 = arith.select %and3A_364, %add3A_365, %rem3A_356 : i32
      %jit3A_367 = arith.constant 2 : i32
      %div3A_368 = arith.divsi %select_n3A_366, %jit3A_367 : i32
      %sign3A_369 = arith.constant 0 : i32
      %sign3A_370 = arith.cmpi sgt, %select_n3A_366, %sign3A_369 : i32
      %sign3A_371 = arith.extui %sign3A_370 : i1 to i32
      %sign3A_372 = arith.constant 0 : i32
      %sign3A_373 = arith.cmpi slt, %select_n3A_366, %sign3A_372 : i32
      %sign3A_374 = arith.extui %sign3A_373 : i1 to i32
      %sign3A_375 = arith.subi %sign3A_371, %sign3A_374 : i32
      %sign3A_376 = arith.constant 0 : i32
      %sign3A_377 = arith.cmpi sgt, %jit3A_367, %sign3A_376 : i32
      %sign3A_378 = arith.extui %sign3A_377 : i1 to i32
      %sign3A_379 = arith.constant 0 : i32
      %sign3A_380 = arith.cmpi slt, %jit3A_367, %sign3A_379 : i32
      %sign3A_381 = arith.extui %sign3A_380 : i1 to i32
      %sign3A_382 = arith.subi %sign3A_378, %sign3A_381 : i32
      %ne3A_383 = arith.cmpi ne, %sign3A_375, %sign3A_382 : i32
      %rem3A_384 = arith.remsi %select_n3A_366, %jit3A_367 : i32
      %ne3A_385 = arith.constant 0 : i32
      %ne3A_386 = arith.cmpi ne, %rem3A_384, %ne3A_385 : i32
      %and3A_387 = arith.andi %ne3A_383, %ne3A_386 : i1
      %sub3A_388 = arith.constant 1 : i32
      %sub3A_389 = arith.subi %div3A_368, %sub3A_388 : i32
      %select_n3A_390 = arith.select %and3A_387, %sub3A_389, %div3A_368 : i32
      %jit3A_391 = arith.constant 2 : i32
      %eq3A_392 = arith.constant 0 : i32
      %eq3A_393 = arith.cmpi eq, %jit3A_391, %eq3A_392 : i32
      %jit3A_394 = arith.constant 1 : i32
      %select_n3A_395 = arith.select %eq3A_393, %jit3A_394, %jit3A_391 : i32
      %rem3A_396 = arith.remsi %add3A_257, %select_n3A_395 : i32
      %ne3A_397 = arith.constant 0 : i32
      %ne3A_398 = arith.cmpi ne, %rem3A_396, %ne3A_397 : i32
      %lt3A_399 = arith.constant 0 : i32
      %lt3A_400 = arith.cmpi slt, %rem3A_396, %lt3A_399 : i32
      %lt3A_401 = arith.constant 0 : i32
      %lt3A_402 = arith.cmpi slt, %select_n3A_395, %lt3A_401 : i32
      %ne3A_403 = arith.xori %lt3A_400, %lt3A_402 : i1
      %and3A_404 = arith.andi %ne3A_403, %ne3A_398 : i1
      %add3A_405 = arith.addi %rem3A_396, %select_n3A_395 : i32
      %select_n3A_406 = arith.select %and3A_404, %add3A_405, %rem3A_396 : i32
      %mul3A_407 = arith.constant 1 : i32
      %mul3A_408 = arith.muli %mul3A_407, %select_n3A_310 : i32
      %mul3A_409 = arith.constant 1 : i32
      %mul3A_410 = arith.muli %mul3A_409, %select_n3A_350 : i32
      %mul3A_411 = arith.constant 112 : i32
      %mul3A_412 = arith.muli %mul3A_411, %select_n3A_390 : i32
      %mul3A_413 = arith.constant 128 : i32
      %mul3A_414 = arith.muli %mul3A_413, %select_n3A_406 : i32
      %eq3A_415 = arith.constant 1 : i32
      %eq3A_416 = arith.cmpi eq, %select_n3A_406, %eq3A_415 : i32
      %jit3A_417 = arith.constant 128 : i32
      %jit3A_418 = arith.constant 128 : i32
      %select_n3A_419 = arith.select %eq3A_416, %jit3A_417, %jit3A_418 : i32
      %multiple_of3A_420 = tpu.assume_multiple %select_n3A_419, 128 : i32
      %mul3A_421 = arith.constant 128 : i32
      %mul3A_422 = arith.muli %select_n3A_406, %mul3A_421 : i32
      %dma_wait3A = arith.constant 0 : i32
      %dma_wait3A_423 = arith.constant 0 : i32
      %dma_wait3A_424 = arith.constant 0 : i32
      %dma_wait3A_425 = arith.constant 0 : i32
      %dma_wait3A_426 = tpu.memref_slice %run_scoped3A_10[%rem3A_286, %dma_wait3A, %dma_wait3A_423, %dma_wait3A_424, %dma_wait3A_425] <%multiple_of3A_420> : memref<2x1x1x112x128xf32, #tpu.memory_space<vmem>> -> memref<1x1x1x112x?xf32, #tpu.memory_space<vmem>>
      %dma_wait3A_427 = tpu.memref_squeeze %dma_wait3A_426 : memref<1x1x1x112x?xf32, #tpu.memory_space<vmem>> -> memref<1x1x112x?xf32, #tpu.memory_space<vmem>>
      %dma_wait3A_428 = tpu.memref_slice %arg6[%mul3A_408, %mul3A_410, %mul3A_412, %mul3A_422] <%multiple_of3A_420> : memref<8x96x224x224xf32, #tpu.memory_space<hbm>> -> memref<1x1x112x?xf32, #tpu.memory_space<hbm>>
      %dma_wait3A_429 = tpu.memref_slice %run_scoped3A_11[%rem3A_286] : memref<2x!tpu.dma_semaphore, #tpu.memory_space<semaphore_mem>> -> memref<1x!tpu.dma_semaphore, #tpu.memory_space<semaphore_mem>>
      %dma_wait3A_430 = tpu.memref_squeeze %dma_wait3A_429 : memref<1x!tpu.dma_semaphore, #tpu.memory_space<semaphore_mem>> -> memref<!tpu.dma_semaphore, #tpu.memory_space<semaphore_mem>>
      %dma_wait3A_431 = tpu.memref_slice %arg6[%mul3A_408, %mul3A_410, %mul3A_412, %mul3A_422] <%multiple_of3A_420> : memref<8x96x224x224xf32, #tpu.memory_space<hbm>> -> memref<1x1x112x?xf32, #tpu.memory_space<hbm>>
      %dma_wait3A_432 = arith.constant 0 : i32
      %dma_wait3A_433 = arith.constant 0 : i32
      %dma_wait3A_434 = arith.constant 0 : i32
      %dma_wait3A_435 = arith.constant 0 : i32
      %dma_wait3A_436 = tpu.memref_slice %run_scoped3A_10[%rem3A_286, %dma_wait3A_432, %dma_wait3A_433, %dma_wait3A_434, %dma_wait3A_435] <%multiple_of3A_420> : memref<2x1x1x112x128xf32, #tpu.memory_space<vmem>> -> memref<1x1x1x112x?xf32, #tpu.memory_space<vmem>>
      %dma_wait3A_437 = tpu.memref_squeeze %dma_wait3A_436 : memref<1x1x1x112x?xf32, #tpu.memory_space<vmem>> -> memref<1x1x112x?xf32, #tpu.memory_space<vmem>>
      tpu.wait_dma2 semaphore(%dma_wait3A_430 : memref<!tpu.dma_semaphore, #tpu.memory_space<semaphore_mem>>) src(%dma_wait3A_437 : memref<1x1x112x?xf32, #tpu.memory_space<vmem>>) dst(%dma_wait3A_431 : memref<1x1x112x?xf32, #tpu.memory_space<hbm>>)
      "tpu.trace_stop"() : () -> ()
      tpu.yield
    }) : () -> ()
    return
  }
}

</mosaic_0001>

<sc_bundles>
// kernel: kernel.3.cloned.1.call-start
scs
__scs_entry_jumppad:
0x0: {  	(pc) =	sbr.rel $0x88, $3  }
0x1: {  	(tag) =	ssettag $0x0;
	lr =	simm.s32 $0x1  }
0x2: {  	[smem:$0x3F9F] =	sst lr;
	_ =	strace $0xD0000000  }
0x3: {  	_ = 	snop  }
0x4: {  	_ = 	snop  }
0x5: {  	_ = 	snop  }
0x6: {  	_ = 	snop  }
0x7: {  	_ = 	snop  }
__scs_overlays_trampoline_lowered:
0x8: {  	[smem:$0x3FAE] =	sst s0  }
0x9: {  	[smem:$0x3FAF] =	sst s1  }
0xa: {  	[smem:$0x3FB0] =	sst s2  }
0xb: {  	[smem:$0x3FB1] =	sst s3  }
0xc: {  	[smem:$0x3FB2] =	sst s4  }
0xd: {  	[smem:$0x3FB3] =	sst s5  }
0xe: {  	[smem:$0x3FB4] =	sst s6  }
0xf: {  	[smem:$0x3FB5] =	sst s7  }
0x10: {  	[smem:$0x3FB6] =	sst s8  }
0x11: {  	[smem:$0x3FB7] =	sst s9;
	s0 =	simm.s32 @!p0 $0x0  }
0x12: {  	s1 =	sld [smem:$0x3F9D];
	s0 =	simm.s32 @p0 $0x1  }
0x13: {  	[smem:$0x3FB8] =	sst s0;
	s0 =	simm.s32 @!p1 $0x0  }
0x14: {  	s2 =	sld [smem:$0x3F9C];
	s0 =	simm.s32 @p1 $0x1  }
0x15: {  	[smem:$0x3FB9] =	sst s0;
	s0 =	simm.s32 @!p2 $0x0  }
0x16: {  	s3 =	sld [smem:$0x3FDB];
	s0 =	simm.s32 @p2 $0x1  }
0x17: {  	s4 =	simm.s32 $0x1BF5;
	[smem:$0x3FBB] =	sst s0  }
0x18: {  	s0 =	sld [smem:$0x3F9E];
	_ =	swait.ge [sflag:s4], $0x0  }
0x19: {  	s7 =	sld [smem:$0x3F9F]  }
0x1a: {  	s8 =	sadd.s32 $0xFFFFE003, lr  }
0x1b: {  	s9 =	sadd.s32 $0xFFFFFEF7, lr;
	s5 =	simm.s32 $0xFFFFFFFF;
	p2 =	slt.u32 s8, $0xFFFFF086  }
0x1c: {  	p1 =	slt.u32 s9, $0xF7A;
	s5 =	simm.s32 @!p2 $0x0  }
0x1d: {  	s5 =	simm.s32 @p1 $0x1;
	p0 =	seq.s32 s7, s2  }
0x1e: {  	s7 =	smul.u32 @!p0 $0xF7A, s2;
	p2 =	seq.s32 @!p0 s5, $0x0  }
0x1f: {  	s9 =	smul.u32 $0xF7A, s1;
	s8 =	simm.s32 @!p0 $0x1BF5;
	p2 =	por !p2, p0  }
0x20: {  	[sflag:s8] =	ssyncset.s32 @!p0 $0xFFFFF086;
	s6 =	sadd.s32 @!p0 s3, s7;
	s7 =	simm.s32 @!p0 $0x108  }
0x21: {  	s3 =	sadd.s32 s3, s9;
	s6 =	sadd.s32 @!p0 $0x88, s6;
	s7 =	simm.s32 @p2 $0x1082  }
0x22: {  	[simem:s7], [sflag:s8] =	dma.local @!p0 [hbm:s6], $0xF7A  }
0x23: {  	s9 =	sor.u32 $0xD0000000, s2;
	s6 =	simm.s32 $0x108;
	_ =	swait.ge @!p0 [sflag:s8], $0x0  }
0x24: {  	s3 =	sadd.s32 $0x88, s3;
	s6 =	simm.s32 @!p1 $0x1082;
	[sflag:s4] =	ssyncset.s32 $0xFFFFF086  }
0x25: {  	[simem:s6], [sflag:s4] =	dma.local [hbm:s3], $0xF7A  }
0x26: {  	[smem:$0x3F9F] =	sst s1;
	(tag) =	ssettag s2;
	_ =	strace s9  }
0x27: {  	s1 =	sld [smem:$0x3FAF]  }
0x28: {  	s2 =	sld [smem:$0x3FB0]  }
0x29: {  	s4 =	sld [smem:$0x3FB2]  }
0x2a: {  	p0 =	seq.s32 s5, $0x0;
	s5 =	sld [smem:$0x3FB3]  }
0x2b: {  	s6 =	sld [smem:$0x3FB4]  }
0x2c: {  	s7 =	sld [smem:$0x3FB5]  }
0x2d: {  	s3 =	simm.s32 $0x108;
	s8 =	sld [smem:$0x3FB6]  }
0x2e: {  	s3 =	simm.s32 @!p0 $0x1082;
	s9 =	sld [smem:$0x3FB7]  }
0x2f: {  	lr =	sadd.s32 s0, s3;
	s0 =	sld [smem:$0x3FAE]  }
0x30: {  	s3 =	sld [smem:$0x3FB1]  }
0x31: {  	[smem:$0x3FBA] =	sst s10  }
0x32: {  	s10 =	sld [smem:$0x3FB8];
	_ =	sdelay $0x3  }
0x33: {  	p0 =	seq.s32 s10, $0x1;
	s10 =	sld [smem:$0x3FBA];
	_ =	sdelay $0x3  }
0x34: {  	[smem:$0x3FBA] =	sst s10  }
0x35: {  	s10 =	sld [smem:$0x3FB9];
	_ =	sdelay $0x3  }
0x36: {  	p1 =	seq.s32 s10, $0x1;
	s10 =	sld [smem:$0x3FBA];
	_ =	sdelay $0x3  }
0x37: {  	[smem:$0x3FBA] =	sst s10  }
0x38: {  	s10 =	sld [smem:$0x3FBB]  }
0x39: {  	_ = 	snop;
	(pc) =	sbr.ind lr, $3  }
0x3a: {  	_ = 	snop  }
0x3b: {  	_ = 	snop  }
0x3c: {  	p2 =	seq.s32 s10, $0x1;
	s10 =	sld [smem:$0x3FBA]  }
0x3d: {  	_ =	shalt  }
0x3e: {  	_ =	shalt  }
0x3f: {  	_ =	shalt  }
0x40: {  	_ =	shalt  }
0x41: {  	_ =	shalt  }
0x42: {  	_ =	shalt  }
0x43: {  	_ =	shalt  }
0x44: {  	_ =	shalt  }
0x45: {  	_ =	shalt  }
0x46: {  	_ =	shalt  }
0x47: {  	_ =	shalt  }
0x48: {  	_ =	shalt  }
0x49: {  	_ =	shalt  }
0x4a: {  	_ =	shalt  }
0x4b: {  	_ =	shalt  }
0x4c: {  	_ =	shalt  }
0x4d: {  	_ =	shalt  }
0x4e: {  	_ =	shalt  }
0x4f: {  	_ =	shalt  }
0x50: {  	_ =	shalt  }
0x51: {  	_ =	shalt  }
0x52: {  	_ =	shalt  }
0x53: {  	_ =	shalt  }
0x54: {  	_ =	shalt  }
0x55: {  	_ =	shalt  }
0x56: {  	_ =	shalt  }
0x57: {  	_ =	shalt  }
0x58: {  	_ =	shalt  }
0x59: {  	_ =	shalt  }
0x5a: {  	_ =	shalt  }
0x5b: {  	_ =	shalt  }
0x5c: {  	_ =	shalt  }
0x5d: {  	_ =	shalt  }
0x5e: {  	_ =	shalt  }
0x5f: {  	_ =	shalt  }
0x60: {  	_ =	shalt  }
0x61: {  	_ =	shalt  }
0x62: {  	_ =	shalt  }
0x63: {  	_ =	shalt  }
0x64: {  	_ =	shalt  }
0x65: {  	_ =	shalt  }
0x66: {  	_ =	shalt  }
0x67: {  	_ =	shalt  }
0x68: {  	_ =	shalt  }
0x69: {  	_ =	shalt  }
0x6a: {  	_ =	shalt  }
0x6b: {  	_ =	shalt  }
0x6c: {  	_ =	shalt  }
0x6d: {  	_ =	shalt  }
0x6e: {  	_ =	shalt  }
0x6f: {  	_ =	shalt  }
0x70: {  	_ =	shalt  }
0x71: {  	_ =	shalt  }
0x72: {  	_ =	shalt  }
0x73: {  	_ =	shalt  }
0x74: {  	_ =	shalt  }
0x75: {  	_ =	shalt  }
0x76: {  	_ =	shalt  }
0x77: {  	_ =	shalt  }
0x78: {  	_ =	shalt  }
0x79: {  	_ =	shalt  }
0x7a: {  	_ =	shalt  }
0x7b: {  	_ =	shalt  }
0x7c: {  	_ =	shalt  }
0x7d: {  	_ =	shalt  }
0x7e: {  	_ =	shalt  }
0x7f: {  	_ =	shalt  }
0x80: {  	_ =	shalt  }
0x81: {  	_ =	shalt  }
0x82: {  	_ =	shalt  }
0x83: {  	_ =	shalt  }
0x84: {  	_ =	shalt  }
0x85: {  	_ =	shalt  }
0x86: {  	_ =	shalt  }
0x87: {  	_ =	shalt  }
.Lfunc_end0:
.L_simem_size_0:
called_computation_lowered:
.L_overlay_start_0:
0x88: {  	s2 =	sld [smem:$0x3FD9]  }
0x89: {  	s3 =	sld [smem:$0x3FFE];
	_ =	sdelay $0x1  }
0x8a: {  	s1 =	srdreg.scid  }
0x8b: {  	s0 =	sand.u32 $0x1, s1  }
0x8c: {  	s17 =	sshll.u32 s0, $0xA;
	s2 =	sadd.s32 s3, s2  }
0x8d: {  	s2 =	sadd.s32 s2, s17  }
0x8e: {  	[smem:$0x3FC6] =	sst s2  }
0x8f: {  	_ = 	snop  }
0x90: {  	s2 =	sld [smem:$0x3FC9]  }
0x91: {  	s18 =	sld [smem:$0x3FC8]  }
0x92: {  	s4 =	sld [smem:$0x3FD0];
	(tm) =	ssettm $0x1  }
0x93: {  	s5 =	sld [smem:$0x3FFB];
	_ =	sdelay $0x3  }
0x94: {  	_ =	strace s5  }
0x95: {  	s5 =	sld [smem:$0x3FFC];
	_ =	sdelay $0x3  }
0x96: {  	_ =	strace s5  }
0x97: {  	s5 =	sld [smem:$0x3FFD];
	_ =	sdelay $0x3  }
0x98: {  	_ =	strace s5  }
0x99: {  	_ =	strace $0x8FFFFFFF  }
0x9a: {  	s19 =	sld [smem:$0x3FDB];
	_ =	sdelay $0x1  }
0x9b: {  	s6 =	simm.s32 $_scs_section_size  }
0x9c: {  	s7 =	simm.s32 $_size__tile_overlayer_lowered;
	s8 =	simm.s32 $_tile_overlayer_lowered  }
0x9d: {  	s22 =	simm.s32 $0x1BFF;
	s21 =	sshll.u32 s8, $0x1;
	s5 =	sadd.s32 s6, s19  }
0x9e: {  	s9 =	simm.s32 $0x0;
	s20 =	sshll.u32 s7, $0x1;
	s7 =	sadd.s32 s21, s5  }
0x9f: {  	[timem:s9], [sflag:s22] =	dma.local [hbm:s7], s20  }
0xa0: {  	_ =	swait.ge [sflag:s22], s20  }
0xa1: {  	s6 =	ssub.s32 $0x0, s20;
	[sflag:s22] =	ssyncset.done $0x0  }
0xa2: {  	[sflag:s22] =	ssyncadd.s32 s6;
	_ =	sdelay $0x1  }
0xa3: {  	s23 =	simm.s32 $0x1B8B  }
0xa4: {  	_ =	swait.ge [sflag:s23], $0x1  }
0xa5: {  	[sflag:s23] =	ssyncset.done $0x0  }
0xa6: {  	s25 =	simm.s32 $0x1B8E;
	s24 =	sld [smem:$0x3FFE];
	[sflag:s23] =	ssyncadd.s32 $0xFFFFFFFF  }
0xa7: {  	s26 =	simm.s32 $execute0_lowered;
	[smem:$0x3FD2] =	sst s25  }
0xa8: {  	s7 =	sshll.u32 s26, $0x1;
	_ =	strace $0x80000046;
	[dreg:$0x1] =	wrdreg $0xFFFFFFFF  }
0xa9: {  	s28 =	simm.s32 $_size_execute0_lowered;
	s5 =	sadd.s32 s5, s7;
	[dreg:$0x0] =	wrdreg $0x0  }
0xaa: {  	s7 =	sshll.u32 s28, $0x1;
	[dreg:$0x2] =	wrdreg s5  }
0xab: {  	[dreg:$0x3] =	wrdreg s7  }
0xac: {  	[dreg:$0x4] =	wrdreg $0xC0  }
0xad: {  	_ =	task [dreg:s9], $0x5FFFF  }
0xae: {  	[dreg:$0x1] =	wrdreg $0xFFFFFFFF  }
0xaf: {  	[dreg:$0x0] =	wrdreg $0x60  }
0xb0: {  	[dreg:$0x2] =	wrdreg s2  }
0xb1: {  	[dreg:$0x3] =	wrdreg s24  }
0xb2: {  	[dreg:$0x4] =	wrdreg s18  }
0xb3: {  	[dreg:$0x5] =	wrdreg s4  }
0xb4: {  	[dreg:$0x6] =	wrdreg $0x9  }
0xb5: {  	_ =	task.clear_ibuf [dreg:s9], $0x7FFFF;
	_ =	strace $0x90000046  }
0xb6: {  	s29 =	simm.s32 $0x9;
	_ =	strace $0x80000051  }
0xb7: {  	_ =	swait.ge [sflag:s29], $0x1  }
0xb8: {  	[sflag:s29] =	ssyncadd.s32 $0xFFFFFFFF  }
0xb9: {  	_ =	strace $0x90000051  }
0xba: {  	_ =	sfence  }
0xbb: {  	s30 =	sld [smem:$0x0];
	_ =	sdelay $0x2  }
0xbc: {  	s31 =	sshll.u32 s1, $0xD;
	s1 =	sshrl.u32 s1, $0x2  }
0xbd: {  	s3 =	sand.u32 $0x4000, s31;
	s1 =	sadd.s32 s1, s30  }
0xbe: {  	s0 =	sor.u32 s3, s0;
	s1 =	sshll.u32 s1, $0x11  }
0xbf: {  	s0 =	sor.u32 s1, s0  }
0xc0: {  	s0 =	sadd.s32 $0x8F2B, s0  }
0xc1: {  	[sflag:s0] =	ssyncadd.remote.s32 $0x1  }
0xc2: {  	_ =	sfence.sel $0xFFFF  }
0xc3: {  	[dreg:$0x0] =	wrdreg $0xFFFFFFFF;
	(pc) =	sbr.abs _section_cstart, $3  }
0xc4: {  	[dreg:$0x1] =	wrdreg $0xFFFFFFFF  }
0xc5: {  	_ =	task.clear_ibuf [dreg:s9], $0x2FFFF;
	_ =	strace $0x9FFFFFFF  }
0xc6: {  	(tm) =	ssettm $0x7FFFFFFF  }
0xc7: {  	_ =	shalt  }
tec
execute0_lowered:
.L_overlay_start_1:
0x0: {  	(tag) =	ssettag $0x1  }
0x1: {  	s0 =	srdreg.scid  }
0x2: {  	s0 =	sand.u32 $0x1, s0  }
0x3: {  	s2 =	stileid.u32;
	s1 =	sshll.u32 s0, $0x4  }
0x4: {  	s2 =	sor.u32 s2, s1  }
0x5: {  	s1 =	smul.u32 $0x60, s2;
	_ =	sdelay $0x1  }
0x6: {  	s4 =	sshrl.u32 s1, $0x2  }
0x7: {  	s5 =	smul.u32 $0x2AB, s4;
	_ =	sdelay $0x1  }
0x8: {  	s5 =	sshrl.u32 s5, $0x10  }
0x9: {  	s3 =	rddreg [dreg:$0x0];
	s6 =	smul.u32 $0x60, s5  }
0xa: {  	s8 =	rddreg [dreg:$0x1];
	s12 =	simm.s32 $0x6080  }
0xb: {  	s17 =	simm.s32 $0x1;
	s7 =	sshrl.u32 s2, $0x2;
	s4 =	ssub.s32 s4, s6  }
0xc: {  	s0 =	ssub.s32 $0x2, s0;
	s9 =	smul.u32 $0x540000, s7;
	s4 =	sand.u32 $0xFFF8, s4  }
0xd: {  	s18 =	simm.s32 $0x0;
	s31 =	sshrl.u32 s0, $0x1;
	s4 =	smul.u32 $0xE000, s4  }
0xe: {  	s2 =	smul.u32 $0x180, s2;
	s0 =	ssub.s32 s0, s31;
	s7 =	sadd.s32 $0x1200, s8  }
0xf: {  	s5 =	rddreg [dreg:$0x3];
	s6 =	simm.s32 $0x0;
	s4 =	sadd.s32 s9, s4  }
0x10: {  	s8 =	sadd.s32 $0x400, s8;
	[smem:$0x7FF] =	sst s6;
	s4 =	sshrl.u32 s4, $0x3  }
0x11: {  	_ =	strace $0x80000047;
	[dreg:$0x5] =	wrdreg s8;
	s4 =	sadd.s32 s3, s4  }
0x12: {  	s11 =	smax.u32 s0, $0x1;
	s10 =	sadd.s32 s7, s2;
	[dreg:$0x6] =	wrdreg s4  }
.LBB2_1:
0x13: {  	s0 =	rddreg [dreg:$0x2]  }
0x14: {  	[tilespmem:s6], [sflag:$0x1] =	stream.linear.gather [hbm4b:s0+s6], $0x6080, $0x38;
	[tilespmem:$0x1A200] =	vst v63  }
0x15: {  	_ =	swait.ge [sflag:s17], $0x6080  }
0x16: {  	[sflag:s17] =	ssyncset.done $0x0  }
0x17: {  	s29 =	rddreg [dreg:$0x5];
	[sflag:s17] =	ssyncadd.s32 $0xFFFF9F80  }
0x18: {  	[tilespmem:s12], [sflag:$0x1] =	stream.linear.gather [hbm4b:s29+s6], $0x6080, $0x38;
	[tilespmem:$0x1A200] =	vst v63  }
0x19: {  	_ =	swait.ge [sflag:s17], $0x6080  }
0x1a: {  	s2 =	simm.s32 $0x400;
	[sflag:s17] =	ssyncset.done $0x0  }
0x1b: {  	s4 =	simm.s32 $0x800;
	s8 =	simm.s32 $0xC100;
	[sflag:s17] =	ssyncadd.s32 $0xFFFF9F80  }
0x1c: {  	s31 =	simm.s32 $0x13100;
	s25 =	simm.s32 $0x0;
	_ =	strace $0x80000048  }
0x1d: {  	s19 =	simm.s32 $0x0;
	s20 =	simm.s32 $0x0;
	s30 =	rddreg [dreg:$0x6]  }
0x1e: {  	[tilespmem:s8], [sflag:$0x1] =	stream.strided.gather [hbm4b:s30+s2], $0x3800, s4, s2, $0x200038;
	[tilespmem:$0x1A200] =	vst v63  }
0x1f: {  	s21 =	simm.s32 $0x0;
	s22 =	simm.s32 $0x1;
	s23 =	simm.s32 $0x0  }
0x20: {  	[tilespmem:s31], [sflag:$0x3] =	stream.linear.gather [hbm4b:s10+s6], $0x80, $0x200038;
	[tilespmem:$0x1A200] =	vst v63  }
0x21: {  	s24 =	simm.s32 $0x1;
	s26 =	simm.s32 $0x0;
	_ =	strace $0x90000048  }
.LBB2_2:
0x22: {  	s2 =	smov.u32 s25;
	s13 =	sadd.s32 s1, s25  }
0x23: {  	s25 =	sadd.s32 $0x1, s25;
	s0 =	sshra.s32 s13, $0x1F;
	s4 =	smulhi.u32 $0x2AAAAAAB, s13  }
0x24: {  	p2 =	seq.s32 s25, $0x60;
	s14 =	sshrl.u32 s0, $0x1E;
	s0 =	smul.u32 $0x2AAAAAAB, s0  }
0x25: {  	p0 =	slt.s32 s13, $0x1;
	s25 =	simm.s32 @p2 $0x0;
	s14 =	sadd.s32 s14, s13  }
0x26: {  	s15 =	sand.u32 $0xFFFFFFFC, s14;
	s0 =	sadd.s32 s0, s4;
	s16 =	sshra.s32 s14, $0x2  }
0x27: {  	s14 =	sadd.s32 s1, s25;
	p1 =	sne.s32 s13, s15;
	s4 =	sshrl.u32 s0, $0x1F  }
0x28: {  	s0 =	sshra.s32 s0, $0x6;
	s15 =	simm.s32 $0x1;
	p1 =	por !p0, !p1  }
0x29: {  	s31 =	sshra.s32 s14, $0x1F;
	s28 =	sadd.s32 s4, s0;
	p1 =	por !p1, !p1  }
0x2a: {  	s8 =	sshrl.u32 s31, $0x1E;
	s31 =	smul.u32 $0x2AAAAAAB, s31;
	s15 =	simm.s32 @!p1 $0x0  }
0x2b: {  	s30 =	ssub.s32 $0x0, s13;
	s4 =	smul.u32 $0xFFFFFE80, s28;
	s0 =	ssub.s32 s16, s15  }
0x2c: {  	p4 =	slt.s32 s14, $0x1;
	s15 =	smulhi.u32 $0x2AAAAAAB, s0;
	s29 =	sshra.s32 s0, $0x1F  }
0x2d: {  	p3 =	sne.s32 s4, s30;
	s4 =	sadd.s32 s8, s14;
	s29 =	smul.u32 $0x2AAAAAAB, s29  }
0x2e: {  	s16 =	smulhi.u32 $0x2AAAAAAB, s14;
	p0 =	por !p0, !p3;
	s30 =	sand.u32 $0xFFFFFFFC, s4  }
0x2f: {  	s4 =	sshra.s32 s4, $0x2;
	p5 =	sne.s32 s14, s30;
	s15 =	sadd.s32 s29, s15  }
0x30: {  	p2 =	por !p4, !p5;
	s29 =	sshrl.u32 s15, $0x1F;
	s15 =	sshrl.u32 s15, $0x4  }
0x31: {  	p2 =	por !p2, !p2;
	s15 =	sadd.s32 s29, s15;
	s29 =	simm.s32 $0x1  }
0x32: {  	p1 =	por !p0, !p0;
	s30 =	simm.s32 $0x1;
	s29 =	simm.s32 @!p2 $0x0  }
0x33: {  	s30 =	simm.s32 @!p1 $0x0;
	s15 =	smul.u32 $0x60, s15;
	s4 =	ssub.s32 s4, s29  }
0x34: {  	s28 =	ssub.s32 s28, s30;
	s30 =	smulhi.u32 $0x2AAAAAAB, s4;
	s8 =	sshra.s32 s4, $0x1F  }
0x35: {  	s9 =	sadd.s32 s31, s16;
	s29 =	ssub.s32 s0, s15;
	s8 =	smul.u32 $0x2AAAAAAB, s8  }
0x36: {  	s16 =	sshrl.u32 s9, $0x1F;
	s15 =	sshra.s32 s9, $0x6;
	p1 =	slt.s32 s29, $0x0  }
0x37: {  	s31 =	sadd.s32 $0x60, s29;
	s15 =	sadd.s32 s16, s15;
	s8 =	sadd.s32 s8, s30  }
0x38: {  	s16 =	smul.u32 $0xFFFFFE80, s15;
	s30 =	sshrl.u32 s8, $0x1F;
	s8 =	sshrl.u32 s8, $0x4  }
0x39: {  	s29 =	smov.u32 @p1 s31;
	s31 =	ssub.s32 $0x0, s14;
	s8 =	sadd.s32 s30, s8  }
0x3a: {  	s13 =	sshrl.u32 s13, $0x1;
	p6 =	sne.s32 s16, s31;
	s8 =	smul.u32 $0x60, s8  }
0x3b: {  	s14 =	sshrl.u32 s14, $0x1;
	s31 =	sand.u32 $0x1, s13;
	p0 =	por !p4, !p6  }
0x3c: {  	s13 =	simm.s32 $0x1;
	p0 =	por !p0, !p0;
	s8 =	ssub.s32 s4, s8  }
0x3d: {  	s13 =	simm.s32 @!p0 $0x0;
	p0 =	slt.s32 s8, $0x0;
	s16 =	sadd.s32 $0x60, s8  }
0x3e: {  	s14 =	sand.u32 $0x1, s14;
	s13 =	ssub.s32 s15, s13;
	s8 =	smov.u32 @p0 s16  }
0x3f: {  	s30 =	sand.u32 $0x1, s2;
	p1 =	sne.s32 s28, s13;
	p2 =	sne.s32 s29, s8  }
0x40: {  	p3 =	sne.s32 s31, s14;
	s15 =	sand.u32 $0x1, s25;
	p0 =	por p1, p2  }
0x41: {  	p4 =	sne.s32 s30, s15;
	p0 =	por p3, p0  }
0x42: {  	p5 =	sne.s32 s26, $0x5F;
	p1 =	por p4, p0  }
0x43: {  	p0 =	por !p5, !p1  }
0x44: {  	p3 =	por !p0, !p0  }
0x45: {  	p0 =	sne.s32 s0, s4;
	s14 =	smul.u32 @p3 $0x7000, s14  }
0x46: {  	s16 =	sand.u32 @p3 $0x1, s24;
	s13 =	smul.u32 @p3 $0x540000, s13;
	s15 =	sshll.u32 @p3 s15, $0xA  }
0x47: {  	s8 =	smul.u32 @p3 $0xE000, s8;
	_ =	strace @p3 $0x80000049;
	s14 =	sor.u32 @p3 s15, s14  }
0x48: {  	p2 =	por !p5, !p0;
	s9 =	smul.u32 @p3 $0xE000, s16;
	s13 =	sor.u32 @p3 s13, s14  }
0x49: {  	p4 =	por !p2, !p2;
	s15 =	simm.s32 @p3 $0x800;
	s8 =	sadd.s32 @p3 s8, s13  }
0x4a: {  	s9 =	sshrl.u32 @p3 s9, $0x2;
	s14 =	simm.s32 @p3 $0x400;
	s8 =	sshrl.u32 @p3 s8, $0x3  }
0x4b: {  	s13 =	sadd.s32 @p3 $0x1, s16;
	s9 =	sor.u32 @p3 $0xC100, s9;
	s8 =	sadd.s32 @p3 s3, s8  }
0x4c: {  	[tilespmem:s9], [sflag:s13] =	stream.strided.gather @p3 [hbm4b:s8+s14], $0x3800, s15, s14, $0x200038;
	[tilespmem:$0x1A200] =	vst v63  }
0x4d: {  	s4 =	sshll.u32 @p4 s4, $0x4;
	s8 =	simm.s32 @!p0 $0x0  }
0x4e: {  	p5 =	seq.s32 s2, $0x0;
	s4 =	sand.u32 @p4 $0x1FFFFFF0, s4;
	s8 =	simm.s32 @p0 $0x1  }
0x4f: {  	s4 =	sadd.s32 @p4 s7, s4;
	[smem:$0x7FD] =	sst s8;
	s8 =	sadd.s32 $0xFFFFFFFF, s2  }
0x50: {  	s14 =	simm.s32 @p4 $0x0;
	s2 =	sand.u32 @p4 $0x1, s22;
	s8 =	simm.s32 @p5 $0x5F  }
0x51: {  	_ =	strace @p3 $0x90000049;
	s9 =	sshll.u32 @p4 s2, $0x7;
	s2 =	sadd.s32 @p4 $0x3, s2  }
0x52: {  	_ =	strace @p4 $0x8000004A;
	s13 =	sadd.s32 s1, s8;
	s9 =	sor.u32 @p4 $0x13100, s9  }
0x53: {  	[tilespmem:s9], [sflag:s2] =	stream.linear.gather @p4 [hbm4b:s4+s14], $0x80, $0x200038;
	[tilespmem:$0x1A200] =	vst v63  }
0x54: {  	s16 =	sshra.s32 s13, $0x1F  }
0x55: {  	s9 =	sshrl.u32 s16, $0x1E  }
0x56: {  	s4 =	sadd.s32 s9, s13  }
0x57: {  	s14 =	sand.u32 $0xFFFFFFFC, s4  }
0x58: {  	p2 =	slt.s32 s13, $0x1;
	p6 =	sne.s32 s13, s14  }
0x59: {  	p5 =	por !p2, !p6  }
0x5a: {  	s9 =	simm.s32 $0x1;
	p5 =	por !p5, !p5  }
0x5b: {  	s15 =	smulhi.u32 $0x2AAAAAAB, s13;
	s4 =	sshra.s32 s4, $0x2;
	s9 =	simm.s32 @!p5 $0x0  }
0x5c: {  	s16 =	smul.u32 $0x2AAAAAAB, s16;
	s2 =	ssub.s32 s4, s9  }
0x5d: {  	s4 =	smulhi.u32 $0x2AAAAAAB, s2;
	s9 =	sshra.s32 s2, $0x1F  }
0x5e: {  	s14 =	sadd.s32 s16, s15;
	s9 =	smul.u32 $0x2AAAAAAB, s9  }
0x5f: {  	s15 =	sshrl.u32 s14, $0x1F;
	s14 =	sshra.s32 s14, $0x6  }
0x60: {  	s14 =	sadd.s32 s15, s14;
	s4 =	sadd.s32 s9, s4  }
0x61: {  	s9 =	smul.u32 $0xFFFFFE80, s14;
	s15 =	sshrl.u32 s4, $0x1F;
	s4 =	sshrl.u32 s4, $0x4  }
0x62: {  	s16 =	ssub.s32 $0x0, s13;
	s4 =	sadd.s32 s15, s4  }
0x63: {  	p0 =	sne.s32 s9, s16;
	s4 =	smul.u32 $0x60, s4  }
0x64: {  	p2 =	por !p2, !p0  }
0x65: {  	s9 =	simm.s32 $0x1;
	p2 =	por !p2, !p2;
	s4 =	ssub.s32 s2, s4  }
0x66: {  	s9 =	simm.s32 @!p2 $0x0;
	p2 =	slt.s32 s4, $0x0;
	s15 =	sadd.s32 $0x60, s4  }
0x67: {  	s13 =	sshrl.u32 s13, $0x1;
	s9 =	ssub.s32 s14, s9;
	s4 =	smov.u32 @p2 s15  }
0x68: {  	s13 =	sand.u32 $0x1, s13;
	p5 =	sne.s32 s28, s9;
	p0 =	sne.s32 s29, s4  }
0x69: {  	p6 =	sne.s32 s31, s13;
	s16 =	sand.u32 $0x1, s8;
	p2 =	por p5, p0  }
0x6a: {  	p0 =	sne.s32 s30, s16;
	p2 =	por p6, p2  }
0x6b: {  	p5 =	seq.s32 s26, $0x0;
	p2 =	por p0, p2  }
0x6c: {  	_ =	strace @p4 $0x9000004A;
	s4 =	sand.u32 $0x1, s23;
	p0 =	por p5, p2  }
0x6d: {  	_ =	strace @p0 $0x8000004B;
	s8 =	sadd.s32 @p0 $0x1, s4  }
0x6e: {  	_ =	swait.ge @p0 [sflag:s8], $0x3800  }
0x6f: {  	[sflag:s8] =	ssyncset.done @p0 $0x0  }
0x70: {  	[sflag:s8] =	ssyncadd.s32 @p0 $0xFFFFC800  }
0x71: {  	_ =	strace @p0 $0x9000004B;
	p0 =	seq.s32 @!p5 s0, s2  }
0x72: {  	p0 =	por p5, !p0  }
0x73: {  	s0 =	sand.u32 @p0 $0x1, s21  }
0x74: {  	_ =	strace @p0 $0x8000004C;
	s0 =	sadd.s32 @p0 $0x3, s0  }
0x75: {  	_ =	swait.ge @p0 [sflag:s0], $0x80  }
0x76: {  	[sflag:s0] =	ssyncset.done @p0 $0x0  }
0x77: {  	s2 =	sshll.u32 s21, $0x7;
	[sflag:s0] =	ssyncadd.s32 @p0 $0xFFFFFF80  }
0x78: {  	s8 =	sand.u32 $0x80, s2;
	_ =	strace @p0 $0x9000004C  }
0x79: {  	s0 =	simm.s32 $0xF940;
	p0 =	seq.s32 s4, $0x1;
	_ =	strace $0x8000004D  }
0x7a: {  	s0 =	simm.s32 @!p0 $0xC140;
	v0 =	vld [tilespmem:s8+$0x13100]  }
0x7b: {  	v2 =	vld [tilespmem:s0+$0x30]  }
0x7c: {  	v3 =	vld [tilespmem:s0+$0xFFFFFFD0]  }
0x7d: {  	v4 =	vld [tilespmem:s0+$0xFFFFFFE0]  }
0x7e: {  	v5 =	vld [tilespmem:s0+$0xFFFFFFF0]  }
0x7f: {  	v6 =	vld [tilespmem:s0+$0x0]  }
0x80: {  	v7 =	vld [tilespmem:s0+$0x10]  }
0x81: {  	v9 =	vld [tilespmem:s0+$0xFFFFFFC0]  }
0x82: {  	v10 =	vld [tilespmem:s0+$0x20]  }
0x83: {  	v1 =	vadd.f32 $1.280000000e+02, v0;
	v8 =	vmul.f32 $3.200000000e+01, v2;
	v3 =	vmul.f32 $3.200000000e+01, v3  }
0x84: {  	v4 =	vmul.f32 $3.200000000e+01, v4;
	v2 =	vadd.f32 $2.550000000e+02, v0;
	v5 =	vmul.f32 $3.200000000e+01, v5  }
0x85: {  	v6 =	vmul.f32 $3.200000000e+01, v6;
	v7 =	vmul.f32 $3.200000000e+01, v7;
	v8 =	vadd.f32 v8, v1  }
0x86: {  	v9 =	vmul.f32 $3.200000000e+01, v9;
	v3 =	vadd.f32 v3, v1;
	v4 =	vadd.f32 v4, v1  }
0x87: {  	v12 =	vadd.f32 v6, v1;
	v6 =	vmul.f32 $3.200000000e+01, v10;
	v11 =	vmax.f32 v8, v0  }
0x88: {  	v5 =	vadd.f32 v5, v1;
	v9 =	vadd.f32 v9, v1;
	v11 =	vmin.f32 v11, v2  }
0x89: {  	v13 =	vmax.f32 v4, v0;
	v14 =	vadd.f32 v6, v1;
	v10 =	vtrunc.f32 v11  }
0x8a: {  	v16 =	vmax.f32 v9, v0;
	v11 =	vadd.f32 v7, v1;
	v7 =	vcvt.f32.s32 v10  }
0x8b: {  	v6 =	vmax.f32 v5, v0;
	v17 =	vmax.f32 v12, v0;
	v16 =	vmin.f32 v16, v2  }
0x8c: {  	v13 =	vmin.f32 v13, v2;
	v16 =	vtrunc.f32 v16;
	v15 =	vmin.u32 v7, $0x605F  }
0x8d: {  	v6 =	vmin.f32 v6, v2;
	v17 =	vmin.f32 v17, v2;
	v16 =	vcvt.f32.s32 v16  }
0x8e: {  	v19 =	vmax.f32 v14, v0;
	v13 =	vtrunc.f32 v13;
	v6 =	vtrunc.f32 v6  }
0x8f: {  	v17 =	vtrunc.f32 v17;
	v10 =	vmax.f32 v3, v0;
	v22 =	vmin.u32 v16, $0x605F  }
0x90: {  	v19 =	vmin.f32 v19, v2;
	v13 =	vcvt.f32.s32 v13;
	v6 =	vcvt.f32.s32 v6  }
0x91: {  	s9 =	sadd.s32 $0x80, s0;
	v18 =	vmax.f32 v11, v0;
	v10 =	vmin.f32 v10, v2;
	v19 =	vtrunc.f32 v19;
	v20 =	vld.idx.msk [tilespmem:v15+s12+$0x0], $0xffff  }
0x92: {  	v28 =	vld [tilespmem:s9+$0x0];
	v18 =	vmin.f32 v18, v2;
	v10 =	vtrunc.f32 v10;
	v7 =	vcvt.s32.f32 v7  }
0x93: {  	v16 =	vcvt.s32.f32 v16;
	v18 =	vtrunc.f32 v18;
	v15 =	vld.idx.msk [tilespmem:v15+s6+$0x0], $0xffff  }
0x94: {  	v7 =	vsub.f32 v8, v7;
	v8 =	vcvt.f32.s32 v17;
	v17 =	vcvt.f32.s32 v18;
	v18 =	vld.idx.msk [tilespmem:v22+s12+$0x0], $0xffff  }
0x95: {  	v19 =	vcvt.f32.s32 v19;
	v10 =	vcvt.f32.s32 v10;
	v9 =	vsub.f32 v9, v16;
	v16 =	vld [tilespmem:s9+$0xFFFFFFF0]  }
0x96: {  	v24 =	vmin.u32 v13, $0x605F;
	v25 =	vmin.u32 v6, $0x605F;
	v7 =	vmul.f32 v7, v20;
	v20 =	vld [tilespmem:s9+$0x30]  }
0x97: {  	v13 =	vcvt.s32.f32 v13;
	v39 =	vmin.u32 v19, $0x605F;
	v23 =	vmin.u32 v10, $0x605F;
	v33 =	vld.idx.msk [tilespmem:v22+s6+$0x0], $0xffff  }
0x98: {  	v35 =	vmin.u32 v17, $0x605F;
	v27 =	vcvt.s32.f32 v8;
	v17 =	vcvt.s32.f32 v17  }
0x99: {  	v21 =	vld [tilespmem:s9+$0xFFFFFFD0];
	v18 =	vmul.f32 v9, v18;
	v37 =	vadd.f32 v7, v15;
	v7 =	vcvt.s32.f32 v10  }
0x9a: {  	v9 =	vmul.f32 $3.200000000e+01, v16;
	v10 =	vld [tilespmem:s9+$0xFFFFFFE0];
	v15 =	vcvt.s32.f32 v6;
	v6 =	vsub.f32 v4, v13  }
0x9b: {  	v7 =	vsub.f32 v3, v7;
	v3 =	vcvt.s32.f32 v19;
	v19 =	vmul.f32 $3.200000000e+01, v20  }
0x9c: {  	v16 =	vmul.f32 $3.200000000e+01, v28;
	v13 =	vld [tilespmem:s9+$0x10];
	v4 =	vsub.f32 v11, v17;
	v18 =	vadd.f32 v18, v33  }
0x9d: {  	v26 =	vmin.u32 v8, $0x605F;
	v11 =	vld [tilespmem:s9+$0xFFFFFFC0];
	v8 =	vsub.f32 v5, v15;
	v19 =	vadd.f32 v19, v1  }
0x9e: {  	v5 =	vsub.f32 v12, v27;
	v12 =	vmul.f32 $3.200000000e+01, v21;
	v15 =	vld [tilespmem:s9+$0x20];
	v20 =	vadd.f32 v16, v1  }
0x9f: {  	v3 =	vsub.f32 v14, v3;
	v17 =	vmul.f32 $3.200000000e+01, v10;
	v14 =	vmax.f32 v19, v0  }
0xa0: {  	v10 =	vadd.f32 v12, v1;
	v30 =	vmax.f32 v20, v0;
	v14 =	vmin.f32 v14, v2  }
0xa1: {  	s2 =	sand.u32 $0x1, s20;
	v30 =	vmin.f32 v30, v2;
	v12 =	vadd.f32 v17, v1;
	v14 =	vtrunc.f32 v14  }
0xa2: {  	s16 =	smul.u32 $0xE000, s2;
	v17 =	vmul.f32 $3.200000000e+01, v13;
	v13 =	vadd.f32 v9, v1;
	v27 =	vcvt.f32.s32 v14  }
0xa3: {  	v9 =	vmul.f32 $3.200000000e+01, v15;
	v15 =	vmul.f32 $3.200000000e+01, v11;
	v16 =	vmax.f32 v10, v0  }
0xa4: {  	s0 =	sshrl.u32 s16, $0x2;
	v22 =	vld.idx.msk [tilespmem:v26+s12+$0x0], $0xffff;
	v30 =	vtrunc.f32 v30;
	v38 =	vmin.f32 v16, v2;
	v28 =	vmin.u32 v27, $0x605F  }
0xa5: {  	s13 =	sadd.s32 $0x13240, s0;
	v33 =	vld.idx.msk [tilespmem:v25+s6+$0x0], $0xffff;
	v21 =	vadd.f32 v17, v1;
	v17 =	vmax.f32 v12, v0;
	v9 =	vadd.f32 v9, v1  }
0xa6: {  	[tilespmem:s13+$0xFFFFFFC0] =	vst v18;
	v18 =	vld.idx.msk [tilespmem:v39+s6+$0x0], $0xffff;
	v31 =	vadd.f32 v15, v1;
	v29 =	vmax.f32 v13, v0;
	v38 =	vtrunc.f32 v38  }
0xa7: {  	v11 =	vld.idx.msk [tilespmem:v23+s12+$0x0], $0xffff;
	v17 =	vmin.f32 v17, v2;
	v29 =	vmin.f32 v29, v2;
	v46 =	vcvt.f32.s32 v38  }
0xa8: {  	v16 =	vld.idx.msk [tilespmem:v35+s12+$0x0], $0xffff;
	v32 =	vmax.f32 v21, v0;
	v34 =	vmax.f32 v9, v0;
	v36 =	vmax.f32 v31, v0  }
0xa9: {  	v40 =	vtrunc.f32 v17;
	v42 =	vtrunc.f32 v29;
	v36 =	vmin.f32 v36, v2;
	v41 =	vld.idx.msk [tilespmem:v28+s12+$0x0], $0xffff  }
0xaa: {  	v14 =	vld.idx.msk [tilespmem:v24+s12+$0x0], $0xffff;
	v32 =	vmin.f32 v32, v2;
	v27 =	vcvt.s32.f32 v27;
	v36 =	vtrunc.f32 v36  }
0xab: {  	v29 =	vmin.f32 v34, v2;
	v40 =	vcvt.f32.s32 v40;
	v45 =	vcvt.f32.s32 v36;
	v44 =	vld.idx.msk [tilespmem:v28+s6+$0x0], $0xffff  }
0xac: {  	v17 =	vld.idx.msk [tilespmem:v39+s12+$0x0], $0xffff;
	v47 =	vcvt.f32.s32 v42;
	v39 =	vcvt.s32.f32 v46;
	v19 =	vsub.f32 v19, v27  }
0xad: {  	v34 =	vld.idx.msk [tilespmem:v23+s6+$0x0], $0xffff;
	v43 =	vtrunc.f32 v32;
	v23 =	vtrunc.f32 v29;
	v29 =	vmin.u32 v45, $0x605F  }
0xae: {  	v32 =	vld.idx.msk [tilespmem:v24+s6+$0x0], $0xffff;
	v36 =	vcvt.f32.s32 v30;
	v24 =	vmul.f32 v19, v41  }
0xaf: {  	s4 =	simm.s32 $0x1;
	v15 =	vld.idx.msk [tilespmem:v25+s12+$0x0], $0xffff;
	v27 =	vmin.u32 v46, $0x605F;
	v38 =	vcvt.f32.s32 v43;
	v25 =	vmin.u32 v47, $0x605F  }
0xb0: {  	s14 =	simm.s32 $0x80;
	s4 =	simm.s32 @!p3 $0x0;
	s8 =	simm.s32 $0x1;
	v42 =	vcvt.s32.f32 v40;
	v19 =	vld.idx.msk [tilespmem:v35+s6+$0x0], $0xffff;
	v35 =	vcvt.f32.s32 v23;
	v63 =	vadd.f32 v24, v44  }
0xb1: {  	s24 =	sadd.s32 s4, s24;
	s8 =	simm.s32 @!p4 $0x0;
	s4 =	sadd.s32 $0x80, s13;
	[tilespmem:s13+$0x30] =	vst v37;
	v30 =	vld.idx.msk [tilespmem:v26+s6+$0x0], $0xffff;
	v26 =	vmin.u32 v36, $0x605F;
	v28 =	vmin.u32 v40, $0x605F;
	v41 =	vcvt.s32.f32 v45  }
0xb2: {  	s0 =	sadd.s32 $0x13200, s0;
	s15 =	sadd.s32 $0x80, s9;
	s22 =	sadd.s32 s8, s22;
	v40 =	vcvt.s32.f32 v47;
	v37 =	vld.idx.msk [tilespmem:v29+s12+$0x0], $0xffff;
	v24 =	vmin.u32 v38, $0x605F;
	v23 =	vmin.u32 v35, $0x605F;
	[tilespmem:s4+$0x30] =	vst v63  }
.LBB2_3:
0xb3: {  	v43 =	vld [tilespmem:s15+$0x30];
	s14 =	sadd.s32 $0x80, s14;
	v31 =	vsub.f32 v31, v41;
	v36 =	vcvt.s32.f32 v36;
	v38 =	vcvt.s32.f32 v38  }
0xb4: {  	v10 =	vsub.f32 v10, v39;
	v35 =	vcvt.s32.f32 v35;
	v41 =	vld [tilespmem:s15+$0xFFFFFFD0];
	p3 =	slt.u32 s14, $0x3780;
	v12 =	vsub.f32 v12, v42  }
0xb5: {  	v11 =	vmul.f32 v7, v11;
	v13 =	vsub.f32 v13, v40;
	v39 =	vld [tilespmem:s15+$0xFFFFFFE0];
	v20 =	vsub.f32 v20, v36  }
0xb6: {  	v14 =	vmul.f32 v6, v14;
	v21 =	vsub.f32 v21, v38;
	v9 =	vsub.f32 v9, v35;
	v7 =	vmovc v10;
	v36 =	vld [tilespmem:s15+$0xFFFFFFF0]  }
0xb7: {  	v10 =	vadd.f32 v11, v34;
	v11 =	vmul.f32 v8, v15;
	v15 =	vmul.f32 v5, v22;
	v6 =	vmovc v12;
	v35 =	vld [tilespmem:s15+$0x0]  }
0xb8: {  	v14 =	vadd.f32 v14, v32;
	v8 =	vmovc v13;
	v37 =	vmul.f32 v31, v37;
	v5 =	vmovc v20;
	v22 =	vld [tilespmem:s15+$0x10];
	v12 =	vmul.f32 $3.200000000e+01, v43  }
0xb9: {  	v38 =	vmul.f32 v4, v16;
	v20 =	vadd.f32 v11, v33;
	v4 =	vmovc v21;
	v13 =	vmul.f32 $3.200000000e+01, v41;
	v31 =	vld [tilespmem:s15+$0x20];
	[tilespmem:s13+$0xFFFFFFD0] =	vst v10  }
0xba: {  	v40 =	vmul.f32 v3, v17;
	v3 =	vmovc v9;
	v16 =	vld [tilespmem:s15+$0xFFFFFFC0];
	v21 =	vmul.f32 $3.200000000e+01, v39;
	v39 =	vadd.f32 v12, v1;
	[tilespmem:s13+$0xFFFFFFE0] =	vst v14  }
0xbb: {  	v17 =	vadd.f32 v15, v30;
	v10 =	vadd.f32 v13, v1;
	v9 =	vmul.f32 $3.200000000e+01, v36;
	v11 =	vld.idx.msk [tilespmem:v27+s12+$0x0], $0xffff;
	[tilespmem:s13+$0xFFFFFFF0] =	vst v20  }
0xbc: {  	v12 =	vadd.f32 v21, v1;
	v20 =	vmul.f32 $3.200000000e+01, v35;
	v15 =	vmax.f32 v39, v0;
	v14 =	vld.idx.msk [tilespmem:v28+s12+$0x0], $0xffff  }
0xbd: {  	v13 =	vadd.f32 v9, v1;
	v9 =	vmul.f32 $3.200000000e+01, v22;
	v21 =	vmin.f32 v15, v2;
	v15 =	vld.idx.msk [tilespmem:v25+s12+$0x0], $0xffff;
	[tilespmem:s13+$0x0] =	vst v17  }
0xbe: {  	v20 =	vadd.f32 v20, v1;
	v17 =	vmul.f32 $3.200000000e+01, v31;
	v30 =	vtrunc.f32 v21;
	v22 =	vld.idx.msk [tilespmem:v26+s12+$0x0], $0xffff  }
0xbf: {  	v31 =	vmul.f32 $3.200000000e+01, v16;
	v21 =	vadd.f32 v9, v1;
	v35 =	vcvt.f32.s32 v30;
	v16 =	vld.idx.msk [tilespmem:v24+s12+$0x0], $0xffff  }
0xc0: {  	v32 =	vmax.f32 v12, v0;
	v30 =	vmax.f32 v10, v0;
	v9 =	vadd.f32 v17, v1;
	v17 =	vld.idx.msk [tilespmem:v23+s12+$0x0], $0xffff  }
0xc1: {  	v33 =	vmax.f32 v13, v0;
	v31 =	vadd.f32 v31, v1;
	v36 =	vmin.u32 v35, $0x605F;
	v29 =	vld.idx.msk [tilespmem:v29+s6+$0x0], $0xffff  }
0xc2: {  	v41 =	vmax.f32 v20, v0;
	v42 =	vmax.f32 v21, v0;
	v43 =	vmax.f32 v9, v0;
	v34 =	vld.idx.msk [tilespmem:v27+s6+$0x0], $0xffff  }
0xc3: {  	v45 =	vmin.f32 v32, v2;
	v44 =	vmin.f32 v30, v2;
	v27 =	vmax.f32 v31, v0;
	v32 =	vld.idx.msk [tilespmem:v28+s6+$0x0], $0xffff  }
0xc4: {  	v41 =	vmin.f32 v41, v2;
	v28 =	vmin.f32 v33, v2;
	v27 =	vmin.f32 v27, v2;
	v33 =	vld.idx.msk [tilespmem:v25+s6+$0x0], $0xffff  }
0xc5: {  	v25 =	vtrunc.f32 v27;
	v27 =	vmin.f32 v42, v2;
	v42 =	vmin.f32 v43, v2;
	v30 =	vld.idx.msk [tilespmem:v26+s6+$0x0], $0xffff  }
0xc6: {  	v38 =	vadd.f32 v38, v19;
	v26 =	vtrunc.f32 v44;
	v43 =	vtrunc.f32 v45;
	v44 =	vld.idx.msk [tilespmem:v36+s12+$0x0], $0xffff  }
0xc7: {  	v41 =	vtrunc.f32 v41;
	v28 =	vtrunc.f32 v28;
	v29 =	vadd.f32 v37, v29;
	v19 =	vld.idx.msk [tilespmem:v24+s6+$0x0], $0xffff  }
0xc8: {  	v24 =	vtrunc.f32 v27;
	v27 =	vcvt.s32.f32 v35;
	v35 =	vadd.f32 v40, v18;
	v37 =	vld.idx.msk [tilespmem:v36+s6+$0x0], $0xffff;
	[tilespmem:s13+$0x10] =	vst v38  }
0xc9: {  	v42 =	vtrunc.f32 v42;
	v40 =	vcvt.f32.s32 v25;
	[tilespmem:s4+$0xFFFFFFC0] =	vst v29;
	v18 =	vld.idx.msk [tilespmem:v23+s6+$0x0], $0xffff  }
0xca: {  	v43 =	vcvt.f32.s32 v43;
	v23 =	vcvt.f32.s32 v26;
	v25 =	vsub.f32 v39, v27;
	[tilespmem:s13+$0x20] =	vst v35;
	s13 =	smov.u32 s4  }
0xcb: {  	v45 =	vcvt.f32.s32 v28;
	v36 =	vcvt.f32.s32 v41;
	v29 =	vmin.u32 v40, $0x605F  }
.Ltmp0:
0xcc: {  	v38 =	vcvt.f32.s32 v24;
	v27 =	vmin.u32 v23, $0x605F;
	v39 =	vmul.f32 v25, v44;
	(pc) =	sbr.rel @p3 .LBB2_3-.Ltmp0, $4  }
0xcd: {  	v28 =	vmin.u32 v43, $0x605F;
	v35 =	vcvt.f32.s32 v42;
	v25 =	vmin.u32 v45, $0x605F  }
0xce: {  	v26 =	vmin.u32 v36, $0x605F;
	v24 =	vmin.u32 v38, $0x605F;
	v44 =	vadd.f32 v39, v37  }
0xcf: {  	v41 =	vcvt.s32.f32 v40;
	s4 =	sadd.s32 $0x80, s4;
	v39 =	vcvt.s32.f32 v23;
	v23 =	vmin.u32 v35, $0x605F  }
0xd0: {  	s15 =	sadd.s32 $0x80, s15;
	v40 =	vcvt.s32.f32 v45;
	v42 =	vcvt.s32.f32 v43;
	v37 =	vld.idx.msk [tilespmem:v29+s12+$0x0], $0xffff;
	[tilespmem:s4+$0x30] =	vst v44  }
0xd1: {  	_ =	sdelay $0x3  }
0xd2: {  	v0 =	vld.idx.msk [tilespmem:v27+s12+$0x0], $0xffff  }
0xd3: {  	v1 =	vld.idx.msk [tilespmem:v28+s12+$0x0], $0xffff  }
0xd4: {  	v44 =	vld.idx.msk [tilespmem:v25+s12+$0x0], $0xffff  }
0xd5: {  	v45 =	vld.idx.msk [tilespmem:v26+s12+$0x0], $0xffff  }
0xd6: {  	v46 =	vld.idx.msk [tilespmem:v24+s12+$0x0], $0xffff  }
0xd7: {  	v47 =	vld.idx.msk [tilespmem:v29+s6+$0x0], $0xffff  }
0xd8: {  	v48 =	vld.idx.msk [tilespmem:v23+s12+$0x0], $0xffff  }
0xd9: {  	v7 =	vmul.f32 v7, v11;
	v50 =	vld.idx.msk [tilespmem:v27+s6+$0x0], $0xffff  }
0xda: {  	v2 =	vsub.f32 v31, v41;
	v6 =	vmul.f32 v6, v14;
	v51 =	vld.idx.msk [tilespmem:v28+s6+$0x0], $0xffff  }
0xdb: {  	v10 =	vsub.f32 v10, v39;
	v8 =	vmul.f32 v8, v15;
	v52 =	vld.idx.msk [tilespmem:v25+s6+$0x0], $0xffff;
	v7 =	vadd.f32 v7, v34  }
0xdc: {  	v36 =	vcvt.s32.f32 v36;
	v5 =	vmul.f32 v5, v22;
	v53 =	vld.idx.msk [tilespmem:v26+s6+$0x0], $0xffff;
	v6 =	vadd.f32 v6, v32  }
0xdd: {  	v38 =	vcvt.s32.f32 v38;
	v4 =	vmul.f32 v4, v16;
	v55 =	vld.idx.msk [tilespmem:v24+s6+$0x0], $0xffff;
	v49 =	vadd.f32 v8, v33;
	[tilespmem:s13+$0xFFFFFFD0] =	vst v7  }
0xde: {  	v3 =	vmul.f32 v3, v17;
	v54 =	vcvt.s32.f32 v35;
	v56 =	vld.idx.msk [tilespmem:v23+s6+$0x0], $0xffff;
	v5 =	vadd.f32 v5, v30;
	[tilespmem:s13+$0xFFFFFFE0] =	vst v6  }
0xdf: {  	v12 =	vsub.f32 v12, v42;
	v4 =	vadd.f32 v4, v19;
	v2 =	vmul.f32 v2, v37;
	[tilespmem:s13+$0xFFFFFFF0] =	vst v49  }
0xe0: {  	v13 =	vsub.f32 v13, v40;
	v3 =	vadd.f32 v3, v18;
	[tilespmem:s13+$0x0] =	vst v5;
	v0 =	vmul.f32 v10, v0  }
0xe1: {  	v20 =	vsub.f32 v20, v36;
	[tilespmem:s13+$0x10] =	vst v4;
	v1 =	vmul.f32 v12, v1;
	v2 =	vadd.f32 v2, v47  }
0xe2: {  	v21 =	vsub.f32 v21, v38;
	[tilespmem:s13+$0x20] =	vst v3;
	v57 =	vmul.f32 v13, v44;
	v0 =	vadd.f32 v0, v50  }
0xe3: {  	v58 =	vsub.f32 v9, v54;
	v59 =	vmul.f32 v20, v45;
	v1 =	vadd.f32 v1, v51;
	[tilespmem:s4+$0xFFFFFFC0] =	vst v2  }
0xe4: {  	p3 =	seq.s32 s26, $0x5F;
	v61 =	vmul.f32 v21, v46;
	v60 =	vadd.f32 v57, v52;
	[tilespmem:s4+$0xFFFFFFD0] =	vst v0  }
0xe5: {  	p1 =	por p3, p1;
	v62 =	vmul.f32 v58, v48;
	v3 =	vadd.f32 v59, v53;
	[tilespmem:s4+$0xFFFFFFE0] =	vst v1  }
0xe6: {  	s8 =	smul.u32 @p1 $0x7000, s31;
	v63 =	vadd.f32 v61, v55;
	[tilespmem:s4+$0xFFFFFFF0] =	vst v60  }
0xe7: {  	s9 =	smul.u32 @p1 $0x540000, s28;
	s13 =	sshll.u32 @p1 s30, $0xA;
	[tilespmem:s4+$0x0] =	vst v3;
	v1 =	vadd.f32 v62, v56  }
0xe8: {  	p0 =	sne.s32 s26, $0x0;
	s14 =	smul.u32 @p1 $0xE000, s29;
	s8 =	sor.u32 @p1 s13, s8;
	[tilespmem:s4+$0x10] =	vst v63  }
0xe9: {  	p0 =	por !p0, !p2;
	[tilespmem:s4+$0x20] =	vst v1;
	s4 =	sor.u32 @p1 s9, s8  }
0xea: {  	s2 =	sadd.s32 @p1 $0x5, s2;
	p2 =	por !p0, !p0;
	s4 =	sadd.s32 @p1 s14, s4  }
0xeb: {  	s8 =	simm.s32 @p1 $0x400;
	_ =	strace $0x9000004D;
	s4 =	sshrl.u32 @p1 s4, $0x3  }
0xec: {  	s9 =	simm.s32 @p1 $0x800;
	_ =	strace @p1 $0x8000004E;
	s4 =	sadd.s32 @p1 s5, s4  }
0xed: {  	[hbm4b:s4+s8] =	stream.strided.scatter @p1 [tilespmem:s0], [sflag:s2], $0x3800, s9, s8, $0x200038;
	[tilespmem:$0x1A200] =	vst v63  }
0xee: {  	s0 =	sand.u32 @p2 $0x1, s19;
	_ =	strace @p1 $0x9000004E  }
0xef: {  	s0 =	sadd.s32 @p2 $0x5, s0;
	_ =	strace @p2 $0x8000004F  }
0xf0: {  	_ =	swait.ge @p2 [sflag:s0], $0x3800  }
0xf1: {  	[sflag:s0] =	ssyncset.done @p2 $0x0  }
0xf2: {  	[sflag:s0] =	ssyncadd.s32 @p2 $0xFFFFC800  }
0xf3: {  	_ =	strace @p2 $0x9000004F  }
0xf4: {  	s31 =	sld [smem:$0x7FD];
	_ =	sdelay $0x2  }
0xf5: {  	p6 =	seq.s32 s31, $0x1  }
0xf6: {  	s26 =	sadd.s32 $0x1, s26;
	s4 =	simm.s32 $0x1;
	p0 =	por p3, p6  }
0xf7: {  	s4 =	simm.s32 @!p0 $0x0;
	p0 =	sne.s32 s26, $0x60  }
.Ltmp1:
0xf8: {  	_ = 	snop;
	(pc) =	sbr.rel @p0 .LBB2_2-.Ltmp1, $4  }
0xf9: {  	s2 =	simm.s32 $0x1  }
0xfa: {  	s2 =	simm.s32 @!p1 $0x0;
	s0 =	simm.s32 $0x1  }
0xfb: {  	s20 =	sadd.s32 s2, s20;
	s0 =	simm.s32 @!p2 $0x0  }
0xfc: {  	s23 =	sadd.s32 s2, s23;
	s19 =	sadd.s32 s0, s19;
	s21 =	sadd.s32 s4, s21  }
0xfd: {  	s18 =	sadd.s32 $0x1, s18  }
0xfe: {  	s0 =	sand.u32 $0x1, s19;
	p0 =	sne.s32 s18, s11  }
.Ltmp2:
0xff: {  	_ =	strace $0x80000050;
	s0 =	sadd.s32 $0x5, s0;
	(pc) =	sbr.rel @p0 .LBB2_1-.Ltmp2, $4  }
0x100: {  	_ =	swait.ge [sflag:s0], $0x3800  }
0x101: {  	[sflag:s0] =	ssyncset.done $0x0  }
0x102: {  	[sflag:s0] =	ssyncadd.s32 $0xFFFFC800  }
0x103: {  	_ =	strace $0x90000050  }
0x104: {  	_ =	sfence.sel $0x180000  }
0x105: {  	[bflag:$0x0] =	sbarrier.arrive $0xFFFF  }
0x106: {  	_ =	strace $0x90000047  }
0x107: {  	s0 =	stileid.u32;
	[bflag:$0x2] =	sbarrier.arrive $0xFFFF  }
0x108: {  	p0 =	sne.s32 s0, $0x0;
	s0 =	rddreg [dreg:$0x4]  }
0x109: {  	s0 =	sadd.s32 @!p0 $0x100000, s0  }
0x10a: {  	[sflag:s0] =	ssyncadd.tile.s32 @!p0 $0x1;
	_ =	shalt  }
.Lfunc_end2:
_tile_overlayer_lowered:
.L_overlay_start_2:
0x10b: {  	(tag) =	ssettag $0x2  }
0x10c: {  	s0 =	rddreg [dreg:$0x0];
	s2 =	stileid.u32  }
0x10d: {  	s1 =	rddreg [dreg:$0x1];
	p0 =	sne.s32 s2, $0x0  }
0x10e: {  	s3 =	rddreg [dreg:$0x2];
	[bflag:$0x3] =	sbarrier.arrive $0xFFFF;
	s2 =	simm.s32 @!p0 $0x1C01  }
0x10f: {  	[timem:s3], [sflag:s2] =	dma.local @!p0 [hbm:s0], s1  }
0x110: {  	s0 =	simm.s32 @!p0 $0x1  }
0x111: {  	_ =	swait.ge @!p0 [sflag:s0], s1  }
0x112: {  	s1 =	ssub.s32 @!p0 $0x0, s1;
	[sflag:s0] =	ssyncset.done @!p0 $0x0  }
0x113: {  	[sflag:s0] =	ssyncadd.s32 @!p0 s1  }
0x114: {  	[bflag:$0x3] =	sbarrier.arrive $0xFFFF  }
0x115: {  	_ =	shalt  }

</sc_bundles>
